<compile_context>
chip_gen: v7x
topology: tpu7x:2x2x1
jax: 0.10.2.dev20260603
libtpu: 0.0.44.dev20260713+nightly
codegen_flags: <defaults>
</compile_context>

<pallas_src>
import functools

import jax
import jax.numpy as jnp
from jax import lax
from jax.experimental import pallas as pl
from jax.experimental.pallas import tpu as pltpu
from jax.experimental.pallas import tpu_sc as plsc

N = 10000
E = 160000
D = 256
HALF = 128
NPAD = 10240
EPAD = 163840
BLK = 128
NBLK = EPAD // BLK
ROWS_PER_TILE = NPAD // 16

_mesh = plsc.VectorSubcoreMesh(core_axis_name="c", subcore_axis_name="s")



@functools.partial(
    pl.kernel, mesh=_mesh,
    out_type=jax.ShapeDtypeStruct((2, NPAD), jnp.float32),
    scratch_types=[
        pltpu.VMEM((BLK,), jnp.float32),
        pltpu.VMEM((NBLK // 32, BLK), jnp.int32),
        pltpu.VMEM_SHARED((NPAD,), jnp.float32),
    ],
)
def _sc_deg(dst_hbm, zeros_hbm, ones_hbm, out_hbm, ones_v, dst_all, acc):
    c = lax.axis_index("c")
    s = lax.axis_index("s")
    r0 = pl.multiple_of(s * ROWS_PER_TILE, ROWS_PER_TILE)
    pltpu.sync_copy(zeros_hbm.at[pl.ds(r0, ROWS_PER_TILE)],
                    acc.at[pl.ds(r0, ROWS_PER_TILE)])
    pltpu.sync_copy(ones_hbm, ones_v)
    w = c * 16 + s
    nb = NBLK // 32
    pltpu.sync_copy(dst_hbm.at[pl.ds(w * nb, nb)], dst_all)
    plsc.subcore_barrier()

    def body(i, carry):
        pltpu.sync_copy(ones_v, acc.at[dst_all.at[i]], add=True)
        return carry

    lax.fori_loop(0, nb, body, 0)
    plsc.subcore_barrier()
    pltpu.sync_copy(acc.at[pl.ds(r0, ROWS_PER_TILE)],
                    out_hbm.at[c, pl.ds(r0, ROWS_PER_TILE)])



NRING = 8
NRING_AGG = 2
HB = NBLK // 32

@functools.partial(
    pl.kernel, mesh=_mesh,
    out_type=jax.ShapeDtypeStruct((2, NPAD, HALF), jnp.float32),
    scratch_types=[
        pltpu.VMEM((HB, BLK), jnp.int32),
        pltpu.VMEM((HB, BLK), jnp.int32),
    ] + [pltpu.VMEM((BLK, HALF), jnp.float32) for _ in range(NRING_AGG)]
      + [pltpu.VMEM_SHARED((NPAD, HALF), jnp.float32)]
      + [pltpu.SemaphoreType.DMA for _ in range(NRING_AGG)],
)
def _sc_agg(hs0_hbm, hs1_hbm, src_hbm, dst_hbm, out_hbm,
            src_all, dst_all, r0_v, r1_v, acc, sem0, sem1):
    rows = (r0_v, r1_v)
    sems = (sem0, sem1)
    c = lax.axis_index("c")
    s = lax.axis_index("s")

    def run(table):
        for k in range(ROWS_PER_TILE // BLK):
            r = pl.multiple_of(s * ROWS_PER_TILE + k * BLK, BLK)
            pltpu.sync_copy(table.at[pl.ds(r, BLK)], acc.at[pl.ds(r, BLK)])
        plsc.subcore_barrier()
        for h in range(2):
            base = pl.multiple_of(s * (2 * HB) + h * HB, HB)
            pltpu.sync_copy(src_hbm.at[pl.ds(base, HB)], src_all)
            pltpu.sync_copy(dst_hbm.at[pl.ds(base, HB)], dst_all)
            for b in range(NRING_AGG):
                pltpu.async_copy(table.at[src_all.at[b]], rows[b], sems[b])

            def body(k, carry):
                for b in range(NRING_AGG):
                    j = k * NRING_AGG + b
                    pltpu.make_async_copy(
                        table.at[src_all.at[b]], rows[b], sems[b]).wait()
                    pltpu.sync_copy(rows[b], acc.at[dst_all.at[j]], add=True)

                    @pl.when(j + NRING_AGG < HB)
                    def _():
                        pltpu.async_copy(
                            table.at[src_all.at[j + NRING_AGG]],
                            rows[b], sems[b])
                return carry

            lax.fori_loop(0, HB // NRING_AGG, body, 0)

    @pl.when(c == 0)
    def _():
        run(hs0_hbm)

    @pl.when(c == 1)
    def _():
        run(hs1_hbm)

    plsc.subcore_barrier()
    for k in range(ROWS_PER_TILE // BLK):
        r = pl.multiple_of(s * ROWS_PER_TILE + k * BLK, BLK)
        pltpu.sync_copy(acc.at[pl.ds(r, BLK)], out_hbm.at[c, pl.ds(r, BLK)])



@functools.partial(
    pl.kernel, mesh=_mesh,
    out_type=jax.ShapeDtypeStruct((2, NPAD), jnp.float32),
    scratch_types=[
        pltpu.VMEM((NBLK // 32, BLK), jnp.int32),
        pltpu.VMEM((NBLK // 32, BLK), jnp.int32),
    ] + [pltpu.VMEM((BLK,), jnp.float32) for _ in range(NRING)]
      + [pltpu.VMEM_SHARED((NPAD,), jnp.float32)]
      + [pltpu.SemaphoreType.DMA for _ in range(NRING)],
)
def _sc_agg2(h2s_hbm, src_hbm, dst_hbm, zeros_hbm, out_hbm,
             src_all, dst_all,
             m0_v, m1_v, m2_v, m3_v, m4_v, m5_v, m6_v, m7_v, acc,
             sem0, sem1, sem2, sem3, sem4, sem5, sem6, sem7):
    msgs = (m0_v, m1_v, m2_v, m3_v, m4_v, m5_v, m6_v, m7_v)
    sems = (sem0, sem1, sem2, sem3, sem4, sem5, sem6, sem7)
    c = lax.axis_index("c")
    s = lax.axis_index("s")
    r0 = pl.multiple_of(s * ROWS_PER_TILE, ROWS_PER_TILE)
    pltpu.sync_copy(zeros_hbm.at[pl.ds(r0, ROWS_PER_TILE)],
                    acc.at[pl.ds(r0, ROWS_PER_TILE)])
    w = c * 16 + s
    nb = NBLK // 32
    pltpu.sync_copy(src_hbm.at[pl.ds(w * nb, nb)], src_all)
    pltpu.sync_copy(dst_hbm.at[pl.ds(w * nb, nb)], dst_all)
    plsc.subcore_barrier()
    for b in range(NRING):
        pltpu.async_copy(h2s_hbm.at[src_all.at[b]], msgs[b], sems[b])

    def body(k, carry):
        for b in range(NRING):
            blk = k * NRING + b
            pltpu.make_async_copy(
                h2s_hbm.at[src_all.at[b]], msgs[b], sems[b]).wait()
            pltpu.sync_copy(msgs[b], acc.at[dst_all.at[blk]], add=True)

            @pl.when(blk + NRING < nb)
            def _():
                pltpu.async_copy(
                    h2s_hbm.at[src_all.at[blk + NRING]], msgs[b], sems[b])
        return carry

    lax.fori_loop(0, nb // NRING, body, 0)
    plsc.subcore_barrier()
    pltpu.sync_copy(acc.at[pl.ds(r0, ROWS_PER_TILE)],
                    out_hbm.at[c, pl.ds(r0, ROWS_PER_TILE)])



def _tc1a_body(x_ref, w1_ref, h_ref):
    h_ref[...] = jnp.dot(x_ref[...], w1_ref[...],
                         preferred_element_type=jnp.float32)


def _tc1b_body(h_ref, deg_ref, hs0_ref, hs1_ref, dis_ref):
    d2 = deg_ref[...]
    dis = lax.rsqrt(d2[0] + d2[1] + 1.0)
    hs = h_ref[...] * dis
    hs0_ref[...] = hs[:, :HALF]
    hs1_ref[...] = hs[:, HALF:]
    dis_ref[...] = dis


def _tc2_body(agg0_ref, agg1_ref, dis_ref,
              b1a_ref, b1b_ref, w2a_ref, w2b_ref, h2s_ref):
    dis = dis_ref[...]
    o0 = jnp.maximum(dis * agg0_ref[...][0] + b1a_ref[...], 0.0)
    o1 = jnp.maximum(dis * agg1_ref[...][0] + b1b_ref[...], 0.0)
    h2 = jnp.sum(o0 * w2a_ref[...] + o1 * w2b_ref[...], axis=1, keepdims=True)
    h2s_ref[...] = h2 * dis


def _tc3_body(agg2_ref, h2s_ref, dis_ref, b2_ref, out_ref):
    a = agg2_ref[...]
    out_ref[...] = dis_ref[...] * (a[0] + a[1] + h2s_ref[...]) + b2_ref[...]


RB = 1000


def kernel(x, edge_index, W1, b1, W2, b2):
    ei = edge_index.astype(jnp.int32)
    src_p = jnp.concatenate(
        [ei[0], jnp.zeros((EPAD - E,), jnp.int32)]).reshape(NBLK, BLK)
    dst_p = jnp.concatenate(
        [ei[1], jnp.full((EPAD - E,), N, jnp.int32)]).reshape(NBLK, BLK)
    zeros_1d = jnp.zeros((NPAD,), jnp.float32)
    ones_blk = jnp.ones((BLK,), jnp.float32)

    deg2 = _sc_deg(dst_p, zeros_1d, ones_blk)

    grid = (N // RB,)
    h = pl.pallas_call(
        _tc1a_body,
        grid=grid,
        in_specs=[
            pl.BlockSpec((RB, D), lambda i: (i, 0)),
            pl.BlockSpec((D, D), lambda i: (0, 0)),
        ],
        out_specs=pl.BlockSpec((RB, D), lambda i: (i, 0)),
        out_shape=jax.ShapeDtypeStruct((N, D), jnp.float32),
    )(x, W1)

    hs0, hs1, dis = pl.pallas_call(
        _tc1b_body,
        grid=grid,
        in_specs=[
            pl.BlockSpec((RB, D), lambda i: (i, 0)),
            pl.BlockSpec((2, RB, 1), lambda i: (0, i, 0)),
        ],
        out_specs=[
            pl.BlockSpec((RB, HALF), lambda i: (i, 0)),
            pl.BlockSpec((RB, HALF), lambda i: (i, 0)),
            pl.BlockSpec((RB, 1), lambda i: (i, 0)),
        ],
        out_shape=[
            jax.ShapeDtypeStruct((NPAD, HALF), jnp.float32),
            jax.ShapeDtypeStruct((NPAD, HALF), jnp.float32),
            jax.ShapeDtypeStruct((N, 1), jnp.float32),
        ],
    )(h, deg2.reshape(2, NPAD, 1))

    agg = _sc_agg(hs0, hs1, src_p, dst_p)

    b1r = b1.reshape(1, D)
    w2r = W2.reshape(1, D)
    h2s = pl.pallas_call(
        _tc2_body,
        grid=grid,
        in_specs=[
            pl.BlockSpec((1, RB, HALF), lambda i: (0, i, 0)),
            pl.BlockSpec((1, RB, HALF), lambda i: (1, i, 0)),
            pl.BlockSpec((RB, 1), lambda i: (i, 0)),
            pl.BlockSpec((1, HALF), lambda i: (0, 0)),
            pl.BlockSpec((1, HALF), lambda i: (0, 1)),
            pl.BlockSpec((1, HALF), lambda i: (0, 0)),
            pl.BlockSpec((1, HALF), lambda i: (0, 1)),
        ],
        out_specs=pl.BlockSpec((RB, 1), lambda i: (i, 0)),
        out_shape=jax.ShapeDtypeStruct((N, 1), jnp.float32),
    )(agg, agg, dis, b1r, b1r, w2r, w2r)

    agg2 = _sc_agg2(h2s.reshape(N), src_p, dst_p, zeros_1d)

    out = pl.pallas_call(
        _tc3_body,
        grid=grid,
        in_specs=[
            pl.BlockSpec((2, RB, 1), lambda i: (0, i, 0)),
            pl.BlockSpec((RB, 1), lambda i: (i, 0)),
            pl.BlockSpec((RB, 1), lambda i: (i, 0)),
            pl.BlockSpec((1, 1), lambda i: (0, 0)),
        ],
        out_specs=pl.BlockSpec((RB, 1), lambda i: (i, 0)),
        out_shape=jax.ShapeDtypeStruct((N, 1), jnp.float32),
    )(agg2.reshape(2, NPAD, 1), h2s, dis, b2.reshape(1, 1))
    return out

# --- scband reference (transcript-rebuilt; emitter-appended) ---
"""Pipeline reference for scband-gcn-45543833207334 (READ-ONLY COPY).

The authoritative reference and input builder live on the scoring server;
editing this copy changes nothing except your own understanding.
"""

import jax, jax.numpy as jnp
import numpy as np

N_NODES = 10000
N_EDGES = 160000
D_IN = 256
D_HID = 256
D_OUT = 1


def setup_inputs(seed: int = 0) -> dict:
    key = jax.random.key(seed)
    k1, k2, k3, k4, k5, k6 = jax.random.split(key, 6)
    x = jax.random.normal(k1, (N_NODES, D_IN), dtype=jnp.float32)
    edge_index = jax.random.randint(k2, (2, N_EDGES), 0, N_NODES, dtype=jnp.int64)
    # Glorot-initialized weights like PyG GCNConv; bias zeros
    s1 = float(np.sqrt(6.0 / (D_IN + D_HID)))
    W1 = jax.random.uniform(k3, (D_IN, D_HID), dtype=jnp.float32, minval=-s1, maxval=s1)
    b1 = jnp.zeros((D_HID,), dtype=jnp.float32)
    s2 = float(np.sqrt(6.0 / (D_HID + D_OUT)))
    W2 = jax.random.uniform(k4, (D_HID, D_OUT), dtype=jnp.float32, minval=-s2, maxval=s2)
    b2 = jnp.zeros((D_OUT,), dtype=jnp.float32)
    return {"x": x, "edge_index": edge_index, "W1": W1, "b1": b1, "W2": W2, "b2": b2}


def _gcn_conv(x, src, dst, norm, W, b, num_nodes):
    # x @ W, then normalized scatter-add aggregation over edges (incl. self-loops)
    h = x @ W
    msg = h[src] * norm[:, None]
    out = jnp.zeros((num_nodes, h.shape[1]), dtype=h.dtype).at[dst].add(msg)
    return out + b


def reference(x, edge_index, W1, b1, W2, b2):
    num_nodes = x.shape[0]
    # PyG GCNConv default: add self-loops, symmetric normalization D^-1/2 A D^-1/2
    loop = jnp.arange(num_nodes, dtype=edge_index.dtype)
    src = jnp.concatenate([edge_index[0], loop])
    dst = jnp.concatenate([edge_index[1], loop])
    ones = jnp.ones(src.shape[0], dtype=jnp.float32)
    deg = jnp.zeros((num_nodes,), dtype=jnp.float32).at[dst].add(ones)
    deg_inv_sqrt = jnp.where(deg > 0, jax.lax.rsqrt(deg), 0.0)
    norm = deg_inv_sqrt[src] * deg_inv_sqrt[dst]
    # layer 1 + relu (dropout p=0.0 in eval -> identity)
    h = _gcn_conv(x, src, dst, norm, W1, b1, num_nodes)
    h = jax.nn.relu(h)
    # layer 2 (output)
    out = _gcn_conv(h, src, dst, norm, W2, b2, num_nodes)
    return out

if __name__ == "__main__":
    import jax
    _d = setup_inputs()
    print(jax.jit(kernel)(*tuple(_d.values())))

</pallas_src>

<mosaic_0001>
#map = affine_map<(d0, d1) -> (0, 0)>
#map1 = affine_map<(d0, d1) -> (0)>
module attributes {stable_mosaic.version = 14 : i64} {
  func.func @_sc_deg(%arg0: i32, %arg1: i32, %arg2: memref<1280x128xi32, #tpu.memory_space<hbm>>, %arg3: memref<10240xf32, #tpu.memory_space<hbm>>, %arg4: memref<128xf32, #tpu.memory_space<hbm>>, %arg5: memref<2x10240xf32, #tpu.memory_space<hbm>>, %arg6: memref<128xf32, #tpu.memory_space<vmem>>, %arg7: memref<40x128xi32, #tpu.memory_space<vmem>>, %arg8: memref<10240xf32, #tpu.memory_space<vmem_shared>>) attributes {dimension_semantics = [#tpu.dimension_semantics<core_parallel>, #tpu.dimension_semantics<subcore_parallel>], iteration_bounds = array<i64: 2, 16>, scalar_prefetch = 0 : i64, scratch_operands = 3 : i64, tpu.core_type = #tpu.core_type<sc_vector_subcore>, window_params = [{transform_indices = #map}, {transform_indices = #map1}, {transform_indices = #map1}, {transform_indices = #map}]} {
    %mul3A = arith.constant 640 : i32
    %mul3A_0 = arith.muli %arg1, %mul3A : i32
    %multiple_of3A = tpu.assume_multiple %mul3A_0, 640 : i32
    "tpu.region"() ({
      %run_scoped3A = tpu.sem_alloc : memref<!tpu.dma_semaphore, #tpu.memory_space<semaphore_mem>>
      %dma_start3A = tpu.memref_slice %arg8[%multiple_of3A] : memref<10240xf32, #tpu.memory_space<vmem_shared>> -> memref<640xf32, #tpu.memory_space<vmem_shared>>
      %dma_start3A_11 = tpu.memref_slice %arg3[%multiple_of3A] : memref<10240xf32, #tpu.memory_space<hbm>> -> memref<640xf32, #tpu.memory_space<hbm>>
      tpu.enqueue_dma source(%dma_start3A_11 : memref<640xf32, #tpu.memory_space<hbm>>) target(%dma_start3A : memref<640xf32, #tpu.memory_space<vmem_shared>>) target_semaphore(%run_scoped3A : memref<!tpu.dma_semaphore, #tpu.memory_space<semaphore_mem>>)
      %dma_wait3A = tpu.memref_slice %arg8[%multiple_of3A] : memref<10240xf32, #tpu.memory_space<vmem_shared>> -> memref<640xf32, #tpu.memory_space<vmem_shared>>
      %dma_wait3A_12 = tpu.memref_slice %arg3[%multiple_of3A] : memref<10240xf32, #tpu.memory_space<hbm>> -> memref<640xf32, #tpu.memory_space<hbm>>
      tpu.wait_dma2 semaphore(%run_scoped3A : memref<!tpu.dma_semaphore, #tpu.memory_space<semaphore_mem>>) src(%dma_wait3A_12 : memref<640xf32, #tpu.memory_space<hbm>>) dst(%dma_wait3A : memref<640xf32, #tpu.memory_space<vmem_shared>>)
      tpu.yield
    }) : () -> ()
    "tpu.region"() ({
      %run_scoped3A = tpu.sem_alloc : memref<!tpu.dma_semaphore, #tpu.memory_space<semaphore_mem>>
      tpu.enqueue_dma source(%arg4 : memref<128xf32, #tpu.memory_space<hbm>>) target(%arg6 : memref<128xf32, #tpu.memory_space<vmem>>) target_semaphore(%run_scoped3A : memref<!tpu.dma_semaphore, #tpu.memory_space<semaphore_mem>>)
      tpu.wait_dma2 semaphore(%run_scoped3A : memref<!tpu.dma_semaphore, #tpu.memory_space<semaphore_mem>>) src(%arg4 : memref<128xf32, #tpu.memory_space<hbm>>) dst(%arg6 : memref<128xf32, #tpu.memory_space<vmem>>)
      tpu.yield
    }) : () -> ()
    %mul3A_1 = arith.constant 16 : i32
    %mul3A_2 = arith.muli %arg0, %mul3A_1 : i32
    %add3A = arith.addi %mul3A_2, %arg1 : i32
    %mul3A_3 = arith.constant 40 : i32
    %mul3A_4 = arith.muli %add3A, %mul3A_3 : i32
    "tpu.region"() ({
      %run_scoped3A = tpu.sem_alloc : memref<!tpu.dma_semaphore, #tpu.memory_space<semaphore_mem>>
      %dma_start3A = arith.constant 0 : i32
      %dma_start3A_11 = tpu.memref_slice %arg2[%mul3A_4, %dma_start3A] : memref<1280x128xi32, #tpu.memory_space<hbm>> -> memref<40x128xi32, #tpu.memory_space<hbm>>
      %dma_start3A_12 = arith.constant 0 : i32
      %dma_start3A_13 = tpu.memref_slice %arg2[%mul3A_4, %dma_start3A_12] : memref<1280x128xi32, #tpu.memory_space<hbm>> -> memref<40x128xi32, #tpu.memory_space<hbm>>
      tpu.enqueue_dma source(%dma_start3A_13 : memref<40x128xi32, #tpu.memory_space<hbm>>) target(%arg7 : memref<40x128xi32, #tpu.memory_space<vmem>>) target_semaphore(%run_scoped3A : memref<!tpu.dma_semaphore, #tpu.memory_space<semaphore_mem>>)
      %dma_wait3A = arith.constant 0 : i32
      %dma_wait3A_14 = tpu.memref_slice %arg2[%mul3A_4, %dma_wait3A] : memref<1280x128xi32, #tpu.memory_space<hbm>> -> memref<40x128xi32, #tpu.memory_space<hbm>>
      %dma_wait3A_15 = arith.constant 0 : i32
      %dma_wait3A_16 = tpu.memref_slice %arg2[%mul3A_4, %dma_wait3A_15] : memref<1280x128xi32, #tpu.memory_space<hbm>> -> memref<40x128xi32, #tpu.memory_space<hbm>>
      tpu.wait_dma2 semaphore(%run_scoped3A : memref<!tpu.dma_semaphore, #tpu.memory_space<semaphore_mem>>) src(%dma_wait3A_16 : memref<40x128xi32, #tpu.memory_space<hbm>>) dst(%arg7 : memref<40x128xi32, #tpu.memory_space<vmem>>)
      tpu.yield
    }) : () -> ()
    %barrier3A = arith.constant 0 : index
    tpu.barrier barrier_id(%barrier3A)
    %scan3A = arith.constant 0 : i32
    %scan3A_5 = arith.constant 0 : i32
    %scan3A_6 = arith.constant 40 : i32
    %scan3A_7 = arith.addi %scan3A_5, %scan3A_6 : i32
    %scan3A_8 = arith.constant 1 : i32
    scf.for %scan3A_11 = %scan3A_5 to %scan3A_7 step %scan3A_8  : i32 {
      "tpu.region"() ({
        %run_scoped3A = tpu.sem_alloc : memref<!tpu.dma_semaphore, #tpu.memory_space<semaphore_mem>>
        %dma_start3A = arith.constant 0 : i32
        %dma_start3A_12 = tpu.memref_slice %arg7[%scan3A_11, %dma_start3A] : memref<40x128xi32, #tpu.memory_space<vmem>> -> memref<1x128xi32, #tpu.memory_space<vmem>>
        %dma_start3A_13 = tpu.memref_squeeze %dma_start3A_12 : memref<1x128xi32, #tpu.memory_space<vmem>> -> memref<128xi32, #tpu.memory_space<vmem>>
        %dma_start3A_14 = arith.constant 0 : i32
        %dma_start3A_15 = tpu.memref_slice %arg8[%dma_start3A_14] : memref<10240xf32, #tpu.memory_space<vmem_shared>> -> memref<10240xf32, #tpu.memory_space<vmem_shared>>
        tpu.enqueue_indirect_dma source(%arg6 : memref<128xf32, #tpu.memory_space<vmem>>) target(%dma_start3A_15 : memref<10240xf32, #tpu.memory_space<vmem_shared>>) offsets(%dma_start3A_13 : memref<128xi32, #tpu.memory_space<vmem>>) semaphore(%run_scoped3A : memref<!tpu.dma_semaphore, #tpu.memory_space<semaphore_mem>>) {add = true}
        %dma_wait3A = arith.constant 0 : i32
        %dma_wait3A_16 = tpu.memref_slice %arg7[%scan3A_11, %dma_wait3A] : memref<40x128xi32, #tpu.memory_space<vmem>> -> memref<1x128xi32, #tpu.memory_space<vmem>>
        %dma_wait3A_17 = tpu.memref_squeeze %dma_wait3A_16 : memref<1x128xi32, #tpu.memory_space<vmem>> -> memref<128xi32, #tpu.memory_space<vmem>>
        %dma_wait3A_18 = arith.constant 0 : i32
        %dma_wait3A_19 = tpu.memref_slice %arg8[%dma_wait3A_18] : memref<10240xf32, #tpu.memory_space<vmem_shared>> -> memref<10240xf32, #tpu.memory_space<vmem_shared>>
        tpu.wait_indirect_dma semaphore(%run_scoped3A : memref<!tpu.dma_semaphore, #tpu.memory_space<semaphore_mem>>) src(%arg6 : memref<128xf32, #tpu.memory_space<vmem>>) dst(%dma_wait3A_19 : memref<10240xf32, #tpu.memory_space<vmem_shared>>)
        tpu.yield
      }) : () -> ()
    }
    %scan3A_9 = arith.constant 40 : i32
    %barrier3A_10 = arith.constant 0 : index
    tpu.barrier barrier_id(%barrier3A_10)
    "tpu.region"() ({
      %run_scoped3A = tpu.sem_alloc : memref<!tpu.dma_semaphore, #tpu.memory_space<semaphore_mem>>
      %dma_start3A = tpu.memref_slice %arg5[%arg0, %multiple_of3A] : memref<2x10240xf32, #tpu.memory_space<hbm>> -> memref<1x640xf32, #tpu.memory_space<hbm>>
      %dma_start3A_11 = tpu.memref_squeeze %dma_start3A : memref<1x640xf32, #tpu.memory_space<hbm>> -> memref<640xf32, #tpu.memory_space<hbm>>
      %dma_start3A_12 = tpu.memref_slice %arg8[%multiple_of3A] : memref<10240xf32, #tpu.memory_space<vmem_shared>> -> memref<640xf32, #tpu.memory_space<vmem_shared>>
      tpu.enqueue_dma source(%dma_start3A_12 : memref<640xf32, #tpu.memory_space<vmem_shared>>) target(%dma_start3A_11 : memref<640xf32, #tpu.memory_space<hbm>>) target_semaphore(%run_scoped3A : memref<!tpu.dma_semaphore, #tpu.memory_space<semaphore_mem>>)
      %dma_wait3A = tpu.memref_slice %arg5[%arg0, %multiple_of3A] : memref<2x10240xf32, #tpu.memory_space<hbm>> -> memref<1x640xf32, #tpu.memory_space<hbm>>
      %dma_wait3A_13 = tpu.memref_squeeze %dma_wait3A : memref<1x640xf32, #tpu.memory_space<hbm>> -> memref<640xf32, #tpu.memory_space<hbm>>
      %dma_wait3A_14 = tpu.memref_slice %arg8[%multiple_of3A] : memref<10240xf32, #tpu.memory_space<vmem_shared>> -> memref<640xf32, #tpu.memory_space<vmem_shared>>
      tpu.wait_dma2 semaphore(%run_scoped3A : memref<!tpu.dma_semaphore, #tpu.memory_space<semaphore_mem>>) src(%dma_wait3A_14 : memref<640xf32, #tpu.memory_space<vmem_shared>>) dst(%dma_wait3A_13 : memref<640xf32, #tpu.memory_space<hbm>>)
      tpu.yield
    }) : () -> ()
    return
  }
}

#map = affine_map<(d0, d1) -> (0)>
#map1 = affine_map<(d0, d1) -> (0, 0)>
module attributes {stable_mosaic.version = 14 : i64} {
  func.func @_sc_agg2(%arg0: i32, %arg1: i32, %arg2: memref<10000xf32, #tpu.memory_space<hbm>>, %arg3: memref<1280x128xi32, #tpu.memory_space<hbm>>, %arg4: memref<1280x128xi32, #tpu.memory_space<hbm>>, %arg5: memref<10240xf32, #tpu.memory_space<hbm>>, %arg6: memref<2x10240xf32, #tpu.memory_space<hbm>>, %arg7: memref<40x128xi32, #tpu.memory_space<vmem>>, %arg8: memref<40x128xi32, #tpu.memory_space<vmem>>, %arg9: memref<128xf32, #tpu.memory_space<vmem>>, %arg10: memref<128xf32, #tpu.memory_space<vmem>>, %arg11: memref<128xf32, #tpu.memory_space<vmem>>, %arg12: memref<128xf32, #tpu.memory_space<vmem>>, %arg13: memref<128xf32, #tpu.memory_space<vmem>>, %arg14: memref<128xf32, #tpu.memory_space<vmem>>, %arg15: memref<128xf32, #tpu.memory_space<vmem>>, %arg16: memref<128xf32, #tpu.memory_space<vmem>>, %arg17: memref<10240xf32, #tpu.memory_space<vmem_shared>>, %arg18: memref<!tpu.dma_semaphore, #tpu.memory_space<semaphore_mem>>, %arg19: memref<!tpu.dma_semaphore, #tpu.memory_space<semaphore_mem>>, %arg20: memref<!tpu.dma_semaphore, #tpu.memory_space<semaphore_mem>>, %arg21: memref<!tpu.dma_semaphore, #tpu.memory_space<semaphore_mem>>, %arg22: memref<!tpu.dma_semaphore, #tpu.memory_space<semaphore_mem>>, %arg23: memref<!tpu.dma_semaphore, #tpu.memory_space<semaphore_mem>>, %arg24: memref<!tpu.dma_semaphore, #tpu.memory_space<semaphore_mem>>, %arg25: memref<!tpu.dma_semaphore, #tpu.memory_space<semaphore_mem>>) attributes {dimension_semantics = [#tpu.dimension_semantics<core_parallel>, #tpu.dimension_semantics<subcore_parallel>], iteration_bounds = array<i64: 2, 16>, scalar_prefetch = 0 : i64, scratch_operands = 19 : i64, tpu.core_type = #tpu.core_type<sc_vector_subcore>, window_params = [{transform_indices = #map}, {transform_indices = #map1}, {transform_indices = #map1}, {transform_indices = #map}, {transform_indices = #map1}]} {
    %mul3A = arith.constant 640 : i32
    %mul3A_0 = arith.muli %arg1, %mul3A : i32
    %multiple_of3A = tpu.assume_multiple %mul3A_0, 640 : i32
    "tpu.region"() ({
      %run_scoped3A = tpu.sem_alloc : memref<!tpu.dma_semaphore, #tpu.memory_space<semaphore_mem>>
      %dma_start3A_60 = tpu.memref_slice %arg17[%multiple_of3A] : memref<10240xf32, #tpu.memory_space<vmem_shared>> -> memref<640xf32, #tpu.memory_space<vmem_shared>>
      %dma_start3A_61 = tpu.memref_slice %arg5[%multiple_of3A] : memref<10240xf32, #tpu.memory_space<hbm>> -> memref<640xf32, #tpu.memory_space<hbm>>
      tpu.enqueue_dma source(%dma_start3A_61 : memref<640xf32, #tpu.memory_space<hbm>>) target(%dma_start3A_60 : memref<640xf32, #tpu.memory_space<vmem_shared>>) target_semaphore(%run_scoped3A : memref<!tpu.dma_semaphore, #tpu.memory_space<semaphore_mem>>)
      %dma_wait3A = tpu.memref_slice %arg17[%multiple_of3A] : memref<10240xf32, #tpu.memory_space<vmem_shared>> -> memref<640xf32, #tpu.memory_space<vmem_shared>>
      %dma_wait3A_62 = tpu.memref_slice %arg5[%multiple_of3A] : memref<10240xf32, #tpu.memory_space<hbm>> -> memref<640xf32, #tpu.memory_space<hbm>>
      tpu.wait_dma2 semaphore(%run_scoped3A : memref<!tpu.dma_semaphore, #tpu.memory_space<semaphore_mem>>) src(%dma_wait3A_62 : memref<640xf32, #tpu.memory_space<hbm>>) dst(%dma_wait3A : memref<640xf32, #tpu.memory_space<vmem_shared>>)
      tpu.yield
    }) : () -> ()
    %mul3A_1 = arith.constant 16 : i32
    %mul3A_2 = arith.muli %arg0, %mul3A_1 : i32
    %add3A = arith.addi %mul3A_2, %arg1 : i32
    %mul3A_3 = arith.constant 40 : i32
    %mul3A_4 = arith.muli %add3A, %mul3A_3 : i32
    "tpu.region"() ({
      %run_scoped3A = tpu.sem_alloc : memref<!tpu.dma_semaphore, #tpu.memory_space<semaphore_mem>>
      %dma_start3A_60 = arith.constant 0 : i32
      %dma_start3A_61 = tpu.memref_slice %arg3[%mul3A_4, %dma_start3A_60] : memref<1280x128xi32, #tpu.memory_space<hbm>> -> memref<40x128xi32, #tpu.memory_space<hbm>>
      %dma_start3A_62 = arith.constant 0 : i32
      %dma_start3A_63 = tpu.memref_slice %arg3[%mul3A_4, %dma_start3A_62] : memref<1280x128xi32, #tpu.memory_space<hbm>> -> memref<40x128xi32, #tpu.memory_space<hbm>>
      tpu.enqueue_dma source(%dma_start3A_63 : memref<40x128xi32, #tpu.memory_space<hbm>>) target(%arg7 : memref<40x128xi32, #tpu.memory_space<vmem>>) target_semaphore(%run_scoped3A : memref<!tpu.dma_semaphore, #tpu.memory_space<semaphore_mem>>)
      %dma_wait3A = arith.constant 0 : i32
      %dma_wait3A_64 = tpu.memref_slice %arg3[%mul3A_4, %dma_wait3A] : memref<1280x128xi32, #tpu.memory_space<hbm>> -> memref<40x128xi32, #tpu.memory_space<hbm>>
      %dma_wait3A_65 = arith.constant 0 : i32
      %dma_wait3A_66 = tpu.memref_slice %arg3[%mul3A_4, %dma_wait3A_65] : memref<1280x128xi32, #tpu.memory_space<hbm>> -> memref<40x128xi32, #tpu.memory_space<hbm>>
      tpu.wait_dma2 semaphore(%run_scoped3A : memref<!tpu.dma_semaphore, #tpu.memory_space<semaphore_mem>>) src(%dma_wait3A_66 : memref<40x128xi32, #tpu.memory_space<hbm>>) dst(%arg7 : memref<40x128xi32, #tpu.memory_space<vmem>>)
      tpu.yield
    }) : () -> ()
    %mul3A_5 = arith.constant 40 : i32
    %mul3A_6 = arith.muli %add3A, %mul3A_5 : i32
    "tpu.region"() ({
      %run_scoped3A = tpu.sem_alloc : memref<!tpu.dma_semaphore, #tpu.memory_space<semaphore_mem>>
      %dma_start3A_60 = arith.constant 0 : i32
      %dma_start3A_61 = tpu.memref_slice %arg4[%mul3A_6, %dma_start3A_60] : memref<1280x128xi32, #tpu.memory_space<hbm>> -> memref<40x128xi32, #tpu.memory_space<hbm>>
      %dma_start3A_62 = arith.constant 0 : i32
      %dma_start3A_63 = tpu.memref_slice %arg4[%mul3A_6, %dma_start3A_62] : memref<1280x128xi32, #tpu.memory_space<hbm>> -> memref<40x128xi32, #tpu.memory_space<hbm>>
      tpu.enqueue_dma source(%dma_start3A_63 : memref<40x128xi32, #tpu.memory_space<hbm>>) target(%arg8 : memref<40x128xi32, #tpu.memory_space<vmem>>) target_semaphore(%run_scoped3A : memref<!tpu.dma_semaphore, #tpu.memory_space<semaphore_mem>>)
      %dma_wait3A = arith.constant 0 : i32
      %dma_wait3A_64 = tpu.memref_slice %arg4[%mul3A_6, %dma_wait3A] : memref<1280x128xi32, #tpu.memory_space<hbm>> -> memref<40x128xi32, #tpu.memory_space<hbm>>
      %dma_wait3A_65 = arith.constant 0 : i32
      %dma_wait3A_66 = tpu.memref_slice %arg4[%mul3A_6, %dma_wait3A_65] : memref<1280x128xi32, #tpu.memory_space<hbm>> -> memref<40x128xi32, #tpu.memory_space<hbm>>
      tpu.wait_dma2 semaphore(%run_scoped3A : memref<!tpu.dma_semaphore, #tpu.memory_space<semaphore_mem>>) src(%dma_wait3A_66 : memref<40x128xi32, #tpu.memory_space<hbm>>) dst(%arg8 : memref<40x128xi32, #tpu.memory_space<vmem>>)
      tpu.yield
    }) : () -> ()
    %barrier3A = arith.constant 0 : index
    tpu.barrier barrier_id(%barrier3A)
    %dma_start3A = arith.constant 0 : i32
    %dma_start3A_7 = arith.constant 0 : i32
    %dma_start3A_8 = tpu.memref_slice %arg7[%dma_start3A, %dma_start3A_7] : memref<40x128xi32, #tpu.memory_space<vmem>> -> memref<1x128xi32, #tpu.memory_space<vmem>>
    %dma_start3A_9 = tpu.memref_squeeze %dma_start3A_8 : memref<1x128xi32, #tpu.memory_space<vmem>> -> memref<128xi32, #tpu.memory_space<vmem>>
    %dma_start3A_10 = arith.constant 0 : i32
    %dma_start3A_11 = tpu.memref_slice %arg2[%dma_start3A_10] : memref<10000xf32, #tpu.memory_space<hbm>> -> memref<10000xf32, #tpu.memory_space<hbm>>
    tpu.enqueue_indirect_dma source(%dma_start3A_11 : memref<10000xf32, #tpu.memory_space<hbm>>) target(%arg9 : memref<128xf32, #tpu.memory_space<vmem>>) offsets(%dma_start3A_9 : memref<128xi32, #tpu.memory_space<vmem>>) semaphore(%arg18 : memref<!tpu.dma_semaphore, #tpu.memory_space<semaphore_mem>>)
    %dma_start3A_12 = arith.constant 1 : i32
    %dma_start3A_13 = arith.constant 0 : i32
    %dma_start3A_14 = tpu.memref_slice %arg7[%dma_start3A_12, %dma_start3A_13] : memref<40x128xi32, #tpu.memory_space<vmem>> -> memref<1x128xi32, #tpu.memory_space<vmem>>
    %dma_start3A_15 = tpu.memref_squeeze %dma_start3A_14 : memref<1x128xi32, #tpu.memory_space<vmem>> -> memref<128xi32, #tpu.memory_space<vmem>>
    %dma_start3A_16 = arith.constant 0 : i32
    %dma_start3A_17 = tpu.memref_slice %arg2[%dma_start3A_16] : memref<10000xf32, #tpu.memory_space<hbm>> -> memref<10000xf32, #tpu.memory_space<hbm>>
    tpu.enqueue_indirect_dma source(%dma_start3A_17 : memref<10000xf32, #tpu.memory_space<hbm>>) target(%arg10 : memref<128xf32, #tpu.memory_space<vmem>>) offsets(%dma_start3A_15 : memref<128xi32, #tpu.memory_space<vmem>>) semaphore(%arg19 : memref<!tpu.dma_semaphore, #tpu.memory_space<semaphore_mem>>)
    %dma_start3A_18 = arith.constant 2 : i32
    %dma_start3A_19 = arith.constant 0 : i32
    %dma_start3A_20 = tpu.memref_slice %arg7[%dma_start3A_18, %dma_start3A_19] : memref<40x128xi32, #tpu.memory_space<vmem>> -> memref<1x128xi32, #tpu.memory_space<vmem>>
    %dma_start3A_21 = tpu.memref_squeeze %dma_start3A_20 : memref<1x128xi32, #tpu.memory_space<vmem>> -> memref<128xi32, #tpu.memory_space<vmem>>
    %dma_start3A_22 = arith.constant 0 : i32
    %dma_start3A_23 = tpu.memref_slice %arg2[%dma_start3A_22] : memref<10000xf32, #tpu.memory_space<hbm>> -> memref<10000xf32, #tpu.memory_space<hbm>>
    tpu.enqueue_indirect_dma source(%dma_start3A_23 : memref<10000xf32, #tpu.memory_space<hbm>>) target(%arg11 : memref<128xf32, #tpu.memory_space<vmem>>) offsets(%dma_start3A_21 : memref<128xi32, #tpu.memory_space<vmem>>) semaphore(%arg20 : memref<!tpu.dma_semaphore, #tpu.memory_space<semaphore_mem>>)
    %dma_start3A_24 = arith.constant 3 : i32
    %dma_start3A_25 = arith.constant 0 : i32
    %dma_start3A_26 = tpu.memref_slice %arg7[%dma_start3A_24, %dma_start3A_25] : memref<40x128xi32, #tpu.memory_space<vmem>> -> memref<1x128xi32, #tpu.memory_space<vmem>>
    %dma_start3A_27 = tpu.memref_squeeze %dma_start3A_26 : memref<1x128xi32, #tpu.memory_space<vmem>> -> memref<128xi32, #tpu.memory_space<vmem>>
    %dma_start3A_28 = arith.constant 0 : i32
    %dma_start3A_29 = tpu.memref_slice %arg2[%dma_start3A_28] : memref<10000xf32, #tpu.memory_space<hbm>> -> memref<10000xf32, #tpu.memory_space<hbm>>
    tpu.enqueue_indirect_dma source(%dma_start3A_29 : memref<10000xf32, #tpu.memory_space<hbm>>) target(%arg12 : memref<128xf32, #tpu.memory_space<vmem>>) offsets(%dma_start3A_27 : memref<128xi32, #tpu.memory_space<vmem>>) semaphore(%arg21 : memref<!tpu.dma_semaphore, #tpu.memory_space<semaphore_mem>>)
    %dma_start3A_30 = arith.constant 4 : i32
    %dma_start3A_31 = arith.constant 0 : i32
    %dma_start3A_32 = tpu.memref_slice %arg7[%dma_start3A_30, %dma_start3A_31] : memref<40x128xi32, #tpu.memory_space<vmem>> -> memref<1x128xi32, #tpu.memory_space<vmem>>
    %dma_start3A_33 = tpu.memref_squeeze %dma_start3A_32 : memref<1x128xi32, #tpu.memory_space<vmem>> -> memref<128xi32, #tpu.memory_space<vmem>>
    %dma_start3A_34 = arith.constant 0 : i32
    %dma_start3A_35 = tpu.memref_slice %arg2[%dma_start3A_34] : memref<10000xf32, #tpu.memory_space<hbm>> -> memref<10000xf32, #tpu.memory_space<hbm>>
    tpu.enqueue_indirect_dma source(%dma_start3A_35 : memref<10000xf32, #tpu.memory_space<hbm>>) target(%arg13 : memref<128xf32, #tpu.memory_space<vmem>>) offsets(%dma_start3A_33 : memref<128xi32, #tpu.memory_space<vmem>>) semaphore(%arg22 : memref<!tpu.dma_semaphore, #tpu.memory_space<semaphore_mem>>)
    %dma_start3A_36 = arith.constant 5 : i32
    %dma_start3A_37 = arith.constant 0 : i32
    %dma_start3A_38 = tpu.memref_slice %arg7[%dma_start3A_36, %dma_start3A_37] : memref<40x128xi32, #tpu.memory_space<vmem>> -> memref<1x128xi32, #tpu.memory_space<vmem>>
    %dma_start3A_39 = tpu.memref_squeeze %dma_start3A_38 : memref<1x128xi32, #tpu.memory_space<vmem>> -> memref<128xi32, #tpu.memory_space<vmem>>
    %dma_start3A_40 = arith.constant 0 : i32
    %dma_start3A_41 = tpu.memref_slice %arg2[%dma_start3A_40] : memref<10000xf32, #tpu.memory_space<hbm>> -> memref<10000xf32, #tpu.memory_space<hbm>>
    tpu.enqueue_indirect_dma source(%dma_start3A_41 : memref<10000xf32, #tpu.memory_space<hbm>>) target(%arg14 : memref<128xf32, #tpu.memory_space<vmem>>) offsets(%dma_start3A_39 : memref<128xi32, #tpu.memory_space<vmem>>) semaphore(%arg23 : memref<!tpu.dma_semaphore, #tpu.memory_space<semaphore_mem>>)
    %dma_start3A_42 = arith.constant 6 : i32
    %dma_start3A_43 = arith.constant 0 : i32
    %dma_start3A_44 = tpu.memref_slice %arg7[%dma_start3A_42, %dma_start3A_43] : memref<40x128xi32, #tpu.memory_space<vmem>> -> memref<1x128xi32, #tpu.memory_space<vmem>>
    %dma_start3A_45 = tpu.memref_squeeze %dma_start3A_44 : memref<1x128xi32, #tpu.memory_space<vmem>> -> memref<128xi32, #tpu.memory_space<vmem>>
    %dma_start3A_46 = arith.constant 0 : i32
    %dma_start3A_47 = tpu.memref_slice %arg2[%dma_start3A_46] : memref<10000xf32, #tpu.memory_space<hbm>> -> memref<10000xf32, #tpu.memory_space<hbm>>
    tpu.enqueue_indirect_dma source(%dma_start3A_47 : memref<10000xf32, #tpu.memory_space<hbm>>) target(%arg15 : memref<128xf32, #tpu.memory_space<vmem>>) offsets(%dma_start3A_45 : memref<128xi32, #tpu.memory_space<vmem>>) semaphore(%arg24 : memref<!tpu.dma_semaphore, #tpu.memory_space<semaphore_mem>>)
    %dma_start3A_48 = arith.constant 7 : i32
    %dma_start3A_49 = arith.constant 0 : i32
    %dma_start3A_50 = tpu.memref_slice %arg7[%dma_start3A_48, %dma_start3A_49] : memref<40x128xi32, #tpu.memory_space<vmem>> -> memref<1x128xi32, #tpu.memory_space<vmem>>
    %dma_start3A_51 = tpu.memref_squeeze %dma_start3A_50 : memref<1x128xi32, #tpu.memory_space<vmem>> -> memref<128xi32, #tpu.memory_space<vmem>>
    %dma_start3A_52 = arith.constant 0 : i32
    %dma_start3A_53 = tpu.memref_slice %arg2[%dma_start3A_52] : memref<10000xf32, #tpu.memory_space<hbm>> -> memref<10000xf32, #tpu.memory_space<hbm>>
    tpu.enqueue_indirect_dma source(%dma_start3A_53 : memref<10000xf32, #tpu.memory_space<hbm>>) target(%arg16 : memref<128xf32, #tpu.memory_space<vmem>>) offsets(%dma_start3A_51 : memref<128xi32, #tpu.memory_space<vmem>>) semaphore(%arg25 : memref<!tpu.dma_semaphore, #tpu.memory_space<semaphore_mem>>)
    %scan3A = arith.constant 0 : i32
    %scan3A_54 = arith.constant 0 : i32
    %scan3A_55 = arith.constant 5 : i32
    %scan3A_56 = arith.addi %scan3A_54, %scan3A_55 : i32
    %scan3A_57 = arith.constant 1 : i32
    scf.for %scan3A_60 = %scan3A_54 to %scan3A_56 step %scan3A_57  : i32 {
      %mul3A_61 = arith.constant 8 : i32
      %mul3A_62 = arith.muli %scan3A_60, %mul3A_61 : i32
      %add3A_63 = arith.constant 0 : i32
      %add3A_64 = arith.addi %mul3A_62, %add3A_63 : i32
      %dma_wait3A = arith.constant 0 : i32
      %dma_wait3A_65 = arith.constant 0 : i32
      %dma_wait3A_66 = tpu.memref_slice %arg7[%dma_wait3A, %dma_wait3A_65] : memref<40x128xi32, #tpu.memory_space<vmem>> -> memref<1x128xi32, #tpu.memory_space<vmem>>
      %dma_wait3A_67 = tpu.memref_squeeze %dma_wait3A_66 : memref<1x128xi32, #tpu.memory_space<vmem>> -> memref<128xi32, #tpu.memory_space<vmem>>
      %dma_wait3A_68 = arith.constant 0 : i32
      %dma_wait3A_69 = tpu.memref_slice %arg2[%dma_wait3A_68] : memref<10000xf32, #tpu.memory_space<hbm>> -> memref<10000xf32, #tpu.memory_space<hbm>>
      tpu.wait_indirect_dma semaphore(%arg18 : memref<!tpu.dma_semaphore, #tpu.memory_space<semaphore_mem>>) src(%dma_wait3A_69 : memref<10000xf32, #tpu.memory_space<hbm>>) dst(%arg9 : memref<128xf32, #tpu.memory_space<vmem>>)
      "tpu.region"() ({
        %run_scoped3A = tpu.sem_alloc : memref<!tpu.dma_semaphore, #tpu.memory_space<semaphore_mem>>
        %dma_start3A_193 = arith.constant 0 : i32
        %dma_start3A_194 = tpu.memref_slice %arg8[%add3A_64, %dma_start3A_193] : memref<40x128xi32, #tpu.memory_space<vmem>> -> memref<1x128xi32, #tpu.memory_space<vmem>>
        %dma_start3A_195 = tpu.memref_squeeze %dma_start3A_194 : memref<1x128xi32, #tpu.memory_space<vmem>> -> memref<128xi32, #tpu.memory_space<vmem>>
        %dma_start3A_196 = arith.constant 0 : i32
        %dma_start3A_197 = tpu.memref_slice %arg17[%dma_start3A_196] : memref<10240xf32, #tpu.memory_space<vmem_shared>> -> memref<10240xf32, #tpu.memory_space<vmem_shared>>
        tpu.enqueue_indirect_dma source(%arg9 : memref<128xf32, #tpu.memory_space<vmem>>) target(%dma_start3A_197 : memref<10240xf32, #tpu.memory_space<vmem_shared>>) offsets(%dma_start3A_195 : memref<128xi32, #tpu.memory_space<vmem>>) semaphore(%run_scoped3A : memref<!tpu.dma_semaphore, #tpu.memory_space<semaphore_mem>>) {add = true}
        %dma_wait3A_198 = arith.constant 0 : i32
        %dma_wait3A_199 = tpu.memref_slice %arg8[%add3A_64, %dma_wait3A_198] : memref<40x128xi32, #tpu.memory_space<vmem>> -> memref<1x128xi32, #tpu.memory_space<vmem>>
        %dma_wait3A_200 = tpu.memref_squeeze %dma_wait3A_199 : memref<1x128xi32, #tpu.memory_space<vmem>> -> memref<128xi32, #tpu.memory_space<vmem>>
        %dma_wait3A_201 = arith.constant 0 : i32
        %dma_wait3A_202 = tpu.memref_slice %arg17[%dma_wait3A_201] : memref<10240xf32, #tpu.memory_space<vmem_shared>> -> memref<10240xf32, #tpu.memory_space<vmem_shared>>
        tpu.wait_indirect_dma semaphore(%run_scoped3A : memref<!tpu.dma_semaphore, #tpu.memory_space<semaphore_mem>>) src(%arg9 : memref<128xf32, #tpu.memory_space<vmem>>) dst(%dma_wait3A_202 : memref<10240xf32, #tpu.memory_space<vmem_shared>>)
        tpu.yield
      }) : () -> ()
      %add3A_70 = arith.constant 8 : i32
      %add3A_71 = arith.addi %add3A_64, %add3A_70 : i32
      %lt3A = arith.constant 40 : i32
      %lt3A_72 = arith.cmpi slt, %add3A_71, %lt3A : i32
      %convert_element_type3A = arith.extui %lt3A_72 : i1 to i32
      %cond3A = arith.constant 0 : i32
      %cond3A_73 = arith.cmpi ne, %convert_element_type3A, %cond3A : i32
      scf.if %cond3A_73 {
        %add3A_193 = arith.constant 8 : i32
        %add3A_194 = arith.addi %add3A_64, %add3A_193 : i32
        %dma_start3A_195 = arith.constant 0 : i32
        %dma_start3A_196 = tpu.memref_slice %arg7[%add3A_194, %dma_start3A_195] : memref<40x128xi32, #tpu.memory_space<vmem>> -> memref<1x128xi32, #tpu.memory_space<vmem>>
        %dma_start3A_197 = tpu.memref_squeeze %dma_start3A_196 : memref<1x128xi32, #tpu.memory_space<vmem>> -> memref<128xi32, #tpu.memory_space<vmem>>
        %dma_start3A_198 = arith.constant 0 : i32
        %dma_start3A_199 = tpu.memref_slice %arg2[%dma_start3A_198] : memref<10000xf32, #tpu.memory_space<hbm>> -> memref<10000xf32, #tpu.memory_space<hbm>>
        tpu.enqueue_indirect_dma source(%dma_start3A_199 : memref<10000xf32, #tpu.memory_space<hbm>>) target(%arg9 : memref<128xf32, #tpu.memory_space<vmem>>) offsets(%dma_start3A_197 : memref<128xi32, #tpu.memory_space<vmem>>) semaphore(%arg18 : memref<!tpu.dma_semaphore, #tpu.memory_space<semaphore_mem>>)
      } else {
      }
      %mul3A_74 = arith.constant 8 : i32
      %mul3A_75 = arith.muli %scan3A_60, %mul3A_74 : i32
      %add3A_76 = arith.constant 1 : i32
      %add3A_77 = arith.addi %mul3A_75, %add3A_76 : i32
      %dma_wait3A_78 = arith.constant 1 : i32
      %dma_wait3A_79 = arith.constant 0 : i32
      %dma_wait3A_80 = tpu.memref_slice %arg7[%dma_wait3A_78, %dma_wait3A_79] : memref<40x128xi32, #tpu.memory_space<vmem>> -> memref<1x128xi32, #tpu.memory_space<vmem>>
      %dma_wait3A_81 = tpu.memref_squeeze %dma_wait3A_80 : memref<1x128xi32, #tpu.memory_space<vmem>> -> memref<128xi32, #tpu.memory_space<vmem>>
      %dma_wait3A_82 = arith.constant 0 : i32
      %dma_wait3A_83 = tpu.memref_slice %arg2[%dma_wait3A_82] : memref<10000xf32, #tpu.memory_space<hbm>> -> memref<10000xf32, #tpu.memory_space<hbm>>
      tpu.wait_indirect_dma semaphore(%arg19 : memref<!tpu.dma_semaphore, #tpu.memory_space<semaphore_mem>>) src(%dma_wait3A_83 : memref<10000xf32, #tpu.memory_space<hbm>>) dst(%arg10 : memref<128xf32, #tpu.memory_space<vmem>>)
      "tpu.region"() ({
        %run_scoped3A = tpu.sem_alloc : memref<!tpu.dma_semaphore, #tpu.memory_space<semaphore_mem>>
        %dma_start3A_193 = arith.constant 0 : i32
        %dma_start3A_194 = tpu.memref_slice %arg8[%add3A_77, %dma_start3A_193] : memref<40x128xi32, #tpu.memory_space<vmem>> -> memref<1x128xi32, #tpu.memory_space<vmem>>
        %dma_start3A_195 = tpu.memref_squeeze %dma_start3A_194 : memref<1x128xi32, #tpu.memory_space<vmem>> -> memref<128xi32, #tpu.memory_space<vmem>>
        %dma_start3A_196 = arith.constant 0 : i32
        %dma_start3A_197 = tpu.memref_slice %arg17[%dma_start3A_196] : memref<10240xf32, #tpu.memory_space<vmem_shared>> -> memref<10240xf32, #tpu.memory_space<vmem_shared>>
        tpu.enqueue_indirect_dma source(%arg10 : memref<128xf32, #tpu.memory_space<vmem>>) target(%dma_start3A_197 : memref<10240xf32, #tpu.memory_space<vmem_shared>>) offsets(%dma_start3A_195 : memref<128xi32, #tpu.memory_space<vmem>>) semaphore(%run_scoped3A : memref<!tpu.dma_semaphore, #tpu.memory_space<semaphore_mem>>) {add = true}
        %dma_wait3A_198 = arith.constant 0 : i32
        %dma_wait3A_199 = tpu.memref_slice %arg8[%add3A_77, %dma_wait3A_198] : memref<40x128xi32, #tpu.memory_space<vmem>> -> memref<1x128xi32, #tpu.memory_space<vmem>>
        %dma_wait3A_200 = tpu.memref_squeeze %dma_wait3A_199 : memref<1x128xi32, #tpu.memory_space<vmem>> -> memref<128xi32, #tpu.memory_space<vmem>>
        %dma_wait3A_201 = arith.constant 0 : i32
        %dma_wait3A_202 = tpu.memref_slice %arg17[%dma_wait3A_201] : memref<10240xf32, #tpu.memory_space<vmem_shared>> -> memref<10240xf32, #tpu.memory_space<vmem_shared>>
        tpu.wait_indirect_dma semaphore(%run_scoped3A : memref<!tpu.dma_semaphore, #tpu.memory_space<semaphore_mem>>) src(%arg10 : memref<128xf32, #tpu.memory_space<vmem>>) dst(%dma_wait3A_202 : memref<10240xf32, #tpu.memory_space<vmem_shared>>)
        tpu.yield
      }) : () -> ()
      %add3A_84 = arith.constant 8 : i32
      %add3A_85 = arith.addi %add3A_77, %add3A_84 : i32
      %lt3A_86 = arith.constant 40 : i32
      %lt3A_87 = arith.cmpi slt, %add3A_85, %lt3A_86 : i32
      %convert_element_type3A_88 = arith.extui %lt3A_87 : i1 to i32
      %cond3A_89 = arith.constant 0 : i32
      %cond3A_90 = arith.cmpi ne, %convert_element_type3A_88, %cond3A_89 : i32
      scf.if %cond3A_90 {
        %add3A_193 = arith.constant 8 : i32
        %add3A_194 = arith.addi %add3A_77, %add3A_193 : i32
        %dma_start3A_195 = arith.constant 0 : i32
        %dma_start3A_196 = tpu.memref_slice %arg7[%add3A_194, %dma_start3A_195] : memref<40x128xi32, #tpu.memory_space<vmem>> -> memref<1x128xi32, #tpu.memory_space<vmem>>
        %dma_start3A_197 = tpu.memref_squeeze %dma_start3A_196 : memref<1x128xi32, #tpu.memory_space<vmem>> -> memref<128xi32, #tpu.memory_space<vmem>>
        %dma_start3A_198 = arith.constant 0 : i32
        %dma_start3A_199 = tpu.memref_slice %arg2[%dma_start3A_198] : memref<10000xf32, #tpu.memory_space<hbm>> -> memref<10000xf32, #tpu.memory_space<hbm>>
        tpu.enqueue_indirect_dma source(%dma_start3A_199 : memref<10000xf32, #tpu.memory_space<hbm>>) target(%arg10 : memref<128xf32, #tpu.memory_space<vmem>>) offsets(%dma_start3A_197 : memref<128xi32, #tpu.memory_space<vmem>>) semaphore(%arg19 : memref<!tpu.dma_semaphore, #tpu.memory_space<semaphore_mem>>)
      } else {
      }
      %mul3A_91 = arith.constant 8 : i32
      %mul3A_92 = arith.muli %scan3A_60, %mul3A_91 : i32
      %add3A_93 = arith.constant 2 : i32
      %add3A_94 = arith.addi %mul3A_92, %add3A_93 : i32
      %dma_wait3A_95 = arith.constant 2 : i32
      %dma_wait3A_96 = arith.constant 0 : i32
      %dma_wait3A_97 = tpu.memref_slice %arg7[%dma_wait3A_95, %dma_wait3A_96] : memref<40x128xi32, #tpu.memory_space<vmem>> -> memref<1x128xi32, #tpu.memory_space<vmem>>
      %dma_wait3A_98 = tpu.memref_squeeze %dma_wait3A_97 : memref<1x128xi32, #tpu.memory_space<vmem>> -> memref<128xi32, #tpu.memory_space<vmem>>
      %dma_wait3A_99 = arith.constant 0 : i32
      %dma_wait3A_100 = tpu.memref_slice %arg2[%dma_wait3A_99] : memref<10000xf32, #tpu.memory_space<hbm>> -> memref<10000xf32, #tpu.memory_space<hbm>>
      tpu.wait_indirect_dma semaphore(%arg20 : memref<!tpu.dma_semaphore, #tpu.memory_space<semaphore_mem>>) src(%dma_wait3A_100 : memref<10000xf32, #tpu.memory_space<hbm>>) dst(%arg11 : memref<128xf32, #tpu.memory_space<vmem>>)
      "tpu.region"() ({
        %run_scoped3A = tpu.sem_alloc : memref<!tpu.dma_semaphore, #tpu.memory_space<semaphore_mem>>
        %dma_start3A_193 = arith.constant 0 : i32
        %dma_start3A_194 = tpu.memref_slice %arg8[%add3A_94, %dma_start3A_193] : memref<40x128xi32, #tpu.memory_space<vmem>> -> memref<1x128xi32, #tpu.memory_space<vmem>>
        %dma_start3A_195 = tpu.memref_squeeze %dma_start3A_194 : memref<1x128xi32, #tpu.memory_space<vmem>> -> memref<128xi32, #tpu.memory_space<vmem>>
        %dma_start3A_196 = arith.constant 0 : i32
        %dma_start3A_197 = tpu.memref_slice %arg17[%dma_start3A_196] : memref<10240xf32, #tpu.memory_space<vmem_shared>> -> memref<10240xf32, #tpu.memory_space<vmem_shared>>
        tpu.enqueue_indirect_dma source(%arg11 : memref<128xf32, #tpu.memory_space<vmem>>) target(%dma_start3A_197 : memref<10240xf32, #tpu.memory_space<vmem_shared>>) offsets(%dma_start3A_195 : memref<128xi32, #tpu.memory_space<vmem>>) semaphore(%run_scoped3A : memref<!tpu.dma_semaphore, #tpu.memory_space<semaphore_mem>>) {add = true}
        %dma_wait3A_198 = arith.constant 0 : i32
        %dma_wait3A_199 = tpu.memref_slice %arg8[%add3A_94, %dma_wait3A_198] : memref<40x128xi32, #tpu.memory_space<vmem>> -> memref<1x128xi32, #tpu.memory_space<vmem>>
        %dma_wait3A_200 = tpu.memref_squeeze %dma_wait3A_199 : memref<1x128xi32, #tpu.memory_space<vmem>> -> memref<128xi32, #tpu.memory_space<vmem>>
        %dma_wait3A_201 = arith.constant 0 : i32
        %dma_wait3A_202 = tpu.memref_slice %arg17[%dma_wait3A_201] : memref<10240xf32, #tpu.memory_space<vmem_shared>> -> memref<10240xf32, #tpu.memory_space<vmem_shared>>
        tpu.wait_indirect_dma semaphore(%run_scoped3A : memref<!tpu.dma_semaphore, #tpu.memory_space<semaphore_mem>>) src(%arg11 : memref<128xf32, #tpu.memory_space<vmem>>) dst(%dma_wait3A_202 : memref<10240xf32, #tpu.memory_space<vmem_shared>>)
        tpu.yield
      }) : () -> ()
      %add3A_101 = arith.constant 8 : i32
      %add3A_102 = arith.addi %add3A_94, %add3A_101 : i32
      %lt3A_103 = arith.constant 40 : i32
      %lt3A_104 = arith.cmpi slt, %add3A_102, %lt3A_103 : i32
      %convert_element_type3A_105 = arith.extui %lt3A_104 : i1 to i32
      %cond3A_106 = arith.constant 0 : i32
      %cond3A_107 = arith.cmpi ne, %convert_element_type3A_105, %cond3A_106 : i32
      scf.if %cond3A_107 {
        %add3A_193 = arith.constant 8 : i32
        %add3A_194 = arith.addi %add3A_94, %add3A_193 : i32
        %dma_start3A_195 = arith.constant 0 : i32
        %dma_start3A_196 = tpu.memref_slice %arg7[%add3A_194, %dma_start3A_195] : memref<40x128xi32, #tpu.memory_space<vmem>> -> memref<1x128xi32, #tpu.memory_space<vmem>>
        %dma_start3A_197 = tpu.memref_squeeze %dma_start3A_196 : memref<1x128xi32, #tpu.memory_space<vmem>> -> memref<128xi32, #tpu.memory_space<vmem>>
        %dma_start3A_198 = arith.constant 0 : i32
        %dma_start3A_199 = tpu.memref_slice %arg2[%dma_start3A_198] : memref<10000xf32, #tpu.memory_space<hbm>> -> memref<10000xf32, #tpu.memory_space<hbm>>
        tpu.enqueue_indirect_dma source(%dma_start3A_199 : memref<10000xf32, #tpu.memory_space<hbm>>) target(%arg11 : memref<128xf32, #tpu.memory_space<vmem>>) offsets(%dma_start3A_197 : memref<128xi32, #tpu.memory_space<vmem>>) semaphore(%arg20 : memref<!tpu.dma_semaphore, #tpu.memory_space<semaphore_mem>>)
      } else {
      }
      %mul3A_108 = arith.constant 8 : i32
      %mul3A_109 = arith.muli %scan3A_60, %mul3A_108 : i32
      %add3A_110 = arith.constant 3 : i32
      %add3A_111 = arith.addi %mul3A_109, %add3A_110 : i32
      %dma_wait3A_112 = arith.constant 3 : i32
      %dma_wait3A_113 = arith.constant 0 : i32
      %dma_wait3A_114 = tpu.memref_slice %arg7[%dma_wait3A_112, %dma_wait3A_113] : memref<40x128xi32, #tpu.memory_space<vmem>> -> memref<1x128xi32, #tpu.memory_space<vmem>>
      %dma_wait3A_115 = tpu.memref_squeeze %dma_wait3A_114 : memref<1x128xi32, #tpu.memory_space<vmem>> -> memref<128xi32, #tpu.memory_space<vmem>>
      %dma_wait3A_116 = arith.constant 0 : i32
      %dma_wait3A_117 = tpu.memref_slice %arg2[%dma_wait3A_116] : memref<10000xf32, #tpu.memory_space<hbm>> -> memref<10000xf32, #tpu.memory_space<hbm>>
      tpu.wait_indirect_dma semaphore(%arg21 : memref<!tpu.dma_semaphore, #tpu.memory_space<semaphore_mem>>) src(%dma_wait3A_117 : memref<10000xf32, #tpu.memory_space<hbm>>) dst(%arg12 : memref<128xf32, #tpu.memory_space<vmem>>)
      "tpu.region"() ({
        %run_scoped3A = tpu.sem_alloc : memref<!tpu.dma_semaphore, #tpu.memory_space<semaphore_mem>>
        %dma_start3A_193 = arith.constant 0 : i32
        %dma_start3A_194 = tpu.memref_slice %arg8[%add3A_111, %dma_start3A_193] : memref<40x128xi32, #tpu.memory_space<vmem>> -> memref<1x128xi32, #tpu.memory_space<vmem>>
        %dma_start3A_195 = tpu.memref_squeeze %dma_start3A_194 : memref<1x128xi32, #tpu.memory_space<vmem>> -> memref<128xi32, #tpu.memory_space<vmem>>
        %dma_start3A_196 = arith.constant 0 : i32
        %dma_start3A_197 = tpu.memref_slice %arg17[%dma_start3A_196] : memref<10240xf32, #tpu.memory_space<vmem_shared>> -> memref<10240xf32, #tpu.memory_space<vmem_shared>>
        tpu.enqueue_indirect_dma source(%arg12 : memref<128xf32, #tpu.memory_space<vmem>>) target(%dma_start3A_197 : memref<10240xf32, #tpu.memory_space<vmem_shared>>) offsets(%dma_start3A_195 : memref<128xi32, #tpu.memory_space<vmem>>) semaphore(%run_scoped3A : memref<!tpu.dma_semaphore, #tpu.memory_space<semaphore_mem>>) {add = true}
        %dma_wait3A_198 = arith.constant 0 : i32
        %dma_wait3A_199 = tpu.memref_slice %arg8[%add3A_111, %dma_wait3A_198] : memref<40x128xi32, #tpu.memory_space<vmem>> -> memref<1x128xi32, #tpu.memory_space<vmem>>
        %dma_wait3A_200 = tpu.memref_squeeze %dma_wait3A_199 : memref<1x128xi32, #tpu.memory_space<vmem>> -> memref<128xi32, #tpu.memory_space<vmem>>
        %dma_wait3A_201 = arith.constant 0 : i32
        %dma_wait3A_202 = tpu.memref_slice %arg17[%dma_wait3A_201] : memref<10240xf32, #tpu.memory_space<vmem_shared>> -> memref<10240xf32, #tpu.memory_space<vmem_shared>>
        tpu.wait_indirect_dma semaphore(%run_scoped3A : memref<!tpu.dma_semaphore, #tpu.memory_space<semaphore_mem>>) src(%arg12 : memref<128xf32, #tpu.memory_space<vmem>>) dst(%dma_wait3A_202 : memref<10240xf32, #tpu.memory_space<vmem_shared>>)
        tpu.yield
      }) : () -> ()
      %add3A_118 = arith.constant 8 : i32
      %add3A_119 = arith.addi %add3A_111, %add3A_118 : i32
      %lt3A_120 = arith.constant 40 : i32
      %lt3A_121 = arith.cmpi slt, %add3A_119, %lt3A_120 : i32
      %convert_element_type3A_122 = arith.extui %lt3A_121 : i1 to i32
      %cond3A_123 = arith.constant 0 : i32
      %cond3A_124 = arith.cmpi ne, %convert_element_type3A_122, %cond3A_123 : i32
      scf.if %cond3A_124 {
        %add3A_193 = arith.constant 8 : i32
        %add3A_194 = arith.addi %add3A_111, %add3A_193 : i32
        %dma_start3A_195 = arith.constant 0 : i32
        %dma_start3A_196 = tpu.memref_slice %arg7[%add3A_194, %dma_start3A_195] : memref<40x128xi32, #tpu.memory_space<vmem>> -> memref<1x128xi32, #tpu.memory_space<vmem>>
        %dma_start3A_197 = tpu.memref_squeeze %dma_start3A_196 : memref<1x128xi32, #tpu.memory_space<vmem>> -> memref<128xi32, #tpu.memory_space<vmem>>
        %dma_start3A_198 = arith.constant 0 : i32
        %dma_start3A_199 = tpu.memref_slice %arg2[%dma_start3A_198] : memref<10000xf32, #tpu.memory_space<hbm>> -> memref<10000xf32, #tpu.memory_space<hbm>>
        tpu.enqueue_indirect_dma source(%dma_start3A_199 : memref<10000xf32, #tpu.memory_space<hbm>>) target(%arg12 : memref<128xf32, #tpu.memory_space<vmem>>) offsets(%dma_start3A_197 : memref<128xi32, #tpu.memory_space<vmem>>) semaphore(%arg21 : memref<!tpu.dma_semaphore, #tpu.memory_space<semaphore_mem>>)
      } else {
      }
      %mul3A_125 = arith.constant 8 : i32
      %mul3A_126 = arith.muli %scan3A_60, %mul3A_125 : i32
      %add3A_127 = arith.constant 4 : i32
      %add3A_128 = arith.addi %mul3A_126, %add3A_127 : i32
      %dma_wait3A_129 = arith.constant 4 : i32
      %dma_wait3A_130 = arith.constant 0 : i32
      %dma_wait3A_131 = tpu.memref_slice %arg7[%dma_wait3A_129, %dma_wait3A_130] : memref<40x128xi32, #tpu.memory_space<vmem>> -> memref<1x128xi32, #tpu.memory_space<vmem>>
      %dma_wait3A_132 = tpu.memref_squeeze %dma_wait3A_131 : memref<1x128xi32, #tpu.memory_space<vmem>> -> memref<128xi32, #tpu.memory_space<vmem>>
      %dma_wait3A_133 = arith.constant 0 : i32
      %dma_wait3A_134 = tpu.memref_slice %arg2[%dma_wait3A_133] : memref<10000xf32, #tpu.memory_space<hbm>> -> memref<10000xf32, #tpu.memory_space<hbm>>
      tpu.wait_indirect_dma semaphore(%arg22 : memref<!tpu.dma_semaphore, #tpu.memory_space<semaphore_mem>>) src(%dma_wait3A_134 : memref<10000xf32, #tpu.memory_space<hbm>>) dst(%arg13 : memref<128xf32, #tpu.memory_space<vmem>>)
      "tpu.region"() ({
        %run_scoped3A = tpu.sem_alloc : memref<!tpu.dma_semaphore, #tpu.memory_space<semaphore_mem>>
        %dma_start3A_193 = arith.constant 0 : i32
        %dma_start3A_194 = tpu.memref_slice %arg8[%add3A_128, %dma_start3A_193] : memref<40x128xi32, #tpu.memory_space<vmem>> -> memref<1x128xi32, #tpu.memory_space<vmem>>
        %dma_start3A_195 = tpu.memref_squeeze %dma_start3A_194 : memref<1x128xi32, #tpu.memory_space<vmem>> -> memref<128xi32, #tpu.memory_space<vmem>>
        %dma_start3A_196 = arith.constant 0 : i32
        %dma_start3A_197 = tpu.memref_slice %arg17[%dma_start3A_196] : memref<10240xf32, #tpu.memory_space<vmem_shared>> -> memref<10240xf32, #tpu.memory_space<vmem_shared>>
        tpu.enqueue_indirect_dma source(%arg13 : memref<128xf32, #tpu.memory_space<vmem>>) target(%dma_start3A_197 : memref<10240xf32, #tpu.memory_space<vmem_shared>>) offsets(%dma_start3A_195 : memref<128xi32, #tpu.memory_space<vmem>>) semaphore(%run_scoped3A : memref<!tpu.dma_semaphore, #tpu.memory_space<semaphore_mem>>) {add = true}
        %dma_wait3A_198 = arith.constant 0 : i32
        %dma_wait3A_199 = tpu.memref_slice %arg8[%add3A_128, %dma_wait3A_198] : memref<40x128xi32, #tpu.memory_space<vmem>> -> memref<1x128xi32, #tpu.memory_space<vmem>>
        %dma_wait3A_200 = tpu.memref_squeeze %dma_wait3A_199 : memref<1x128xi32, #tpu.memory_space<vmem>> -> memref<128xi32, #tpu.memory_space<vmem>>
        %dma_wait3A_201 = arith.constant 0 : i32
        %dma_wait3A_202 = tpu.memref_slice %arg17[%dma_wait3A_201] : memref<10240xf32, #tpu.memory_space<vmem_shared>> -> memref<10240xf32, #tpu.memory_space<vmem_shared>>
        tpu.wait_indirect_dma semaphore(%run_scoped3A : memref<!tpu.dma_semaphore, #tpu.memory_space<semaphore_mem>>) src(%arg13 : memref<128xf32, #tpu.memory_space<vmem>>) dst(%dma_wait3A_202 : memref<10240xf32, #tpu.memory_space<vmem_shared>>)
        tpu.yield
      }) : () -> ()
      %add3A_135 = arith.constant 8 : i32
      %add3A_136 = arith.addi %add3A_128, %add3A_135 : i32
      %lt3A_137 = arith.constant 40 : i32
      %lt3A_138 = arith.cmpi slt, %add3A_136, %lt3A_137 : i32
      %convert_element_type3A_139 = arith.extui %lt3A_138 : i1 to i32
      %cond3A_140 = arith.constant 0 : i32
      %cond3A_141 = arith.cmpi ne, %convert_element_type3A_139, %cond3A_140 : i32
      scf.if %cond3A_141 {
        %add3A_193 = arith.constant 8 : i32
        %add3A_194 = arith.addi %add3A_128, %add3A_193 : i32
        %dma_start3A_195 = arith.constant 0 : i32
        %dma_start3A_196 = tpu.memref_slice %arg7[%add3A_194, %dma_start3A_195] : memref<40x128xi32, #tpu.memory_space<vmem>> -> memref<1x128xi32, #tpu.memory_space<vmem>>
        %dma_start3A_197 = tpu.memref_squeeze %dma_start3A_196 : memref<1x128xi32, #tpu.memory_space<vmem>> -> memref<128xi32, #tpu.memory_space<vmem>>
        %dma_start3A_198 = arith.constant 0 : i32
        %dma_start3A_199 = tpu.memref_slice %arg2[%dma_start3A_198] : memref<10000xf32, #tpu.memory_space<hbm>> -> memref<10000xf32, #tpu.memory_space<hbm>>
        tpu.enqueue_indirect_dma source(%dma_start3A_199 : memref<10000xf32, #tpu.memory_space<hbm>>) target(%arg13 : memref<128xf32, #tpu.memory_space<vmem>>) offsets(%dma_start3A_197 : memref<128xi32, #tpu.memory_space<vmem>>) semaphore(%arg22 : memref<!tpu.dma_semaphore, #tpu.memory_space<semaphore_mem>>)
      } else {
      }
      %mul3A_142 = arith.constant 8 : i32
      %mul3A_143 = arith.muli %scan3A_60, %mul3A_142 : i32
      %add3A_144 = arith.constant 5 : i32
      %add3A_145 = arith.addi %mul3A_143, %add3A_144 : i32
      %dma_wait3A_146 = arith.constant 5 : i32
      %dma_wait3A_147 = arith.constant 0 : i32
      %dma_wait3A_148 = tpu.memref_slice %arg7[%dma_wait3A_146, %dma_wait3A_147] : memref<40x128xi32, #tpu.memory_space<vmem>> -> memref<1x128xi32, #tpu.memory_space<vmem>>
      %dma_wait3A_149 = tpu.memref_squeeze %dma_wait3A_148 : memref<1x128xi32, #tpu.memory_space<vmem>> -> memref<128xi32, #tpu.memory_space<vmem>>
      %dma_wait3A_150 = arith.constant 0 : i32
      %dma_wait3A_151 = tpu.memref_slice %arg2[%dma_wait3A_150] : memref<10000xf32, #tpu.memory_space<hbm>> -> memref<10000xf32, #tpu.memory_space<hbm>>
      tpu.wait_indirect_dma semaphore(%arg23 : memref<!tpu.dma_semaphore, #tpu.memory_space<semaphore_mem>>) src(%dma_wait3A_151 : memref<10000xf32, #tpu.memory_space<hbm>>) dst(%arg14 : memref<128xf32, #tpu.memory_space<vmem>>)
      "tpu.region"() ({
        %run_scoped3A = tpu.sem_alloc : memref<!tpu.dma_semaphore, #tpu.memory_space<semaphore_mem>>
        %dma_start3A_193 = arith.constant 0 : i32
        %dma_start3A_194 = tpu.memref_slice %arg8[%add3A_145, %dma_start3A_193] : memref<40x128xi32, #tpu.memory_space<vmem>> -> memref<1x128xi32, #tpu.memory_space<vmem>>
        %dma_start3A_195 = tpu.memref_squeeze %dma_start3A_194 : memref<1x128xi32, #tpu.memory_space<vmem>> -> memref<128xi32, #tpu.memory_space<vmem>>
        %dma_start3A_196 = arith.constant 0 : i32
        %dma_start3A_197 = tpu.memref_slice %arg17[%dma_start3A_196] : memref<10240xf32, #tpu.memory_space<vmem_shared>> -> memref<10240xf32, #tpu.memory_space<vmem_shared>>
        tpu.enqueue_indirect_dma source(%arg14 : memref<128xf32, #tpu.memory_space<vmem>>) target(%dma_start3A_197 : memref<10240xf32, #tpu.memory_space<vmem_shared>>) offsets(%dma_start3A_195 : memref<128xi32, #tpu.memory_space<vmem>>) semaphore(%run_scoped3A : memref<!tpu.dma_semaphore, #tpu.memory_space<semaphore_mem>>) {add = true}
        %dma_wait3A_198 = arith.constant 0 : i32
        %dma_wait3A_199 = tpu.memref_slice %arg8[%add3A_145, %dma_wait3A_198] : memref<40x128xi32, #tpu.memory_space<vmem>> -> memref<1x128xi32, #tpu.memory_space<vmem>>
        %dma_wait3A_200 = tpu.memref_squeeze %dma_wait3A_199 : memref<1x128xi32, #tpu.memory_space<vmem>> -> memref<128xi32, #tpu.memory_space<vmem>>
        %dma_wait3A_201 = arith.constant 0 : i32
        %dma_wait3A_202 = tpu.memref_slice %arg17[%dma_wait3A_201] : memref<10240xf32, #tpu.memory_space<vmem_shared>> -> memref<10240xf32, #tpu.memory_space<vmem_shared>>
        tpu.wait_indirect_dma semaphore(%run_scoped3A : memref<!tpu.dma_semaphore, #tpu.memory_space<semaphore_mem>>) src(%arg14 : memref<128xf32, #tpu.memory_space<vmem>>) dst(%dma_wait3A_202 : memref<10240xf32, #tpu.memory_space<vmem_shared>>)
        tpu.yield
      }) : () -> ()
      %add3A_152 = arith.constant 8 : i32
      %add3A_153 = arith.addi %add3A_145, %add3A_152 : i32
      %lt3A_154 = arith.constant 40 : i32
      %lt3A_155 = arith.cmpi slt, %add3A_153, %lt3A_154 : i32
      %convert_element_type3A_156 = arith.extui %lt3A_155 : i1 to i32
      %cond3A_157 = arith.constant 0 : i32
      %cond3A_158 = arith.cmpi ne, %convert_element_type3A_156, %cond3A_157 : i32
      scf.if %cond3A_158 {
        %add3A_193 = arith.constant 8 : i32
        %add3A_194 = arith.addi %add3A_145, %add3A_193 : i32
        %dma_start3A_195 = arith.constant 0 : i32
        %dma_start3A_196 = tpu.memref_slice %arg7[%add3A_194, %dma_start3A_195] : memref<40x128xi32, #tpu.memory_space<vmem>> -> memref<1x128xi32, #tpu.memory_space<vmem>>
        %dma_start3A_197 = tpu.memref_squeeze %dma_start3A_196 : memref<1x128xi32, #tpu.memory_space<vmem>> -> memref<128xi32, #tpu.memory_space<vmem>>
        %dma_start3A_198 = arith.constant 0 : i32
        %dma_start3A_199 = tpu.memref_slice %arg2[%dma_start3A_198] : memref<10000xf32, #tpu.memory_space<hbm>> -> memref<10000xf32, #tpu.memory_space<hbm>>
        tpu.enqueue_indirect_dma source(%dma_start3A_199 : memref<10000xf32, #tpu.memory_space<hbm>>) target(%arg14 : memref<128xf32, #tpu.memory_space<vmem>>) offsets(%dma_start3A_197 : memref<128xi32, #tpu.memory_space<vmem>>) semaphore(%arg23 : memref<!tpu.dma_semaphore, #tpu.memory_space<semaphore_mem>>)
      } else {
      }
      %mul3A_159 = arith.constant 8 : i32
      %mul3A_160 = arith.muli %scan3A_60, %mul3A_159 : i32
      %add3A_161 = arith.constant 6 : i32
      %add3A_162 = arith.addi %mul3A_160, %add3A_161 : i32
      %dma_wait3A_163 = arith.constant 6 : i32
      %dma_wait3A_164 = arith.constant 0 : i32
      %dma_wait3A_165 = tpu.memref_slice %arg7[%dma_wait3A_163, %dma_wait3A_164] : memref<40x128xi32, #tpu.memory_space<vmem>> -> memref<1x128xi32, #tpu.memory_space<vmem>>
      %dma_wait3A_166 = tpu.memref_squeeze %dma_wait3A_165 : memref<1x128xi32, #tpu.memory_space<vmem>> -> memref<128xi32, #tpu.memory_space<vmem>>
      %dma_wait3A_167 = arith.constant 0 : i32
      %dma_wait3A_168 = tpu.memref_slice %arg2[%dma_wait3A_167] : memref<10000xf32, #tpu.memory_space<hbm>> -> memref<10000xf32, #tpu.memory_space<hbm>>
      tpu.wait_indirect_dma semaphore(%arg24 : memref<!tpu.dma_semaphore, #tpu.memory_space<semaphore_mem>>) src(%dma_wait3A_168 : memref<10000xf32, #tpu.memory_space<hbm>>) dst(%arg15 : memref<128xf32, #tpu.memory_space<vmem>>)
      "tpu.region"() ({
        %run_scoped3A = tpu.sem_alloc : memref<!tpu.dma_semaphore, #tpu.memory_space<semaphore_mem>>
        %dma_start3A_193 = arith.constant 0 : i32
        %dma_start3A_194 = tpu.memref_slice %arg8[%add3A_162, %dma_start3A_193] : memref<40x128xi32, #tpu.memory_space<vmem>> -> memref<1x128xi32, #tpu.memory_space<vmem>>
        %dma_start3A_195 = tpu.memref_squeeze %dma_start3A_194 : memref<1x128xi32, #tpu.memory_space<vmem>> -> memref<128xi32, #tpu.memory_space<vmem>>
        %dma_start3A_196 = arith.constant 0 : i32
        %dma_start3A_197 = tpu.memref_slice %arg17[%dma_start3A_196] : memref<10240xf32, #tpu.memory_space<vmem_shared>> -> memref<10240xf32, #tpu.memory_space<vmem_shared>>
        tpu.enqueue_indirect_dma source(%arg15 : memref<128xf32, #tpu.memory_space<vmem>>) target(%dma_start3A_197 : memref<10240xf32, #tpu.memory_space<vmem_shared>>) offsets(%dma_start3A_195 : memref<128xi32, #tpu.memory_space<vmem>>) semaphore(%run_scoped3A : memref<!tpu.dma_semaphore, #tpu.memory_space<semaphore_mem>>) {add = true}
        %dma_wait3A_198 = arith.constant 0 : i32
        %dma_wait3A_199 = tpu.memref_slice %arg8[%add3A_162, %dma_wait3A_198] : memref<40x128xi32, #tpu.memory_space<vmem>> -> memref<1x128xi32, #tpu.memory_space<vmem>>
        %dma_wait3A_200 = tpu.memref_squeeze %dma_wait3A_199 : memref<1x128xi32, #tpu.memory_space<vmem>> -> memref<128xi32, #tpu.memory_space<vmem>>
        %dma_wait3A_201 = arith.constant 0 : i32
        %dma_wait3A_202 = tpu.memref_slice %arg17[%dma_wait3A_201] : memref<10240xf32, #tpu.memory_space<vmem_shared>> -> memref<10240xf32, #tpu.memory_space<vmem_shared>>
        tpu.wait_indirect_dma semaphore(%run_scoped3A : memref<!tpu.dma_semaphore, #tpu.memory_space<semaphore_mem>>) src(%arg15 : memref<128xf32, #tpu.memory_space<vmem>>) dst(%dma_wait3A_202 : memref<10240xf32, #tpu.memory_space<vmem_shared>>)
        tpu.yield
      }) : () -> ()
      %add3A_169 = arith.constant 8 : i32
      %add3A_170 = arith.addi %add3A_162, %add3A_169 : i32
      %lt3A_171 = arith.constant 40 : i32
      %lt3A_172 = arith.cmpi slt, %add3A_170, %lt3A_171 : i32
      %convert_element_type3A_173 = arith.extui %lt3A_172 : i1 to i32
      %cond3A_174 = arith.constant 0 : i32
      %cond3A_175 = arith.cmpi ne, %convert_element_type3A_173, %cond3A_174 : i32
      scf.if %cond3A_175 {
        %add3A_193 = arith.constant 8 : i32
        %add3A_194 = arith.addi %add3A_162, %add3A_193 : i32
        %dma_start3A_195 = arith.constant 0 : i32
        %dma_start3A_196 = tpu.memref_slice %arg7[%add3A_194, %dma_start3A_195] : memref<40x128xi32, #tpu.memory_space<vmem>> -> memref<1x128xi32, #tpu.memory_space<vmem>>
        %dma_start3A_197 = tpu.memref_squeeze %dma_start3A_196 : memref<1x128xi32, #tpu.memory_space<vmem>> -> memref<128xi32, #tpu.memory_space<vmem>>
        %dma_start3A_198 = arith.constant 0 : i32
        %dma_start3A_199 = tpu.memref_slice %arg2[%dma_start3A_198] : memref<10000xf32, #tpu.memory_space<hbm>> -> memref<10000xf32, #tpu.memory_space<hbm>>
        tpu.enqueue_indirect_dma source(%dma_start3A_199 : memref<10000xf32, #tpu.memory_space<hbm>>) target(%arg15 : memref<128xf32, #tpu.memory_space<vmem>>) offsets(%dma_start3A_197 : memref<128xi32, #tpu.memory_space<vmem>>) semaphore(%arg24 : memref<!tpu.dma_semaphore, #tpu.memory_space<semaphore_mem>>)
      } else {
      }
      %mul3A_176 = arith.constant 8 : i32
      %mul3A_177 = arith.muli %scan3A_60, %mul3A_176 : i32
      %add3A_178 = arith.constant 7 : i32
      %add3A_179 = arith.addi %mul3A_177, %add3A_178 : i32
      %dma_wait3A_180 = arith.constant 7 : i32
      %dma_wait3A_181 = arith.constant 0 : i32
      %dma_wait3A_182 = tpu.memref_slice %arg7[%dma_wait3A_180, %dma_wait3A_181] : memref<40x128xi32, #tpu.memory_space<vmem>> -> memref<1x128xi32, #tpu.memory_space<vmem>>
      %dma_wait3A_183 = tpu.memref_squeeze %dma_wait3A_182 : memref<1x128xi32, #tpu.memory_space<vmem>> -> memref<128xi32, #tpu.memory_space<vmem>>
      %dma_wait3A_184 = arith.constant 0 : i32
      %dma_wait3A_185 = tpu.memref_slice %arg2[%dma_wait3A_184] : memref<10000xf32, #tpu.memory_space<hbm>> -> memref<10000xf32, #tpu.memory_space<hbm>>
      tpu.wait_indirect_dma semaphore(%arg25 : memref<!tpu.dma_semaphore, #tpu.memory_space<semaphore_mem>>) src(%dma_wait3A_185 : memref<10000xf32, #tpu.memory_space<hbm>>) dst(%arg16 : memref<128xf32, #tpu.memory_space<vmem>>)
      "tpu.region"() ({
        %run_scoped3A = tpu.sem_alloc : memref<!tpu.dma_semaphore, #tpu.memory_space<semaphore_mem>>
        %dma_start3A_193 = arith.constant 0 : i32
        %dma_start3A_194 = tpu.memref_slice %arg8[%add3A_179, %dma_start3A_193] : memref<40x128xi32, #tpu.memory_space<vmem>> -> memref<1x128xi32, #tpu.memory_space<vmem>>
        %dma_start3A_195 = tpu.memref_squeeze %dma_start3A_194 : memref<1x128xi32, #tpu.memory_space<vmem>> -> memref<128xi32, #tpu.memory_space<vmem>>
        %dma_start3A_196 = arith.constant 0 : i32
        %dma_start3A_197 = tpu.memref_slice %arg17[%dma_start3A_196] : memref<10240xf32, #tpu.memory_space<vmem_shared>> -> memref<10240xf32, #tpu.memory_space<vmem_shared>>
        tpu.enqueue_indirect_dma source(%arg16 : memref<128xf32, #tpu.memory_space<vmem>>) target(%dma_start3A_197 : memref<10240xf32, #tpu.memory_space<vmem_shared>>) offsets(%dma_start3A_195 : memref<128xi32, #tpu.memory_space<vmem>>) semaphore(%run_scoped3A : memref<!tpu.dma_semaphore, #tpu.memory_space<semaphore_mem>>) {add = true}
        %dma_wait3A_198 = arith.constant 0 : i32
        %dma_wait3A_199 = tpu.memref_slice %arg8[%add3A_179, %dma_wait3A_198] : memref<40x128xi32, #tpu.memory_space<vmem>> -> memref<1x128xi32, #tpu.memory_space<vmem>>
        %dma_wait3A_200 = tpu.memref_squeeze %dma_wait3A_199 : memref<1x128xi32, #tpu.memory_space<vmem>> -> memref<128xi32, #tpu.memory_space<vmem>>
        %dma_wait3A_201 = arith.constant 0 : i32
        %dma_wait3A_202 = tpu.memref_slice %arg17[%dma_wait3A_201] : memref<10240xf32, #tpu.memory_space<vmem_shared>> -> memref<10240xf32, #tpu.memory_space<vmem_shared>>
        tpu.wait_indirect_dma semaphore(%run_scoped3A : memref<!tpu.dma_semaphore, #tpu.memory_space<semaphore_mem>>) src(%arg16 : memref<128xf32, #tpu.memory_space<vmem>>) dst(%dma_wait3A_202 : memref<10240xf32, #tpu.memory_space<vmem_shared>>)
        tpu.yield
      }) : () -> ()
      %add3A_186 = arith.constant 8 : i32
      %add3A_187 = arith.addi %add3A_179, %add3A_186 : i32
      %lt3A_188 = arith.constant 40 : i32
      %lt3A_189 = arith.cmpi slt, %add3A_187, %lt3A_188 : i32
      %convert_element_type3A_190 = arith.extui %lt3A_189 : i1 to i32
      %cond3A_191 = arith.constant 0 : i32
      %cond3A_192 = arith.cmpi ne, %convert_element_type3A_190, %cond3A_191 : i32
      scf.if %cond3A_192 {
        %add3A_193 = arith.constant 8 : i32
        %add3A_194 = arith.addi %add3A_179, %add3A_193 : i32
        %dma_start3A_195 = arith.constant 0 : i32
        %dma_start3A_196 = tpu.memref_slice %arg7[%add3A_194, %dma_start3A_195] : memref<40x128xi32, #tpu.memory_space<vmem>> -> memref<1x128xi32, #tpu.memory_space<vmem>>
        %dma_start3A_197 = tpu.memref_squeeze %dma_start3A_196 : memref<1x128xi32, #tpu.memory_space<vmem>> -> memref<128xi32, #tpu.memory_space<vmem>>
        %dma_start3A_198 = arith.constant 0 : i32
        %dma_start3A_199 = tpu.memref_slice %arg2[%dma_start3A_198] : memref<10000xf32, #tpu.memory_space<hbm>> -> memref<10000xf32, #tpu.memory_space<hbm>>
        tpu.enqueue_indirect_dma source(%dma_start3A_199 : memref<10000xf32, #tpu.memory_space<hbm>>) target(%arg16 : memref<128xf32, #tpu.memory_space<vmem>>) offsets(%dma_start3A_197 : memref<128xi32, #tpu.memory_space<vmem>>) semaphore(%arg25 : memref<!tpu.dma_semaphore, #tpu.memory_space<semaphore_mem>>)
      } else {
      }
    }
    %scan3A_58 = arith.constant 5 : i32
    %barrier3A_59 = arith.constant 0 : index
    tpu.barrier barrier_id(%barrier3A_59)
    "tpu.region"() ({
      %run_scoped3A = tpu.sem_alloc : memref<!tpu.dma_semaphore, #tpu.memory_space<semaphore_mem>>
      %dma_start3A_60 = tpu.memref_slice %arg6[%arg0, %multiple_of3A] : memref<2x10240xf32, #tpu.memory_space<hbm>> -> memref<1x640xf32, #tpu.memory_space<hbm>>
      %dma_start3A_61 = tpu.memref_squeeze %dma_start3A_60 : memref<1x640xf32, #tpu.memory_space<hbm>> -> memref<640xf32, #tpu.memory_space<hbm>>
      %dma_start3A_62 = tpu.memref_slice %arg17[%multiple_of3A] : memref<10240xf32, #tpu.memory_space<vmem_shared>> -> memref<640xf32, #tpu.memory_space<vmem_shared>>
      tpu.enqueue_dma source(%dma_start3A_62 : memref<640xf32, #tpu.memory_space<vmem_shared>>) target(%dma_start3A_61 : memref<640xf32, #tpu.memory_space<hbm>>) target_semaphore(%run_scoped3A : memref<!tpu.dma_semaphore, #tpu.memory_space<semaphore_mem>>)
      %dma_wait3A = tpu.memref_slice %arg6[%arg0, %multiple_of3A] : memref<2x10240xf32, #tpu.memory_space<hbm>> -> memref<1x640xf32, #tpu.memory_space<hbm>>
      %dma_wait3A_63 = tpu.memref_squeeze %dma_wait3A : memref<1x640xf32, #tpu.memory_space<hbm>> -> memref<640xf32, #tpu.memory_space<hbm>>
      %dma_wait3A_64 = tpu.memref_slice %arg17[%multiple_of3A] : memref<10240xf32, #tpu.memory_space<vmem_shared>> -> memref<640xf32, #tpu.memory_space<vmem_shared>>
      tpu.wait_dma2 semaphore(%run_scoped3A : memref<!tpu.dma_semaphore, #tpu.memory_space<semaphore_mem>>) src(%dma_wait3A_64 : memref<640xf32, #tpu.memory_space<vmem_shared>>) dst(%dma_wait3A_63 : memref<640xf32, #tpu.memory_space<hbm>>)
      tpu.yield
    }) : () -> ()
    return
  }
}

#map = affine_map<(d0, d1) -> (0, 0)>
#map1 = affine_map<(d0, d1) -> (0, 0, 0)>
module attributes {stable_mosaic.version = 14 : i64} {
  func.func @_sc_agg(%arg0: i32, %arg1: i32, %arg2: memref<10240x128xf32, #tpu.memory_space<hbm>>, %arg3: memref<10240x128xf32, #tpu.memory_space<hbm>>, %arg4: memref<1280x128xi32, #tpu.memory_space<hbm>>, %arg5: memref<1280x128xi32, #tpu.memory_space<hbm>>, %arg6: memref<2x10240x128xf32, #tpu.memory_space<hbm>>, %arg7: memref<40x128xi32, #tpu.memory_space<vmem>>, %arg8: memref<40x128xi32, #tpu.memory_space<vmem>>, %arg9: memref<128x128xf32, #tpu.memory_space<vmem>>, %arg10: memref<128x128xf32, #tpu.memory_space<vmem>>, %arg11: memref<10240x128xf32, #tpu.memory_space<vmem_shared>>, %arg12: memref<!tpu.dma_semaphore, #tpu.memory_space<semaphore_mem>>, %arg13: memref<!tpu.dma_semaphore, #tpu.memory_space<semaphore_mem>>) attributes {dimension_semantics = [#tpu.dimension_semantics<core_parallel>, #tpu.dimension_semantics<subcore_parallel>], iteration_bounds = array<i64: 2, 16>, scalar_prefetch = 0 : i64, scratch_operands = 7 : i64, tpu.core_type = #tpu.core_type<sc_vector_subcore>, window_params = [{transform_indices = #map}, {transform_indices = #map}, {transform_indices = #map}, {transform_indices = #map}, {transform_indices = #map1}]} {
    %eq3A = arith.constant 0 : i32
    %eq3A_0 = arith.cmpi eq, %arg0, %eq3A : i32
    %convert_element_type3A = arith.extui %eq3A_0 : i1 to i32
    %cond3A = arith.constant 0 : i32
    %cond3A_1 = arith.cmpi ne, %convert_element_type3A, %cond3A : i32
    scf.if %cond3A_1 {
      %mul3A_29 = arith.constant 640 : i32
      %mul3A_30 = arith.muli %arg1, %mul3A_29 : i32
      %add3A_31 = arith.constant 0 : i32
      %add3A_32 = arith.addi %mul3A_30, %add3A_31 : i32
      %multiple_of3A_33 = tpu.assume_multiple %add3A_32, 128 : i32
      "tpu.region"() ({
        %run_scoped3A = tpu.sem_alloc : memref<!tpu.dma_semaphore, #tpu.memory_space<semaphore_mem>>
        %dma_start3A_103 = arith.constant 0 : i32
        %dma_start3A_104 = tpu.memref_slice %arg11[%multiple_of3A_33, %dma_start3A_103] : memref<10240x128xf32, #tpu.memory_space<vmem_shared>> -> memref<128x128xf32, #tpu.memory_space<vmem_shared>>
        %dma_start3A_105 = arith.constant 0 : i32
        %dma_start3A_106 = tpu.memref_slice %arg2[%multiple_of3A_33, %dma_start3A_105] : memref<10240x128xf32, #tpu.memory_space<hbm>> -> memref<128x128xf32, #tpu.memory_space<hbm>>
        tpu.enqueue_dma source(%dma_start3A_106 : memref<128x128xf32, #tpu.memory_space<hbm>>) target(%dma_start3A_104 : memref<128x128xf32, #tpu.memory_space<vmem_shared>>) target_semaphore(%run_scoped3A : memref<!tpu.dma_semaphore, #tpu.memory_space<semaphore_mem>>)
        %dma_wait3A = arith.constant 0 : i32
        %dma_wait3A_107 = tpu.memref_slice %arg11[%multiple_of3A_33, %dma_wait3A] : memref<10240x128xf32, #tpu.memory_space<vmem_shared>> -> memref<128x128xf32, #tpu.memory_space<vmem_shared>>
        %dma_wait3A_108 = arith.constant 0 : i32
        %dma_wait3A_109 = tpu.memref_slice %arg2[%multiple_of3A_33, %dma_wait3A_108] : memref<10240x128xf32, #tpu.memory_space<hbm>> -> memref<128x128xf32, #tpu.memory_space<hbm>>
        tpu.wait_dma2 semaphore(%run_scoped3A : memref<!tpu.dma_semaphore, #tpu.memory_space<semaphore_mem>>) src(%dma_wait3A_109 : memref<128x128xf32, #tpu.memory_space<hbm>>) dst(%dma_wait3A_107 : memref<128x128xf32, #tpu.memory_space<vmem_shared>>)
        tpu.yield
      }) : () -> ()
      %mul3A_34 = arith.constant 640 : i32
      %mul3A_35 = arith.muli %arg1, %mul3A_34 : i32
      %add3A_36 = arith.constant 128 : i32
      %add3A_37 = arith.addi %mul3A_35, %add3A_36 : i32
      %multiple_of3A_38 = tpu.assume_multiple %add3A_37, 128 : i32
      "tpu.region"() ({
        %run_scoped3A = tpu.sem_alloc : memref<!tpu.dma_semaphore, #tpu.memory_space<semaphore_mem>>
        %dma_start3A_103 = arith.constant 0 : i32
        %dma_start3A_104 = tpu.memref_slice %arg11[%multiple_of3A_38, %dma_start3A_103] : memref<10240x128xf32, #tpu.memory_space<vmem_shared>> -> memref<128x128xf32, #tpu.memory_space<vmem_shared>>
        %dma_start3A_105 = arith.constant 0 : i32
        %dma_start3A_106 = tpu.memref_slice %arg2[%multiple_of3A_38, %dma_start3A_105] : memref<10240x128xf32, #tpu.memory_space<hbm>> -> memref<128x128xf32, #tpu.memory_space<hbm>>
        tpu.enqueue_dma source(%dma_start3A_106 : memref<128x128xf32, #tpu.memory_space<hbm>>) target(%dma_start3A_104 : memref<128x128xf32, #tpu.memory_space<vmem_shared>>) target_semaphore(%run_scoped3A : memref<!tpu.dma_semaphore, #tpu.memory_space<semaphore_mem>>)
        %dma_wait3A = arith.constant 0 : i32
        %dma_wait3A_107 = tpu.memref_slice %arg11[%multiple_of3A_38, %dma_wait3A] : memref<10240x128xf32, #tpu.memory_space<vmem_shared>> -> memref<128x128xf32, #tpu.memory_space<vmem_shared>>
        %dma_wait3A_108 = arith.constant 0 : i32
        %dma_wait3A_109 = tpu.memref_slice %arg2[%multiple_of3A_38, %dma_wait3A_108] : memref<10240x128xf32, #tpu.memory_space<hbm>> -> memref<128x128xf32, #tpu.memory_space<hbm>>
        tpu.wait_dma2 semaphore(%run_scoped3A : memref<!tpu.dma_semaphore, #tpu.memory_space<semaphore_mem>>) src(%dma_wait3A_109 : memref<128x128xf32, #tpu.memory_space<hbm>>) dst(%dma_wait3A_107 : memref<128x128xf32, #tpu.memory_space<vmem_shared>>)
        tpu.yield
      }) : () -> ()
      %mul3A_39 = arith.constant 640 : i32
      %mul3A_40 = arith.muli %arg1, %mul3A_39 : i32
      %add3A_41 = arith.constant 256 : i32
      %add3A_42 = arith.addi %mul3A_40, %add3A_41 : i32
      %multiple_of3A_43 = tpu.assume_multiple %add3A_42, 128 : i32
      "tpu.region"() ({
        %run_scoped3A = tpu.sem_alloc : memref<!tpu.dma_semaphore, #tpu.memory_space<semaphore_mem>>
        %dma_start3A_103 = arith.constant 0 : i32
        %dma_start3A_104 = tpu.memref_slice %arg11[%multiple_of3A_43, %dma_start3A_103] : memref<10240x128xf32, #tpu.memory_space<vmem_shared>> -> memref<128x128xf32, #tpu.memory_space<vmem_shared>>
        %dma_start3A_105 = arith.constant 0 : i32
        %dma_start3A_106 = tpu.memref_slice %arg2[%multiple_of3A_43, %dma_start3A_105] : memref<10240x128xf32, #tpu.memory_space<hbm>> -> memref<128x128xf32, #tpu.memory_space<hbm>>
        tpu.enqueue_dma source(%dma_start3A_106 : memref<128x128xf32, #tpu.memory_space<hbm>>) target(%dma_start3A_104 : memref<128x128xf32, #tpu.memory_space<vmem_shared>>) target_semaphore(%run_scoped3A : memref<!tpu.dma_semaphore, #tpu.memory_space<semaphore_mem>>)
        %dma_wait3A = arith.constant 0 : i32
        %dma_wait3A_107 = tpu.memref_slice %arg11[%multiple_of3A_43, %dma_wait3A] : memref<10240x128xf32, #tpu.memory_space<vmem_shared>> -> memref<128x128xf32, #tpu.memory_space<vmem_shared>>
        %dma_wait3A_108 = arith.constant 0 : i32
        %dma_wait3A_109 = tpu.memref_slice %arg2[%multiple_of3A_43, %dma_wait3A_108] : memref<10240x128xf32, #tpu.memory_space<hbm>> -> memref<128x128xf32, #tpu.memory_space<hbm>>
        tpu.wait_dma2 semaphore(%run_scoped3A : memref<!tpu.dma_semaphore, #tpu.memory_space<semaphore_mem>>) src(%dma_wait3A_109 : memref<128x128xf32, #tpu.memory_space<hbm>>) dst(%dma_wait3A_107 : memref<128x128xf32, #tpu.memory_space<vmem_shared>>)
        tpu.yield
      }) : () -> ()
      %mul3A_44 = arith.constant 640 : i32
      %mul3A_45 = arith.muli %arg1, %mul3A_44 : i32
      %add3A_46 = arith.constant 384 : i32
      %add3A_47 = arith.addi %mul3A_45, %add3A_46 : i32
      %multiple_of3A_48 = tpu.assume_multiple %add3A_47, 128 : i32
      "tpu.region"() ({
        %run_scoped3A = tpu.sem_alloc : memref<!tpu.dma_semaphore, #tpu.memory_space<semaphore_mem>>
        %dma_start3A_103 = arith.constant 0 : i32
        %dma_start3A_104 = tpu.memref_slice %arg11[%multiple_of3A_48, %dma_start3A_103] : memref<10240x128xf32, #tpu.memory_space<vmem_shared>> -> memref<128x128xf32, #tpu.memory_space<vmem_shared>>
        %dma_start3A_105 = arith.constant 0 : i32
        %dma_start3A_106 = tpu.memref_slice %arg2[%multiple_of3A_48, %dma_start3A_105] : memref<10240x128xf32, #tpu.memory_space<hbm>> -> memref<128x128xf32, #tpu.memory_space<hbm>>
        tpu.enqueue_dma source(%dma_start3A_106 : memref<128x128xf32, #tpu.memory_space<hbm>>) target(%dma_start3A_104 : memref<128x128xf32, #tpu.memory_space<vmem_shared>>) target_semaphore(%run_scoped3A : memref<!tpu.dma_semaphore, #tpu.memory_space<semaphore_mem>>)
        %dma_wait3A = arith.constant 0 : i32
        %dma_wait3A_107 = tpu.memref_slice %arg11[%multiple_of3A_48, %dma_wait3A] : memref<10240x128xf32, #tpu.memory_space<vmem_shared>> -> memref<128x128xf32, #tpu.memory_space<vmem_shared>>
        %dma_wait3A_108 = arith.constant 0 : i32
        %dma_wait3A_109 = tpu.memref_slice %arg2[%multiple_of3A_48, %dma_wait3A_108] : memref<10240x128xf32, #tpu.memory_space<hbm>> -> memref<128x128xf32, #tpu.memory_space<hbm>>
        tpu.wait_dma2 semaphore(%run_scoped3A : memref<!tpu.dma_semaphore, #tpu.memory_space<semaphore_mem>>) src(%dma_wait3A_109 : memref<128x128xf32, #tpu.memory_space<hbm>>) dst(%dma_wait3A_107 : memref<128x128xf32, #tpu.memory_space<vmem_shared>>)
        tpu.yield
      }) : () -> ()
      %mul3A_49 = arith.constant 640 : i32
      %mul3A_50 = arith.muli %arg1, %mul3A_49 : i32
      %add3A_51 = arith.constant 512 : i32
      %add3A_52 = arith.addi %mul3A_50, %add3A_51 : i32
      %multiple_of3A_53 = tpu.assume_multiple %add3A_52, 128 : i32
      "tpu.region"() ({
        %run_scoped3A = tpu.sem_alloc : memref<!tpu.dma_semaphore, #tpu.memory_space<semaphore_mem>>
        %dma_start3A_103 = arith.constant 0 : i32
        %dma_start3A_104 = tpu.memref_slice %arg11[%multiple_of3A_53, %dma_start3A_103] : memref<10240x128xf32, #tpu.memory_space<vmem_shared>> -> memref<128x128xf32, #tpu.memory_space<vmem_shared>>
        %dma_start3A_105 = arith.constant 0 : i32
        %dma_start3A_106 = tpu.memref_slice %arg2[%multiple_of3A_53, %dma_start3A_105] : memref<10240x128xf32, #tpu.memory_space<hbm>> -> memref<128x128xf32, #tpu.memory_space<hbm>>
        tpu.enqueue_dma source(%dma_start3A_106 : memref<128x128xf32, #tpu.memory_space<hbm>>) target(%dma_start3A_104 : memref<128x128xf32, #tpu.memory_space<vmem_shared>>) target_semaphore(%run_scoped3A : memref<!tpu.dma_semaphore, #tpu.memory_space<semaphore_mem>>)
        %dma_wait3A = arith.constant 0 : i32
        %dma_wait3A_107 = tpu.memref_slice %arg11[%multiple_of3A_53, %dma_wait3A] : memref<10240x128xf32, #tpu.memory_space<vmem_shared>> -> memref<128x128xf32, #tpu.memory_space<vmem_shared>>
        %dma_wait3A_108 = arith.constant 0 : i32
        %dma_wait3A_109 = tpu.memref_slice %arg2[%multiple_of3A_53, %dma_wait3A_108] : memref<10240x128xf32, #tpu.memory_space<hbm>> -> memref<128x128xf32, #tpu.memory_space<hbm>>
        tpu.wait_dma2 semaphore(%run_scoped3A : memref<!tpu.dma_semaphore, #tpu.memory_space<semaphore_mem>>) src(%dma_wait3A_109 : memref<128x128xf32, #tpu.memory_space<hbm>>) dst(%dma_wait3A_107 : memref<128x128xf32, #tpu.memory_space<vmem_shared>>)
        tpu.yield
      }) : () -> ()
      %barrier3A_54 = arith.constant 0 : index
      tpu.barrier barrier_id(%barrier3A_54)
      %mul3A_55 = arith.constant 80 : i32
      %mul3A_56 = arith.muli %arg1, %mul3A_55 : i32
      %add3A_57 = arith.constant 0 : i32
      %add3A_58 = arith.addi %mul3A_56, %add3A_57 : i32
      %multiple_of3A_59 = tpu.assume_multiple %add3A_58, 40 : i32
      "tpu.region"() ({
        %run_scoped3A = tpu.sem_alloc : memref<!tpu.dma_semaphore, #tpu.memory_space<semaphore_mem>>
        %dma_start3A_103 = arith.constant 0 : i32
        %dma_start3A_104 = tpu.memref_slice %arg4[%multiple_of3A_59, %dma_start3A_103] : memref<1280x128xi32, #tpu.memory_space<hbm>> -> memref<40x128xi32, #tpu.memory_space<hbm>>
        %dma_start3A_105 = arith.constant 0 : i32
        %dma_start3A_106 = tpu.memref_slice %arg4[%multiple_of3A_59, %dma_start3A_105] : memref<1280x128xi32, #tpu.memory_space<hbm>> -> memref<40x128xi32, #tpu.memory_space<hbm>>
        tpu.enqueue_dma source(%dma_start3A_106 : memref<40x128xi32, #tpu.memory_space<hbm>>) target(%arg7 : memref<40x128xi32, #tpu.memory_space<vmem>>) target_semaphore(%run_scoped3A : memref<!tpu.dma_semaphore, #tpu.memory_space<semaphore_mem>>)
        %dma_wait3A = arith.constant 0 : i32
        %dma_wait3A_107 = tpu.memref_slice %arg4[%multiple_of3A_59, %dma_wait3A] : memref<1280x128xi32, #tpu.memory_space<hbm>> -> memref<40x128xi32, #tpu.memory_space<hbm>>
        %dma_wait3A_108 = arith.constant 0 : i32
        %dma_wait3A_109 = tpu.memref_slice %arg4[%multiple_of3A_59, %dma_wait3A_108] : memref<1280x128xi32, #tpu.memory_space<hbm>> -> memref<40x128xi32, #tpu.memory_space<hbm>>
        tpu.wait_dma2 semaphore(%run_scoped3A : memref<!tpu.dma_semaphore, #tpu.memory_space<semaphore_mem>>) src(%dma_wait3A_109 : memref<40x128xi32, #tpu.memory_space<hbm>>) dst(%arg7 : memref<40x128xi32, #tpu.memory_space<vmem>>)
        tpu.yield
      }) : () -> ()
      "tpu.region"() ({
        %run_scoped3A = tpu.sem_alloc : memref<!tpu.dma_semaphore, #tpu.memory_space<semaphore_mem>>
        %dma_start3A_103 = arith.constant 0 : i32
        %dma_start3A_104 = tpu.memref_slice %arg5[%multiple_of3A_59, %dma_start3A_103] : memref<1280x128xi32, #tpu.memory_space<hbm>> -> memref<40x128xi32, #tpu.memory_space<hbm>>
        %dma_start3A_105 = arith.constant 0 : i32
        %dma_start3A_106 = tpu.memref_slice %arg5[%multiple_of3A_59, %dma_start3A_105] : memref<1280x128xi32, #tpu.memory_space<hbm>> -> memref<40x128xi32, #tpu.memory_space<hbm>>
        tpu.enqueue_dma source(%dma_start3A_106 : memref<40x128xi32, #tpu.memory_space<hbm>>) target(%arg8 : memref<40x128xi32, #tpu.memory_space<vmem>>) target_semaphore(%run_scoped3A : memref<!tpu.dma_semaphore, #tpu.memory_space<semaphore_mem>>)
        %dma_wait3A = arith.constant 0 : i32
        %dma_wait3A_107 = tpu.memref_slice %arg5[%multiple_of3A_59, %dma_wait3A] : memref<1280x128xi32, #tpu.memory_space<hbm>> -> memref<40x128xi32, #tpu.memory_space<hbm>>
        %dma_wait3A_108 = arith.constant 0 : i32
        %dma_wait3A_109 = tpu.memref_slice %arg5[%multiple_of3A_59, %dma_wait3A_108] : memref<1280x128xi32, #tpu.memory_space<hbm>> -> memref<40x128xi32, #tpu.memory_space<hbm>>
        tpu.wait_dma2 semaphore(%run_scoped3A : memref<!tpu.dma_semaphore, #tpu.memory_space<semaphore_mem>>) src(%dma_wait3A_109 : memref<40x128xi32, #tpu.memory_space<hbm>>) dst(%arg8 : memref<40x128xi32, #tpu.memory_space<vmem>>)
        tpu.yield
      }) : () -> ()
      %dma_start3A = arith.constant 0 : i32
      %dma_start3A_60 = arith.constant 0 : i32
      %dma_start3A_61 = tpu.memref_slice %arg7[%dma_start3A, %dma_start3A_60] : memref<40x128xi32, #tpu.memory_space<vmem>> -> memref<1x128xi32, #tpu.memory_space<vmem>>
      %dma_start3A_62 = tpu.memref_squeeze %dma_start3A_61 : memref<1x128xi32, #tpu.memory_space<vmem>> -> memref<128xi32, #tpu.memory_space<vmem>>
      %dma_start3A_63 = arith.constant 0 : i32
      %dma_start3A_64 = arith.constant 0 : i32
      %dma_start3A_65 = tpu.memref_slice %arg2[%dma_start3A_63, %dma_start3A_64] : memref<10240x128xf32, #tpu.memory_space<hbm>> -> memref<10240x128xf32, #tpu.memory_space<hbm>>
      tpu.enqueue_indirect_dma source(%dma_start3A_65 : memref<10240x128xf32, #tpu.memory_space<hbm>>) target(%arg9 : memref<128x128xf32, #tpu.memory_space<vmem>>) offsets(%dma_start3A_62 : memref<128xi32, #tpu.memory_space<vmem>>) semaphore(%arg12 : memref<!tpu.dma_semaphore, #tpu.memory_space<semaphore_mem>>)
      %dma_start3A_66 = arith.constant 1 : i32
      %dma_start3A_67 = arith.constant 0 : i32
      %dma_start3A_68 = tpu.memref_slice %arg7[%dma_start3A_66, %dma_start3A_67] : memref<40x128xi32, #tpu.memory_space<vmem>> -> memref<1x128xi32, #tpu.memory_space<vmem>>
      %dma_start3A_69 = tpu.memref_squeeze %dma_start3A_68 : memref<1x128xi32, #tpu.memory_space<vmem>> -> memref<128xi32, #tpu.memory_space<vmem>>
      %dma_start3A_70 = arith.constant 0 : i32
      %dma_start3A_71 = arith.constant 0 : i32
      %dma_start3A_72 = tpu.memref_slice %arg2[%dma_start3A_70, %dma_start3A_71] : memref<10240x128xf32, #tpu.memory_space<hbm>> -> memref<10240x128xf32, #tpu.memory_space<hbm>>
      tpu.enqueue_indirect_dma source(%dma_start3A_72 : memref<10240x128xf32, #tpu.memory_space<hbm>>) target(%arg10 : memref<128x128xf32, #tpu.memory_space<vmem>>) offsets(%dma_start3A_69 : memref<128xi32, #tpu.memory_space<vmem>>) semaphore(%arg13 : memref<!tpu.dma_semaphore, #tpu.memory_space<semaphore_mem>>)
      %scan3A = arith.constant 0 : i32
      %scan3A_73 = arith.constant 0 : i32
      %scan3A_74 = arith.constant 20 : i32
      %scan3A_75 = arith.addi %scan3A_73, %scan3A_74 : i32
      %scan3A_76 = arith.constant 1 : i32
      scf.for %scan3A_103 = %scan3A_73 to %scan3A_75 step %scan3A_76  : i32 {
        %mul3A_104 = arith.constant 2 : i32
        %mul3A_105 = arith.muli %scan3A_103, %mul3A_104 : i32
        %add3A_106 = arith.constant 0 : i32
        %add3A_107 = arith.addi %mul3A_105, %add3A_106 : i32
        %dma_wait3A = arith.constant 0 : i32
        %dma_wait3A_108 = arith.constant 0 : i32
        %dma_wait3A_109 = tpu.memref_slice %arg7[%dma_wait3A, %dma_wait3A_108] : memref<40x128xi32, #tpu.memory_space<vmem>> -> memref<1x128xi32, #tpu.memory_space<vmem>>
        %dma_wait3A_110 = tpu.memref_squeeze %dma_wait3A_109 : memref<1x128xi32, #tpu.memory_space<vmem>> -> memref<128xi32, #tpu.memory_space<vmem>>
        %dma_wait3A_111 = arith.constant 0 : i32
        %dma_wait3A_112 = arith.constant 0 : i32
        %dma_wait3A_113 = tpu.memref_slice %arg2[%dma_wait3A_111, %dma_wait3A_112] : memref<10240x128xf32, #tpu.memory_space<hbm>> -> memref<10240x128xf32, #tpu.memory_space<hbm>>
        tpu.wait_indirect_dma semaphore(%arg12 : memref<!tpu.dma_semaphore, #tpu.memory_space<semaphore_mem>>) src(%dma_wait3A_113 : memref<10240x128xf32, #tpu.memory_space<hbm>>) dst(%arg9 : memref<128x128xf32, #tpu.memory_space<vmem>>)
        "tpu.region"() ({
          %run_scoped3A = tpu.sem_alloc : memref<!tpu.dma_semaphore, #tpu.memory_space<semaphore_mem>>
          %dma_start3A_138 = arith.constant 0 : i32
          %dma_start3A_139 = tpu.memref_slice %arg8[%add3A_107, %dma_start3A_138] : memref<40x128xi32, #tpu.memory_space<vmem>> -> memref<1x128xi32, #tpu.memory_space<vmem>>
          %dma_start3A_140 = tpu.memref_squeeze %dma_start3A_139 : memref<1x128xi32, #tpu.memory_space<vmem>> -> memref<128xi32, #tpu.memory_space<vmem>>
          %dma_start3A_141 = arith.constant 0 : i32
          %dma_start3A_142 = arith.constant 0 : i32
          %dma_start3A_143 = tpu.memref_slice %arg11[%dma_start3A_141, %dma_start3A_142] : memref<10240x128xf32, #tpu.memory_space<vmem_shared>> -> memref<10240x128xf32, #tpu.memory_space<vmem_shared>>
          tpu.enqueue_indirect_dma source(%arg9 : memref<128x128xf32, #tpu.memory_space<vmem>>) target(%dma_start3A_143 : memref<10240x128xf32, #tpu.memory_space<vmem_shared>>) offsets(%dma_start3A_140 : memref<128xi32, #tpu.memory_space<vmem>>) semaphore(%run_scoped3A : memref<!tpu.dma_semaphore, #tpu.memory_space<semaphore_mem>>) {add = true}
          %dma_wait3A_144 = arith.constant 0 : i32
          %dma_wait3A_145 = tpu.memref_slice %arg8[%add3A_107, %dma_wait3A_144] : memref<40x128xi32, #tpu.memory_space<vmem>> -> memref<1x128xi32, #tpu.memory_space<vmem>>
          %dma_wait3A_146 = tpu.memref_squeeze %dma_wait3A_145 : memref<1x128xi32, #tpu.memory_space<vmem>> -> memref<128xi32, #tpu.memory_space<vmem>>
          %dma_wait3A_147 = arith.constant 0 : i32
          %dma_wait3A_148 = arith.constant 0 : i32
          %dma_wait3A_149 = tpu.memref_slice %arg11[%dma_wait3A_147, %dma_wait3A_148] : memref<10240x128xf32, #tpu.memory_space<vmem_shared>> -> memref<10240x128xf32, #tpu.memory_space<vmem_shared>>
          tpu.wait_indirect_dma semaphore(%run_scoped3A : memref<!tpu.dma_semaphore, #tpu.memory_space<semaphore_mem>>) src(%arg9 : memref<128x128xf32, #tpu.memory_space<vmem>>) dst(%dma_wait3A_149 : memref<10240x128xf32, #tpu.memory_space<vmem_shared>>)
          tpu.yield
        }) : () -> ()
        %add3A_114 = arith.constant 2 : i32
        %add3A_115 = arith.addi %add3A_107, %add3A_114 : i32
        %lt3A = arith.constant 40 : i32
        %lt3A_116 = arith.cmpi slt, %add3A_115, %lt3A : i32
        %convert_element_type3A_117 = arith.extui %lt3A_116 : i1 to i32
        %cond3A_118 = arith.constant 0 : i32
        %cond3A_119 = arith.cmpi ne, %convert_element_type3A_117, %cond3A_118 : i32
        scf.if %cond3A_119 {
          %add3A_138 = arith.constant 2 : i32
          %add3A_139 = arith.addi %add3A_107, %add3A_138 : i32
          %dma_start3A_140 = arith.constant 0 : i32
          %dma_start3A_141 = tpu.memref_slice %arg7[%add3A_139, %dma_start3A_140] : memref<40x128xi32, #tpu.memory_space<vmem>> -> memref<1x128xi32, #tpu.memory_space<vmem>>
          %dma_start3A_142 = tpu.memref_squeeze %dma_start3A_141 : memref<1x128xi32, #tpu.memory_space<vmem>> -> memref<128xi32, #tpu.memory_space<vmem>>
          %dma_start3A_143 = arith.constant 0 : i32
          %dma_start3A_144 = arith.constant 0 : i32
          %dma_start3A_145 = tpu.memref_slice %arg2[%dma_start3A_143, %dma_start3A_144] : memref<10240x128xf32, #tpu.memory_space<hbm>> -> memref<10240x128xf32, #tpu.memory_space<hbm>>
          tpu.enqueue_indirect_dma source(%dma_start3A_145 : memref<10240x128xf32, #tpu.memory_space<hbm>>) target(%arg9 : memref<128x128xf32, #tpu.memory_space<vmem>>) offsets(%dma_start3A_142 : memref<128xi32, #tpu.memory_space<vmem>>) semaphore(%arg12 : memref<!tpu.dma_semaphore, #tpu.memory_space<semaphore_mem>>)
        } else {
        }
        %mul3A_120 = arith.constant 2 : i32
        %mul3A_121 = arith.muli %scan3A_103, %mul3A_120 : i32
        %add3A_122 = arith.constant 1 : i32
        %add3A_123 = arith.addi %mul3A_121, %add3A_122 : i32
        %dma_wait3A_124 = arith.constant 1 : i32
        %dma_wait3A_125 = arith.constant 0 : i32
        %dma_wait3A_126 = tpu.memref_slice %arg7[%dma_wait3A_124, %dma_wait3A_125] : memref<40x128xi32, #tpu.memory_space<vmem>> -> memref<1x128xi32, #tpu.memory_space<vmem>>
        %dma_wait3A_127 = tpu.memref_squeeze %dma_wait3A_126 : memref<1x128xi32, #tpu.memory_space<vmem>> -> memref<128xi32, #tpu.memory_space<vmem>>
        %dma_wait3A_128 = arith.constant 0 : i32
        %dma_wait3A_129 = arith.constant 0 : i32
        %dma_wait3A_130 = tpu.memref_slice %arg2[%dma_wait3A_128, %dma_wait3A_129] : memref<10240x128xf32, #tpu.memory_space<hbm>> -> memref<10240x128xf32, #tpu.memory_space<hbm>>
        tpu.wait_indirect_dma semaphore(%arg13 : memref<!tpu.dma_semaphore, #tpu.memory_space<semaphore_mem>>) src(%dma_wait3A_130 : memref<10240x128xf32, #tpu.memory_space<hbm>>) dst(%arg10 : memref<128x128xf32, #tpu.memory_space<vmem>>)
        "tpu.region"() ({
          %run_scoped3A = tpu.sem_alloc : memref<!tpu.dma_semaphore, #tpu.memory_space<semaphore_mem>>
          %dma_start3A_138 = arith.constant 0 : i32
          %dma_start3A_139 = tpu.memref_slice %arg8[%add3A_123, %dma_start3A_138] : memref<40x128xi32, #tpu.memory_space<vmem>> -> memref<1x128xi32, #tpu.memory_space<vmem>>
          %dma_start3A_140 = tpu.memref_squeeze %dma_start3A_139 : memref<1x128xi32, #tpu.memory_space<vmem>> -> memref<128xi32, #tpu.memory_space<vmem>>
          %dma_start3A_141 = arith.constant 0 : i32
          %dma_start3A_142 = arith.constant 0 : i32
          %dma_start3A_143 = tpu.memref_slice %arg11[%dma_start3A_141, %dma_start3A_142] : memref<10240x128xf32, #tpu.memory_space<vmem_shared>> -> memref<10240x128xf32, #tpu.memory_space<vmem_shared>>
          tpu.enqueue_indirect_dma source(%arg10 : memref<128x128xf32, #tpu.memory_space<vmem>>) target(%dma_start3A_143 : memref<10240x128xf32, #tpu.memory_space<vmem_shared>>) offsets(%dma_start3A_140 : memref<128xi32, #tpu.memory_space<vmem>>) semaphore(%run_scoped3A : memref<!tpu.dma_semaphore, #tpu.memory_space<semaphore_mem>>) {add = true}
          %dma_wait3A_144 = arith.constant 0 : i32
          %dma_wait3A_145 = tpu.memref_slice %arg8[%add3A_123, %dma_wait3A_144] : memref<40x128xi32, #tpu.memory_space<vmem>> -> memref<1x128xi32, #tpu.memory_space<vmem>>
          %dma_wait3A_146 = tpu.memref_squeeze %dma_wait3A_145 : memref<1x128xi32, #tpu.memory_space<vmem>> -> memref<128xi32, #tpu.memory_space<vmem>>
          %dma_wait3A_147 = arith.constant 0 : i32
          %dma_wait3A_148 = arith.constant 0 : i32
          %dma_wait3A_149 = tpu.memref_slice %arg11[%dma_wait3A_147, %dma_wait3A_148] : memref<10240x128xf32, #tpu.memory_space<vmem_shared>> -> memref<10240x128xf32, #tpu.memory_space<vmem_shared>>
          tpu.wait_indirect_dma semaphore(%run_scoped3A : memref<!tpu.dma_semaphore, #tpu.memory_space<semaphore_mem>>) src(%arg10 : memref<128x128xf32, #tpu.memory_space<vmem>>) dst(%dma_wait3A_149 : memref<10240x128xf32, #tpu.memory_space<vmem_shared>>)
          tpu.yield
        }) : () -> ()
        %add3A_131 = arith.constant 2 : i32
        %add3A_132 = arith.addi %add3A_123, %add3A_131 : i32
        %lt3A_133 = arith.constant 40 : i32
        %lt3A_134 = arith.cmpi slt, %add3A_132, %lt3A_133 : i32
        %convert_element_type3A_135 = arith.extui %lt3A_134 : i1 to i32
        %cond3A_136 = arith.constant 0 : i32
        %cond3A_137 = arith.cmpi ne, %convert_element_type3A_135, %cond3A_136 : i32
        scf.if %cond3A_137 {
          %add3A_138 = arith.constant 2 : i32
          %add3A_139 = arith.addi %add3A_123, %add3A_138 : i32
          %dma_start3A_140 = arith.constant 0 : i32
          %dma_start3A_141 = tpu.memref_slice %arg7[%add3A_139, %dma_start3A_140] : memref<40x128xi32, #tpu.memory_space<vmem>> -> memref<1x128xi32, #tpu.memory_space<vmem>>
          %dma_start3A_142 = tpu.memref_squeeze %dma_start3A_141 : memref<1x128xi32, #tpu.memory_space<vmem>> -> memref<128xi32, #tpu.memory_space<vmem>>
          %dma_start3A_143 = arith.constant 0 : i32
          %dma_start3A_144 = arith.constant 0 : i32
          %dma_start3A_145 = tpu.memref_slice %arg2[%dma_start3A_143, %dma_start3A_144] : memref<10240x128xf32, #tpu.memory_space<hbm>> -> memref<10240x128xf32, #tpu.memory_space<hbm>>
          tpu.enqueue_indirect_dma source(%dma_start3A_145 : memref<10240x128xf32, #tpu.memory_space<hbm>>) target(%arg10 : memref<128x128xf32, #tpu.memory_space<vmem>>) offsets(%dma_start3A_142 : memref<128xi32, #tpu.memory_space<vmem>>) semaphore(%arg13 : memref<!tpu.dma_semaphore, #tpu.memory_space<semaphore_mem>>)
        } else {
        }
      }
      %scan3A_77 = arith.constant 20 : i32
      %mul3A_78 = arith.constant 80 : i32
      %mul3A_79 = arith.muli %arg1, %mul3A_78 : i32
      %add3A_80 = arith.constant 40 : i32
      %add3A_81 = arith.addi %mul3A_79, %add3A_80 : i32
      %multiple_of3A_82 = tpu.assume_multiple %add3A_81, 40 : i32
      "tpu.region"() ({
        %run_scoped3A = tpu.sem_alloc : memref<!tpu.dma_semaphore, #tpu.memory_space<semaphore_mem>>
        %dma_start3A_103 = arith.constant 0 : i32
        %dma_start3A_104 = tpu.memref_slice %arg4[%multiple_of3A_82, %dma_start3A_103] : memref<1280x128xi32, #tpu.memory_space<hbm>> -> memref<40x128xi32, #tpu.memory_space<hbm>>
        %dma_start3A_105 = arith.constant 0 : i32
        %dma_start3A_106 = tpu.memref_slice %arg4[%multiple_of3A_82, %dma_start3A_105] : memref<1280x128xi32, #tpu.memory_space<hbm>> -> memref<40x128xi32, #tpu.memory_space<hbm>>
        tpu.enqueue_dma source(%dma_start3A_106 : memref<40x128xi32, #tpu.memory_space<hbm>>) target(%arg7 : memref<40x128xi32, #tpu.memory_space<vmem>>) target_semaphore(%run_scoped3A : memref<!tpu.dma_semaphore, #tpu.memory_space<semaphore_mem>>)
        %dma_wait3A = arith.constant 0 : i32
        %dma_wait3A_107 = tpu.memref_slice %arg4[%multiple_of3A_82, %dma_wait3A] : memref<1280x128xi32, #tpu.memory_space<hbm>> -> memref<40x128xi32, #tpu.memory_space<hbm>>
        %dma_wait3A_108 = arith.constant 0 : i32
        %dma_wait3A_109 = tpu.memref_slice %arg4[%multiple_of3A_82, %dma_wait3A_108] : memref<1280x128xi32, #tpu.memory_space<hbm>> -> memref<40x128xi32, #tpu.memory_space<hbm>>
        tpu.wait_dma2 semaphore(%run_scoped3A : memref<!tpu.dma_semaphore, #tpu.memory_space<semaphore_mem>>) src(%dma_wait3A_109 : memref<40x128xi32, #tpu.memory_space<hbm>>) dst(%arg7 : memref<40x128xi32, #tpu.memory_space<vmem>>)
        tpu.yield
      }) : () -> ()
      "tpu.region"() ({
        %run_scoped3A = tpu.sem_alloc : memref<!tpu.dma_semaphore, #tpu.memory_space<semaphore_mem>>
        %dma_start3A_103 = arith.constant 0 : i32
        %dma_start3A_104 = tpu.memref_slice %arg5[%multiple_of3A_82, %dma_start3A_103] : memref<1280x128xi32, #tpu.memory_space<hbm>> -> memref<40x128xi32, #tpu.memory_space<hbm>>
        %dma_start3A_105 = arith.constant 0 : i32
        %dma_start3A_106 = tpu.memref_slice %arg5[%multiple_of3A_82, %dma_start3A_105] : memref<1280x128xi32, #tpu.memory_space<hbm>> -> memref<40x128xi32, #tpu.memory_space<hbm>>
        tpu.enqueue_dma source(%dma_start3A_106 : memref<40x128xi32, #tpu.memory_space<hbm>>) target(%arg8 : memref<40x128xi32, #tpu.memory_space<vmem>>) target_semaphore(%run_scoped3A : memref<!tpu.dma_semaphore, #tpu.memory_space<semaphore_mem>>)
        %dma_wait3A = arith.constant 0 : i32
        %dma_wait3A_107 = tpu.memref_slice %arg5[%multiple_of3A_82, %dma_wait3A] : memref<1280x128xi32, #tpu.memory_space<hbm>> -> memref<40x128xi32, #tpu.memory_space<hbm>>
        %dma_wait3A_108 = arith.constant 0 : i32
        %dma_wait3A_109 = tpu.memref_slice %arg5[%multiple_of3A_82, %dma_wait3A_108] : memref<1280x128xi32, #tpu.memory_space<hbm>> -> memref<40x128xi32, #tpu.memory_space<hbm>>
        tpu.wait_dma2 semaphore(%run_scoped3A : memref<!tpu.dma_semaphore, #tpu.memory_space<semaphore_mem>>) src(%dma_wait3A_109 : memref<40x128xi32, #tpu.memory_space<hbm>>) dst(%arg8 : memref<40x128xi32, #tpu.memory_space<vmem>>)
        tpu.yield
      }) : () -> ()
      %dma_start3A_83 = arith.constant 0 : i32
      %dma_start3A_84 = arith.constant 0 : i32
      %dma_start3A_85 = tpu.memref_slice %arg7[%dma_start3A_83, %dma_start3A_84] : memref<40x128xi32, #tpu.memory_space<vmem>> -> memref<1x128xi32, #tpu.memory_space<vmem>>
      %dma_start3A_86 = tpu.memref_squeeze %dma_start3A_85 : memref<1x128xi32, #tpu.memory_space<vmem>> -> memref<128xi32, #tpu.memory_space<vmem>>
      %dma_start3A_87 = arith.constant 0 : i32
      %dma_start3A_88 = arith.constant 0 : i32
      %dma_start3A_89 = tpu.memref_slice %arg2[%dma_start3A_87, %dma_start3A_88] : memref<10240x128xf32, #tpu.memory_space<hbm>> -> memref<10240x128xf32, #tpu.memory_space<hbm>>
      tpu.enqueue_indirect_dma source(%dma_start3A_89 : memref<10240x128xf32, #tpu.memory_space<hbm>>) target(%arg9 : memref<128x128xf32, #tpu.memory_space<vmem>>) offsets(%dma_start3A_86 : memref<128xi32, #tpu.memory_space<vmem>>) semaphore(%arg12 : memref<!tpu.dma_semaphore, #tpu.memory_space<semaphore_mem>>)
      %dma_start3A_90 = arith.constant 1 : i32
      %dma_start3A_91 = arith.constant 0 : i32
      %dma_start3A_92 = tpu.memref_slice %arg7[%dma_start3A_90, %dma_start3A_91] : memref<40x128xi32, #tpu.memory_space<vmem>> -> memref<1x128xi32, #tpu.memory_space<vmem>>
      %dma_start3A_93 = tpu.memref_squeeze %dma_start3A_92 : memref<1x128xi32, #tpu.memory_space<vmem>> -> memref<128xi32, #tpu.memory_space<vmem>>
      %dma_start3A_94 = arith.constant 0 : i32
      %dma_start3A_95 = arith.constant 0 : i32
      %dma_start3A_96 = tpu.memref_slice %arg2[%dma_start3A_94, %dma_start3A_95] : memref<10240x128xf32, #tpu.memory_space<hbm>> -> memref<10240x128xf32, #tpu.memory_space<hbm>>
      tpu.enqueue_indirect_dma source(%dma_start3A_96 : memref<10240x128xf32, #tpu.memory_space<hbm>>) target(%arg10 : memref<128x128xf32, #tpu.memory_space<vmem>>) offsets(%dma_start3A_93 : memref<128xi32, #tpu.memory_space<vmem>>) semaphore(%arg13 : memref<!tpu.dma_semaphore, #tpu.memory_space<semaphore_mem>>)
      %scan3A_97 = arith.constant 0 : i32
      %scan3A_98 = arith.constant 0 : i32
      %scan3A_99 = arith.constant 20 : i32
      %scan3A_100 = arith.addi %scan3A_98, %scan3A_99 : i32
      %scan3A_101 = arith.constant 1 : i32
      scf.for %scan3A_103 = %scan3A_98 to %scan3A_100 step %scan3A_101  : i32 {
        %mul3A_104 = arith.constant 2 : i32
        %mul3A_105 = arith.muli %scan3A_103, %mul3A_104 : i32
        %add3A_106 = arith.constant 0 : i32
        %add3A_107 = arith.addi %mul3A_105, %add3A_106 : i32
        %dma_wait3A = arith.constant 0 : i32
        %dma_wait3A_108 = arith.constant 0 : i32
        %dma_wait3A_109 = tpu.memref_slice %arg7[%dma_wait3A, %dma_wait3A_108] : memref<40x128xi32, #tpu.memory_space<vmem>> -> memref<1x128xi32, #tpu.memory_space<vmem>>
        %dma_wait3A_110 = tpu.memref_squeeze %dma_wait3A_109 : memref<1x128xi32, #tpu.memory_space<vmem>> -> memref<128xi32, #tpu.memory_space<vmem>>
        %dma_wait3A_111 = arith.constant 0 : i32
        %dma_wait3A_112 = arith.constant 0 : i32
        %dma_wait3A_113 = tpu.memref_slice %arg2[%dma_wait3A_111, %dma_wait3A_112] : memref<10240x128xf32, #tpu.memory_space<hbm>> -> memref<10240x128xf32, #tpu.memory_space<hbm>>
        tpu.wait_indirect_dma semaphore(%arg12 : memref<!tpu.dma_semaphore, #tpu.memory_space<semaphore_mem>>) src(%dma_wait3A_113 : memref<10240x128xf32, #tpu.memory_space<hbm>>) dst(%arg9 : memref<128x128xf32, #tpu.memory_space<vmem>>)
        "tpu.region"() ({
          %run_scoped3A = tpu.sem_alloc : memref<!tpu.dma_semaphore, #tpu.memory_space<semaphore_mem>>
          %dma_start3A_138 = arith.constant 0 : i32
          %dma_start3A_139 = tpu.memref_slice %arg8[%add3A_107, %dma_start3A_138] : memref<40x128xi32, #tpu.memory_space<vmem>> -> memref<1x128xi32, #tpu.memory_space<vmem>>
          %dma_start3A_140 = tpu.memref_squeeze %dma_start3A_139 : memref<1x128xi32, #tpu.memory_space<vmem>> -> memref<128xi32, #tpu.memory_space<vmem>>
          %dma_start3A_141 = arith.constant 0 : i32
          %dma_start3A_142 = arith.constant 0 : i32
          %dma_start3A_143 = tpu.memref_slice %arg11[%dma_start3A_141, %dma_start3A_142] : memref<10240x128xf32, #tpu.memory_space<vmem_shared>> -> memref<10240x128xf32, #tpu.memory_space<vmem_shared>>
          tpu.enqueue_indirect_dma source(%arg9 : memref<128x128xf32, #tpu.memory_space<vmem>>) target(%dma_start3A_143 : memref<10240x128xf32, #tpu.memory_space<vmem_shared>>) offsets(%dma_start3A_140 : memref<128xi32, #tpu.memory_space<vmem>>) semaphore(%run_scoped3A : memref<!tpu.dma_semaphore, #tpu.memory_space<semaphore_mem>>) {add = true}
          %dma_wait3A_144 = arith.constant 0 : i32
          %dma_wait3A_145 = tpu.memref_slice %arg8[%add3A_107, %dma_wait3A_144] : memref<40x128xi32, #tpu.memory_space<vmem>> -> memref<1x128xi32, #tpu.memory_space<vmem>>
          %dma_wait3A_146 = tpu.memref_squeeze %dma_wait3A_145 : memref<1x128xi32, #tpu.memory_space<vmem>> -> memref<128xi32, #tpu.memory_space<vmem>>
          %dma_wait3A_147 = arith.constant 0 : i32
          %dma_wait3A_148 = arith.constant 0 : i32
          %dma_wait3A_149 = tpu.memref_slice %arg11[%dma_wait3A_147, %dma_wait3A_148] : memref<10240x128xf32, #tpu.memory_space<vmem_shared>> -> memref<10240x128xf32, #tpu.memory_space<vmem_shared>>
          tpu.wait_indirect_dma semaphore(%run_scoped3A : memref<!tpu.dma_semaphore, #tpu.memory_space<semaphore_mem>>) src(%arg9 : memref<128x128xf32, #tpu.memory_space<vmem>>) dst(%dma_wait3A_149 : memref<10240x128xf32, #tpu.memory_space<vmem_shared>>)
          tpu.yield
        }) : () -> ()
        %add3A_114 = arith.constant 2 : i32
        %add3A_115 = arith.addi %add3A_107, %add3A_114 : i32
        %lt3A = arith.constant 40 : i32
        %lt3A_116 = arith.cmpi slt, %add3A_115, %lt3A : i32
        %convert_element_type3A_117 = arith.extui %lt3A_116 : i1 to i32
        %cond3A_118 = arith.constant 0 : i32
        %cond3A_119 = arith.cmpi ne, %convert_element_type3A_117, %cond3A_118 : i32
        scf.if %cond3A_119 {
          %add3A_138 = arith.constant 2 : i32
          %add3A_139 = arith.addi %add3A_107, %add3A_138 : i32
          %dma_start3A_140 = arith.constant 0 : i32
          %dma_start3A_141 = tpu.memref_slice %arg7[%add3A_139, %dma_start3A_140] : memref<40x128xi32, #tpu.memory_space<vmem>> -> memref<1x128xi32, #tpu.memory_space<vmem>>
          %dma_start3A_142 = tpu.memref_squeeze %dma_start3A_141 : memref<1x128xi32, #tpu.memory_space<vmem>> -> memref<128xi32, #tpu.memory_space<vmem>>
          %dma_start3A_143 = arith.constant 0 : i32
          %dma_start3A_144 = arith.constant 0 : i32
          %dma_start3A_145 = tpu.memref_slice %arg2[%dma_start3A_143, %dma_start3A_144] : memref<10240x128xf32, #tpu.memory_space<hbm>> -> memref<10240x128xf32, #tpu.memory_space<hbm>>
          tpu.enqueue_indirect_dma source(%dma_start3A_145 : memref<10240x128xf32, #tpu.memory_space<hbm>>) target(%arg9 : memref<128x128xf32, #tpu.memory_space<vmem>>) offsets(%dma_start3A_142 : memref<128xi32, #tpu.memory_space<vmem>>) semaphore(%arg12 : memref<!tpu.dma_semaphore, #tpu.memory_space<semaphore_mem>>)
        } else {
        }
        %mul3A_120 = arith.constant 2 : i32
        %mul3A_121 = arith.muli %scan3A_103, %mul3A_120 : i32
        %add3A_122 = arith.constant 1 : i32
        %add3A_123 = arith.addi %mul3A_121, %add3A_122 : i32
        %dma_wait3A_124 = arith.constant 1 : i32
        %dma_wait3A_125 = arith.constant 0 : i32
        %dma_wait3A_126 = tpu.memref_slice %arg7[%dma_wait3A_124, %dma_wait3A_125] : memref<40x128xi32, #tpu.memory_space<vmem>> -> memref<1x128xi32, #tpu.memory_space<vmem>>
        %dma_wait3A_127 = tpu.memref_squeeze %dma_wait3A_126 : memref<1x128xi32, #tpu.memory_space<vmem>> -> memref<128xi32, #tpu.memory_space<vmem>>
        %dma_wait3A_128 = arith.constant 0 : i32
        %dma_wait3A_129 = arith.constant 0 : i32
        %dma_wait3A_130 = tpu.memref_slice %arg2[%dma_wait3A_128, %dma_wait3A_129] : memref<10240x128xf32, #tpu.memory_space<hbm>> -> memref<10240x128xf32, #tpu.memory_space<hbm>>
        tpu.wait_indirect_dma semaphore(%arg13 : memref<!tpu.dma_semaphore, #tpu.memory_space<semaphore_mem>>) src(%dma_wait3A_130 : memref<10240x128xf32, #tpu.memory_space<hbm>>) dst(%arg10 : memref<128x128xf32, #tpu.memory_space<vmem>>)
        "tpu.region"() ({
          %run_scoped3A = tpu.sem_alloc : memref<!tpu.dma_semaphore, #tpu.memory_space<semaphore_mem>>
          %dma_start3A_138 = arith.constant 0 : i32
          %dma_start3A_139 = tpu.memref_slice %arg8[%add3A_123, %dma_start3A_138] : memref<40x128xi32, #tpu.memory_space<vmem>> -> memref<1x128xi32, #tpu.memory_space<vmem>>
          %dma_start3A_140 = tpu.memref_squeeze %dma_start3A_139 : memref<1x128xi32, #tpu.memory_space<vmem>> -> memref<128xi32, #tpu.memory_space<vmem>>
          %dma_start3A_141 = arith.constant 0 : i32
          %dma_start3A_142 = arith.constant 0 : i32
          %dma_start3A_143 = tpu.memref_slice %arg11[%dma_start3A_141, %dma_start3A_142] : memref<10240x128xf32, #tpu.memory_space<vmem_shared>> -> memref<10240x128xf32, #tpu.memory_space<vmem_shared>>
          tpu.enqueue_indirect_dma source(%arg10 : memref<128x128xf32, #tpu.memory_space<vmem>>) target(%dma_start3A_143 : memref<10240x128xf32, #tpu.memory_space<vmem_shared>>) offsets(%dma_start3A_140 : memref<128xi32, #tpu.memory_space<vmem>>) semaphore(%run_scoped3A : memref<!tpu.dma_semaphore, #tpu.memory_space<semaphore_mem>>) {add = true}
          %dma_wait3A_144 = arith.constant 0 : i32
          %dma_wait3A_145 = tpu.memref_slice %arg8[%add3A_123, %dma_wait3A_144] : memref<40x128xi32, #tpu.memory_space<vmem>> -> memref<1x128xi32, #tpu.memory_space<vmem>>
          %dma_wait3A_146 = tpu.memref_squeeze %dma_wait3A_145 : memref<1x128xi32, #tpu.memory_space<vmem>> -> memref<128xi32, #tpu.memory_space<vmem>>
          %dma_wait3A_147 = arith.constant 0 : i32
          %dma_wait3A_148 = arith.constant 0 : i32
          %dma_wait3A_149 = tpu.memref_slice %arg11[%dma_wait3A_147, %dma_wait3A_148] : memref<10240x128xf32, #tpu.memory_space<vmem_shared>> -> memref<10240x128xf32, #tpu.memory_space<vmem_shared>>
          tpu.wait_indirect_dma semaphore(%run_scoped3A : memref<!tpu.dma_semaphore, #tpu.memory_space<semaphore_mem>>) src(%arg10 : memref<128x128xf32, #tpu.memory_space<vmem>>) dst(%dma_wait3A_149 : memref<10240x128xf32, #tpu.memory_space<vmem_shared>>)
          tpu.yield
        }) : () -> ()
        %add3A_131 = arith.constant 2 : i32
        %add3A_132 = arith.addi %add3A_123, %add3A_131 : i32
        %lt3A_133 = arith.constant 40 : i32
        %lt3A_134 = arith.cmpi slt, %add3A_132, %lt3A_133 : i32
        %convert_element_type3A_135 = arith.extui %lt3A_134 : i1 to i32
        %cond3A_136 = arith.constant 0 : i32
        %cond3A_137 = arith.cmpi ne, %convert_element_type3A_135, %cond3A_136 : i32
        scf.if %cond3A_137 {
          %add3A_138 = arith.constant 2 : i32
          %add3A_139 = arith.addi %add3A_123, %add3A_138 : i32
          %dma_start3A_140 = arith.constant 0 : i32
          %dma_start3A_141 = tpu.memref_slice %arg7[%add3A_139, %dma_start3A_140] : memref<40x128xi32, #tpu.memory_space<vmem>> -> memref<1x128xi32, #tpu.memory_space<vmem>>
          %dma_start3A_142 = tpu.memref_squeeze %dma_start3A_141 : memref<1x128xi32, #tpu.memory_space<vmem>> -> memref<128xi32, #tpu.memory_space<vmem>>
          %dma_start3A_143 = arith.constant 0 : i32
          %dma_start3A_144 = arith.constant 0 : i32
          %dma_start3A_145 = tpu.memref_slice %arg2[%dma_start3A_143, %dma_start3A_144] : memref<10240x128xf32, #tpu.memory_space<hbm>> -> memref<10240x128xf32, #tpu.memory_space<hbm>>
          tpu.enqueue_indirect_dma source(%dma_start3A_145 : memref<10240x128xf32, #tpu.memory_space<hbm>>) target(%arg10 : memref<128x128xf32, #tpu.memory_space<vmem>>) offsets(%dma_start3A_142 : memref<128xi32, #tpu.memory_space<vmem>>) semaphore(%arg13 : memref<!tpu.dma_semaphore, #tpu.memory_space<semaphore_mem>>)
        } else {
        }
      }
      %scan3A_102 = arith.constant 20 : i32
    } else {
    }
    %eq3A_2 = arith.constant 1 : i32
    %eq3A_3 = arith.cmpi eq, %arg0, %eq3A_2 : i32
    %convert_element_type3A_4 = arith.extui %eq3A_3 : i1 to i32
    %cond3A_5 = arith.constant 0 : i32
    %cond3A_6 = arith.cmpi ne, %convert_element_type3A_4, %cond3A_5 : i32
    scf.if %cond3A_6 {
      %mul3A_29 = arith.constant 640 : i32
      %mul3A_30 = arith.muli %arg1, %mul3A_29 : i32
      %add3A_31 = arith.constant 0 : i32
      %add3A_32 = arith.addi %mul3A_30, %add3A_31 : i32
      %multiple_of3A_33 = tpu.assume_multiple %add3A_32, 128 : i32
      "tpu.region"() ({
        %run_scoped3A = tpu.sem_alloc : memref<!tpu.dma_semaphore, #tpu.memory_space<semaphore_mem>>
        %dma_start3A_103 = arith.constant 0 : i32
        %dma_start3A_104 = tpu.memref_slice %arg11[%multiple_of3A_33, %dma_start3A_103] : memref<10240x128xf32, #tpu.memory_space<vmem_shared>> -> memref<128x128xf32, #tpu.memory_space<vmem_shared>>
        %dma_start3A_105 = arith.constant 0 : i32
        %dma_start3A_106 = tpu.memref_slice %arg3[%multiple_of3A_33, %dma_start3A_105] : memref<10240x128xf32, #tpu.memory_space<hbm>> -> memref<128x128xf32, #tpu.memory_space<hbm>>
        tpu.enqueue_dma source(%dma_start3A_106 : memref<128x128xf32, #tpu.memory_space<hbm>>) target(%dma_start3A_104 : memref<128x128xf32, #tpu.memory_space<vmem_shared>>) target_semaphore(%run_scoped3A : memref<!tpu.dma_semaphore, #tpu.memory_space<semaphore_mem>>)
        %dma_wait3A = arith.constant 0 : i32
        %dma_wait3A_107 = tpu.memref_slice %arg11[%multiple_of3A_33, %dma_wait3A] : memref<10240x128xf32, #tpu.memory_space<vmem_shared>> -> memref<128x128xf32, #tpu.memory_space<vmem_shared>>
        %dma_wait3A_108 = arith.constant 0 : i32
        %dma_wait3A_109 = tpu.memref_slice %arg3[%multiple_of3A_33, %dma_wait3A_108] : memref<10240x128xf32, #tpu.memory_space<hbm>> -> memref<128x128xf32, #tpu.memory_space<hbm>>
        tpu.wait_dma2 semaphore(%run_scoped3A : memref<!tpu.dma_semaphore, #tpu.memory_space<semaphore_mem>>) src(%dma_wait3A_109 : memref<128x128xf32, #tpu.memory_space<hbm>>) dst(%dma_wait3A_107 : memref<128x128xf32, #tpu.memory_space<vmem_shared>>)
        tpu.yield
      }) : () -> ()
      %mul3A_34 = arith.constant 640 : i32
      %mul3A_35 = arith.muli %arg1, %mul3A_34 : i32
      %add3A_36 = arith.constant 128 : i32
      %add3A_37 = arith.addi %mul3A_35, %add3A_36 : i32
      %multiple_of3A_38 = tpu.assume_multiple %add3A_37, 128 : i32
      "tpu.region"() ({
        %run_scoped3A = tpu.sem_alloc : memref<!tpu.dma_semaphore, #tpu.memory_space<semaphore_mem>>
        %dma_start3A_103 = arith.constant 0 : i32
        %dma_start3A_104 = tpu.memref_slice %arg11[%multiple_of3A_38, %dma_start3A_103] : memref<10240x128xf32, #tpu.memory_space<vmem_shared>> -> memref<128x128xf32, #tpu.memory_space<vmem_shared>>
        %dma_start3A_105 = arith.constant 0 : i32
        %dma_start3A_106 = tpu.memref_slice %arg3[%multiple_of3A_38, %dma_start3A_105] : memref<10240x128xf32, #tpu.memory_space<hbm>> -> memref<128x128xf32, #tpu.memory_space<hbm>>
        tpu.enqueue_dma source(%dma_start3A_106 : memref<128x128xf32, #tpu.memory_space<hbm>>) target(%dma_start3A_104 : memref<128x128xf32, #tpu.memory_space<vmem_shared>>) target_semaphore(%run_scoped3A : memref<!tpu.dma_semaphore, #tpu.memory_space<semaphore_mem>>)
        %dma_wait3A = arith.constant 0 : i32
        %dma_wait3A_107 = tpu.memref_slice %arg11[%multiple_of3A_38, %dma_wait3A] : memref<10240x128xf32, #tpu.memory_space<vmem_shared>> -> memref<128x128xf32, #tpu.memory_space<vmem_shared>>
        %dma_wait3A_108 = arith.constant 0 : i32
        %dma_wait3A_109 = tpu.memref_slice %arg3[%multiple_of3A_38, %dma_wait3A_108] : memref<10240x128xf32, #tpu.memory_space<hbm>> -> memref<128x128xf32, #tpu.memory_space<hbm>>
        tpu.wait_dma2 semaphore(%run_scoped3A : memref<!tpu.dma_semaphore, #tpu.memory_space<semaphore_mem>>) src(%dma_wait3A_109 : memref<128x128xf32, #tpu.memory_space<hbm>>) dst(%dma_wait3A_107 : memref<128x128xf32, #tpu.memory_space<vmem_shared>>)
        tpu.yield
      }) : () -> ()
      %mul3A_39 = arith.constant 640 : i32
      %mul3A_40 = arith.muli %arg1, %mul3A_39 : i32
      %add3A_41 = arith.constant 256 : i32
      %add3A_42 = arith.addi %mul3A_40, %add3A_41 : i32
      %multiple_of3A_43 = tpu.assume_multiple %add3A_42, 128 : i32
      "tpu.region"() ({
        %run_scoped3A = tpu.sem_alloc : memref<!tpu.dma_semaphore, #tpu.memory_space<semaphore_mem>>
        %dma_start3A_103 = arith.constant 0 : i32
        %dma_start3A_104 = tpu.memref_slice %arg11[%multiple_of3A_43, %dma_start3A_103] : memref<10240x128xf32, #tpu.memory_space<vmem_shared>> -> memref<128x128xf32, #tpu.memory_space<vmem_shared>>
        %dma_start3A_105 = arith.constant 0 : i32
        %dma_start3A_106 = tpu.memref_slice %arg3[%multiple_of3A_43, %dma_start3A_105] : memref<10240x128xf32, #tpu.memory_space<hbm>> -> memref<128x128xf32, #tpu.memory_space<hbm>>
        tpu.enqueue_dma source(%dma_start3A_106 : memref<128x128xf32, #tpu.memory_space<hbm>>) target(%dma_start3A_104 : memref<128x128xf32, #tpu.memory_space<vmem_shared>>) target_semaphore(%run_scoped3A : memref<!tpu.dma_semaphore, #tpu.memory_space<semaphore_mem>>)
        %dma_wait3A = arith.constant 0 : i32
        %dma_wait3A_107 = tpu.memref_slice %arg11[%multiple_of3A_43, %dma_wait3A] : memref<10240x128xf32, #tpu.memory_space<vmem_shared>> -> memref<128x128xf32, #tpu.memory_space<vmem_shared>>
        %dma_wait3A_108 = arith.constant 0 : i32
        %dma_wait3A_109 = tpu.memref_slice %arg3[%multiple_of3A_43, %dma_wait3A_108] : memref<10240x128xf32, #tpu.memory_space<hbm>> -> memref<128x128xf32, #tpu.memory_space<hbm>>
        tpu.wait_dma2 semaphore(%run_scoped3A : memref<!tpu.dma_semaphore, #tpu.memory_space<semaphore_mem>>) src(%dma_wait3A_109 : memref<128x128xf32, #tpu.memory_space<hbm>>) dst(%dma_wait3A_107 : memref<128x128xf32, #tpu.memory_space<vmem_shared>>)
        tpu.yield
      }) : () -> ()
      %mul3A_44 = arith.constant 640 : i32
      %mul3A_45 = arith.muli %arg1, %mul3A_44 : i32
      %add3A_46 = arith.constant 384 : i32
      %add3A_47 = arith.addi %mul3A_45, %add3A_46 : i32
      %multiple_of3A_48 = tpu.assume_multiple %add3A_47, 128 : i32
      "tpu.region"() ({
        %run_scoped3A = tpu.sem_alloc : memref<!tpu.dma_semaphore, #tpu.memory_space<semaphore_mem>>
        %dma_start3A_103 = arith.constant 0 : i32
        %dma_start3A_104 = tpu.memref_slice %arg11[%multiple_of3A_48, %dma_start3A_103] : memref<10240x128xf32, #tpu.memory_space<vmem_shared>> -> memref<128x128xf32, #tpu.memory_space<vmem_shared>>
        %dma_start3A_105 = arith.constant 0 : i32
        %dma_start3A_106 = tpu.memref_slice %arg3[%multiple_of3A_48, %dma_start3A_105] : memref<10240x128xf32, #tpu.memory_space<hbm>> -> memref<128x128xf32, #tpu.memory_space<hbm>>
        tpu.enqueue_dma source(%dma_start3A_106 : memref<128x128xf32, #tpu.memory_space<hbm>>) target(%dma_start3A_104 : memref<128x128xf32, #tpu.memory_space<vmem_shared>>) target_semaphore(%run_scoped3A : memref<!tpu.dma_semaphore, #tpu.memory_space<semaphore_mem>>)
        %dma_wait3A = arith.constant 0 : i32
        %dma_wait3A_107 = tpu.memref_slice %arg11[%multiple_of3A_48, %dma_wait3A] : memref<10240x128xf32, #tpu.memory_space<vmem_shared>> -> memref<128x128xf32, #tpu.memory_space<vmem_shared>>
        %dma_wait3A_108 = arith.constant 0 : i32
        %dma_wait3A_109 = tpu.memref_slice %arg3[%multiple_of3A_48, %dma_wait3A_108] : memref<10240x128xf32, #tpu.memory_space<hbm>> -> memref<128x128xf32, #tpu.memory_space<hbm>>
        tpu.wait_dma2 semaphore(%run_scoped3A : memref<!tpu.dma_semaphore, #tpu.memory_space<semaphore_mem>>) src(%dma_wait3A_109 : memref<128x128xf32, #tpu.memory_space<hbm>>) dst(%dma_wait3A_107 : memref<128x128xf32, #tpu.memory_space<vmem_shared>>)
        tpu.yield
      }) : () -> ()
      %mul3A_49 = arith.constant 640 : i32
      %mul3A_50 = arith.muli %arg1, %mul3A_49 : i32
      %add3A_51 = arith.constant 512 : i32
      %add3A_52 = arith.addi %mul3A_50, %add3A_51 : i32
      %multiple_of3A_53 = tpu.assume_multiple %add3A_52, 128 : i32
      "tpu.region"() ({
        %run_scoped3A = tpu.sem_alloc : memref<!tpu.dma_semaphore, #tpu.memory_space<semaphore_mem>>
        %dma_start3A_103 = arith.constant 0 : i32
        %dma_start3A_104 = tpu.memref_slice %arg11[%multiple_of3A_53, %dma_start3A_103] : memref<10240x128xf32, #tpu.memory_space<vmem_shared>> -> memref<128x128xf32, #tpu.memory_space<vmem_shared>>
        %dma_start3A_105 = arith.constant 0 : i32
        %dma_start3A_106 = tpu.memref_slice %arg3[%multiple_of3A_53, %dma_start3A_105] : memref<10240x128xf32, #tpu.memory_space<hbm>> -> memref<128x128xf32, #tpu.memory_space<hbm>>
        tpu.enqueue_dma source(%dma_start3A_106 : memref<128x128xf32, #tpu.memory_space<hbm>>) target(%dma_start3A_104 : memref<128x128xf32, #tpu.memory_space<vmem_shared>>) target_semaphore(%run_scoped3A : memref<!tpu.dma_semaphore, #tpu.memory_space<semaphore_mem>>)
        %dma_wait3A = arith.constant 0 : i32
        %dma_wait3A_107 = tpu.memref_slice %arg11[%multiple_of3A_53, %dma_wait3A] : memref<10240x128xf32, #tpu.memory_space<vmem_shared>> -> memref<128x128xf32, #tpu.memory_space<vmem_shared>>
        %dma_wait3A_108 = arith.constant 0 : i32
        %dma_wait3A_109 = tpu.memref_slice %arg3[%multiple_of3A_53, %dma_wait3A_108] : memref<10240x128xf32, #tpu.memory_space<hbm>> -> memref<128x128xf32, #tpu.memory_space<hbm>>
        tpu.wait_dma2 semaphore(%run_scoped3A : memref<!tpu.dma_semaphore, #tpu.memory_space<semaphore_mem>>) src(%dma_wait3A_109 : memref<128x128xf32, #tpu.memory_space<hbm>>) dst(%dma_wait3A_107 : memref<128x128xf32, #tpu.memory_space<vmem_shared>>)
        tpu.yield
      }) : () -> ()
      %barrier3A_54 = arith.constant 0 : index
      tpu.barrier barrier_id(%barrier3A_54)
      %mul3A_55 = arith.constant 80 : i32
      %mul3A_56 = arith.muli %arg1, %mul3A_55 : i32
      %add3A_57 = arith.constant 0 : i32
      %add3A_58 = arith.addi %mul3A_56, %add3A_57 : i32
      %multiple_of3A_59 = tpu.assume_multiple %add3A_58, 40 : i32
      "tpu.region"() ({
        %run_scoped3A = tpu.sem_alloc : memref<!tpu.dma_semaphore, #tpu.memory_space<semaphore_mem>>
        %dma_start3A_103 = arith.constant 0 : i32
        %dma_start3A_104 = tpu.memref_slice %arg4[%multiple_of3A_59, %dma_start3A_103] : memref<1280x128xi32, #tpu.memory_space<hbm>> -> memref<40x128xi32, #tpu.memory_space<hbm>>
        %dma_start3A_105 = arith.constant 0 : i32
        %dma_start3A_106 = tpu.memref_slice %arg4[%multiple_of3A_59, %dma_start3A_105] : memref<1280x128xi32, #tpu.memory_space<hbm>> -> memref<40x128xi32, #tpu.memory_space<hbm>>
        tpu.enqueue_dma source(%dma_start3A_106 : memref<40x128xi32, #tpu.memory_space<hbm>>) target(%arg7 : memref<40x128xi32, #tpu.memory_space<vmem>>) target_semaphore(%run_scoped3A : memref<!tpu.dma_semaphore, #tpu.memory_space<semaphore_mem>>)
        %dma_wait3A = arith.constant 0 : i32
        %dma_wait3A_107 = tpu.memref_slice %arg4[%multiple_of3A_59, %dma_wait3A] : memref<1280x128xi32, #tpu.memory_space<hbm>> -> memref<40x128xi32, #tpu.memory_space<hbm>>
        %dma_wait3A_108 = arith.constant 0 : i32
        %dma_wait3A_109 = tpu.memref_slice %arg4[%multiple_of3A_59, %dma_wait3A_108] : memref<1280x128xi32, #tpu.memory_space<hbm>> -> memref<40x128xi32, #tpu.memory_space<hbm>>
        tpu.wait_dma2 semaphore(%run_scoped3A : memref<!tpu.dma_semaphore, #tpu.memory_space<semaphore_mem>>) src(%dma_wait3A_109 : memref<40x128xi32, #tpu.memory_space<hbm>>) dst(%arg7 : memref<40x128xi32, #tpu.memory_space<vmem>>)
        tpu.yield
      }) : () -> ()
      "tpu.region"() ({
        %run_scoped3A = tpu.sem_alloc : memref<!tpu.dma_semaphore, #tpu.memory_space<semaphore_mem>>
        %dma_start3A_103 = arith.constant 0 : i32
        %dma_start3A_104 = tpu.memref_slice %arg5[%multiple_of3A_59, %dma_start3A_103] : memref<1280x128xi32, #tpu.memory_space<hbm>> -> memref<40x128xi32, #tpu.memory_space<hbm>>
        %dma_start3A_105 = arith.constant 0 : i32
        %dma_start3A_106 = tpu.memref_slice %arg5[%multiple_of3A_59, %dma_start3A_105] : memref<1280x128xi32, #tpu.memory_space<hbm>> -> memref<40x128xi32, #tpu.memory_space<hbm>>
        tpu.enqueue_dma source(%dma_start3A_106 : memref<40x128xi32, #tpu.memory_space<hbm>>) target(%arg8 : memref<40x128xi32, #tpu.memory_space<vmem>>) target_semaphore(%run_scoped3A : memref<!tpu.dma_semaphore, #tpu.memory_space<semaphore_mem>>)
        %dma_wait3A = arith.constant 0 : i32
        %dma_wait3A_107 = tpu.memref_slice %arg5[%multiple_of3A_59, %dma_wait3A] : memref<1280x128xi32, #tpu.memory_space<hbm>> -> memref<40x128xi32, #tpu.memory_space<hbm>>
        %dma_wait3A_108 = arith.constant 0 : i32
        %dma_wait3A_109 = tpu.memref_slice %arg5[%multiple_of3A_59, %dma_wait3A_108] : memref<1280x128xi32, #tpu.memory_space<hbm>> -> memref<40x128xi32, #tpu.memory_space<hbm>>
        tpu.wait_dma2 semaphore(%run_scoped3A : memref<!tpu.dma_semaphore, #tpu.memory_space<semaphore_mem>>) src(%dma_wait3A_109 : memref<40x128xi32, #tpu.memory_space<hbm>>) dst(%arg8 : memref<40x128xi32, #tpu.memory_space<vmem>>)
        tpu.yield
      }) : () -> ()
      %dma_start3A = arith.constant 0 : i32
      %dma_start3A_60 = arith.constant 0 : i32
      %dma_start3A_61 = tpu.memref_slice %arg7[%dma_start3A, %dma_start3A_60] : memref<40x128xi32, #tpu.memory_space<vmem>> -> memref<1x128xi32, #tpu.memory_space<vmem>>
      %dma_start3A_62 = tpu.memref_squeeze %dma_start3A_61 : memref<1x128xi32, #tpu.memory_space<vmem>> -> memref<128xi32, #tpu.memory_space<vmem>>
      %dma_start3A_63 = arith.constant 0 : i32
      %dma_start3A_64 = arith.constant 0 : i32
      %dma_start3A_65 = tpu.memref_slice %arg3[%dma_start3A_63, %dma_start3A_64] : memref<10240x128xf32, #tpu.memory_space<hbm>> -> memref<10240x128xf32, #tpu.memory_space<hbm>>
      tpu.enqueue_indirect_dma source(%dma_start3A_65 : memref<10240x128xf32, #tpu.memory_space<hbm>>) target(%arg9 : memref<128x128xf32, #tpu.memory_space<vmem>>) offsets(%dma_start3A_62 : memref<128xi32, #tpu.memory_space<vmem>>) semaphore(%arg12 : memref<!tpu.dma_semaphore, #tpu.memory_space<semaphore_mem>>)
      %dma_start3A_66 = arith.constant 1 : i32
      %dma_start3A_67 = arith.constant 0 : i32
      %dma_start3A_68 = tpu.memref_slice %arg7[%dma_start3A_66, %dma_start3A_67] : memref<40x128xi32, #tpu.memory_space<vmem>> -> memref<1x128xi32, #tpu.memory_space<vmem>>
      %dma_start3A_69 = tpu.memref_squeeze %dma_start3A_68 : memref<1x128xi32, #tpu.memory_space<vmem>> -> memref<128xi32, #tpu.memory_space<vmem>>
      %dma_start3A_70 = arith.constant 0 : i32
      %dma_start3A_71 = arith.constant 0 : i32
      %dma_start3A_72 = tpu.memref_slice %arg3[%dma_start3A_70, %dma_start3A_71] : memref<10240x128xf32, #tpu.memory_space<hbm>> -> memref<10240x128xf32, #tpu.memory_space<hbm>>
      tpu.enqueue_indirect_dma source(%dma_start3A_72 : memref<10240x128xf32, #tpu.memory_space<hbm>>) target(%arg10 : memref<128x128xf32, #tpu.memory_space<vmem>>) offsets(%dma_start3A_69 : memref<128xi32, #tpu.memory_space<vmem>>) semaphore(%arg13 : memref<!tpu.dma_semaphore, #tpu.memory_space<semaphore_mem>>)
      %scan3A = arith.constant 0 : i32
      %scan3A_73 = arith.constant 0 : i32
      %scan3A_74 = arith.constant 20 : i32
      %scan3A_75 = arith.addi %scan3A_73, %scan3A_74 : i32
      %scan3A_76 = arith.constant 1 : i32
      scf.for %scan3A_103 = %scan3A_73 to %scan3A_75 step %scan3A_76  : i32 {
        %mul3A_104 = arith.constant 2 : i32
        %mul3A_105 = arith.muli %scan3A_103, %mul3A_104 : i32
        %add3A_106 = arith.constant 0 : i32
        %add3A_107 = arith.addi %mul3A_105, %add3A_106 : i32
        %dma_wait3A = arith.constant 0 : i32
        %dma_wait3A_108 = arith.constant 0 : i32
        %dma_wait3A_109 = tpu.memref_slice %arg7[%dma_wait3A, %dma_wait3A_108] : memref<40x128xi32, #tpu.memory_space<vmem>> -> memref<1x128xi32, #tpu.memory_space<vmem>>
        %dma_wait3A_110 = tpu.memref_squeeze %dma_wait3A_109 : memref<1x128xi32, #tpu.memory_space<vmem>> -> memref<128xi32, #tpu.memory_space<vmem>>
        %dma_wait3A_111 = arith.constant 0 : i32
        %dma_wait3A_112 = arith.constant 0 : i32
        %dma_wait3A_113 = tpu.memref_slice %arg3[%dma_wait3A_111, %dma_wait3A_112] : memref<10240x128xf32, #tpu.memory_space<hbm>> -> memref<10240x128xf32, #tpu.memory_space<hbm>>
        tpu.wait_indirect_dma semaphore(%arg12 : memref<!tpu.dma_semaphore, #tpu.memory_space<semaphore_mem>>) src(%dma_wait3A_113 : memref<10240x128xf32, #tpu.memory_space<hbm>>) dst(%arg9 : memref<128x128xf32, #tpu.memory_space<vmem>>)
        "tpu.region"() ({
          %run_scoped3A = tpu.sem_alloc : memref<!tpu.dma_semaphore, #tpu.memory_space<semaphore_mem>>
          %dma_start3A_138 = arith.constant 0 : i32
          %dma_start3A_139 = tpu.memref_slice %arg8[%add3A_107, %dma_start3A_138] : memref<40x128xi32, #tpu.memory_space<vmem>> -> memref<1x128xi32, #tpu.memory_space<vmem>>
          %dma_start3A_140 = tpu.memref_squeeze %dma_start3A_139 : memref<1x128xi32, #tpu.memory_space<vmem>> -> memref<128xi32, #tpu.memory_space<vmem>>
          %dma_start3A_141 = arith.constant 0 : i32
          %dma_start3A_142 = arith.constant 0 : i32
          %dma_start3A_143 = tpu.memref_slice %arg11[%dma_start3A_141, %dma_start3A_142] : memref<10240x128xf32, #tpu.memory_space<vmem_shared>> -> memref<10240x128xf32, #tpu.memory_space<vmem_shared>>
          tpu.enqueue_indirect_dma source(%arg9 : memref<128x128xf32, #tpu.memory_space<vmem>>) target(%dma_start3A_143 : memref<10240x128xf32, #tpu.memory_space<vmem_shared>>) offsets(%dma_start3A_140 : memref<128xi32, #tpu.memory_space<vmem>>) semaphore(%run_scoped3A : memref<!tpu.dma_semaphore, #tpu.memory_space<semaphore_mem>>) {add = true}
          %dma_wait3A_144 = arith.constant 0 : i32
          %dma_wait3A_145 = tpu.memref_slice %arg8[%add3A_107, %dma_wait3A_144] : memref<40x128xi32, #tpu.memory_space<vmem>> -> memref<1x128xi32, #tpu.memory_space<vmem>>
          %dma_wait3A_146 = tpu.memref_squeeze %dma_wait3A_145 : memref<1x128xi32, #tpu.memory_space<vmem>> -> memref<128xi32, #tpu.memory_space<vmem>>
          %dma_wait3A_147 = arith.constant 0 : i32
          %dma_wait3A_148 = arith.constant 0 : i32
          %dma_wait3A_149 = tpu.memref_slice %arg11[%dma_wait3A_147, %dma_wait3A_148] : memref<10240x128xf32, #tpu.memory_space<vmem_shared>> -> memref<10240x128xf32, #tpu.memory_space<vmem_shared>>
          tpu.wait_indirect_dma semaphore(%run_scoped3A : memref<!tpu.dma_semaphore, #tpu.memory_space<semaphore_mem>>) src(%arg9 : memref<128x128xf32, #tpu.memory_space<vmem>>) dst(%dma_wait3A_149 : memref<10240x128xf32, #tpu.memory_space<vmem_shared>>)
          tpu.yield
        }) : () -> ()
        %add3A_114 = arith.constant 2 : i32
        %add3A_115 = arith.addi %add3A_107, %add3A_114 : i32
        %lt3A = arith.constant 40 : i32
        %lt3A_116 = arith.cmpi slt, %add3A_115, %lt3A : i32
        %convert_element_type3A_117 = arith.extui %lt3A_116 : i1 to i32
        %cond3A_118 = arith.constant 0 : i32
        %cond3A_119 = arith.cmpi ne, %convert_element_type3A_117, %cond3A_118 : i32
        scf.if %cond3A_119 {
          %add3A_138 = arith.constant 2 : i32
          %add3A_139 = arith.addi %add3A_107, %add3A_138 : i32
          %dma_start3A_140 = arith.constant 0 : i32
          %dma_start3A_141 = tpu.memref_slice %arg7[%add3A_139, %dma_start3A_140] : memref<40x128xi32, #tpu.memory_space<vmem>> -> memref<1x128xi32, #tpu.memory_space<vmem>>
          %dma_start3A_142 = tpu.memref_squeeze %dma_start3A_141 : memref<1x128xi32, #tpu.memory_space<vmem>> -> memref<128xi32, #tpu.memory_space<vmem>>
          %dma_start3A_143 = arith.constant 0 : i32
          %dma_start3A_144 = arith.constant 0 : i32
          %dma_start3A_145 = tpu.memref_slice %arg3[%dma_start3A_143, %dma_start3A_144] : memref<10240x128xf32, #tpu.memory_space<hbm>> -> memref<10240x128xf32, #tpu.memory_space<hbm>>
          tpu.enqueue_indirect_dma source(%dma_start3A_145 : memref<10240x128xf32, #tpu.memory_space<hbm>>) target(%arg9 : memref<128x128xf32, #tpu.memory_space<vmem>>) offsets(%dma_start3A_142 : memref<128xi32, #tpu.memory_space<vmem>>) semaphore(%arg12 : memref<!tpu.dma_semaphore, #tpu.memory_space<semaphore_mem>>)
        } else {
        }
        %mul3A_120 = arith.constant 2 : i32
        %mul3A_121 = arith.muli %scan3A_103, %mul3A_120 : i32
        %add3A_122 = arith.constant 1 : i32
        %add3A_123 = arith.addi %mul3A_121, %add3A_122 : i32
        %dma_wait3A_124 = arith.constant 1 : i32
        %dma_wait3A_125 = arith.constant 0 : i32
        %dma_wait3A_126 = tpu.memref_slice %arg7[%dma_wait3A_124, %dma_wait3A_125] : memref<40x128xi32, #tpu.memory_space<vmem>> -> memref<1x128xi32, #tpu.memory_space<vmem>>
        %dma_wait3A_127 = tpu.memref_squeeze %dma_wait3A_126 : memref<1x128xi32, #tpu.memory_space<vmem>> -> memref<128xi32, #tpu.memory_space<vmem>>
        %dma_wait3A_128 = arith.constant 0 : i32
        %dma_wait3A_129 = arith.constant 0 : i32
        %dma_wait3A_130 = tpu.memref_slice %arg3[%dma_wait3A_128, %dma_wait3A_129] : memref<10240x128xf32, #tpu.memory_space<hbm>> -> memref<10240x128xf32, #tpu.memory_space<hbm>>
        tpu.wait_indirect_dma semaphore(%arg13 : memref<!tpu.dma_semaphore, #tpu.memory_space<semaphore_mem>>) src(%dma_wait3A_130 : memref<10240x128xf32, #tpu.memory_space<hbm>>) dst(%arg10 : memref<128x128xf32, #tpu.memory_space<vmem>>)
        "tpu.region"() ({
          %run_scoped3A = tpu.sem_alloc : memref<!tpu.dma_semaphore, #tpu.memory_space<semaphore_mem>>
          %dma_start3A_138 = arith.constant 0 : i32
          %dma_start3A_139 = tpu.memref_slice %arg8[%add3A_123, %dma_start3A_138] : memref<40x128xi32, #tpu.memory_space<vmem>> -> memref<1x128xi32, #tpu.memory_space<vmem>>
          %dma_start3A_140 = tpu.memref_squeeze %dma_start3A_139 : memref<1x128xi32, #tpu.memory_space<vmem>> -> memref<128xi32, #tpu.memory_space<vmem>>
          %dma_start3A_141 = arith.constant 0 : i32
          %dma_start3A_142 = arith.constant 0 : i32
          %dma_start3A_143 = tpu.memref_slice %arg11[%dma_start3A_141, %dma_start3A_142] : memref<10240x128xf32, #tpu.memory_space<vmem_shared>> -> memref<10240x128xf32, #tpu.memory_space<vmem_shared>>
          tpu.enqueue_indirect_dma source(%arg10 : memref<128x128xf32, #tpu.memory_space<vmem>>) target(%dma_start3A_143 : memref<10240x128xf32, #tpu.memory_space<vmem_shared>>) offsets(%dma_start3A_140 : memref<128xi32, #tpu.memory_space<vmem>>) semaphore(%run_scoped3A : memref<!tpu.dma_semaphore, #tpu.memory_space<semaphore_mem>>) {add = true}
          %dma_wait3A_144 = arith.constant 0 : i32
          %dma_wait3A_145 = tpu.memref_slice %arg8[%add3A_123, %dma_wait3A_144] : memref<40x128xi32, #tpu.memory_space<vmem>> -> memref<1x128xi32, #tpu.memory_space<vmem>>
          %dma_wait3A_146 = tpu.memref_squeeze %dma_wait3A_145 : memref<1x128xi32, #tpu.memory_space<vmem>> -> memref<128xi32, #tpu.memory_space<vmem>>
          %dma_wait3A_147 = arith.constant 0 : i32
          %dma_wait3A_148 = arith.constant 0 : i32
          %dma_wait3A_149 = tpu.memref_slice %arg11[%dma_wait3A_147, %dma_wait3A_148] : memref<10240x128xf32, #tpu.memory_space<vmem_shared>> -> memref<10240x128xf32, #tpu.memory_space<vmem_shared>>
          tpu.wait_indirect_dma semaphore(%run_scoped3A : memref<!tpu.dma_semaphore, #tpu.memory_space<semaphore_mem>>) src(%arg10 : memref<128x128xf32, #tpu.memory_space<vmem>>) dst(%dma_wait3A_149 : memref<10240x128xf32, #tpu.memory_space<vmem_shared>>)
          tpu.yield
        }) : () -> ()
        %add3A_131 = arith.constant 2 : i32
        %add3A_132 = arith.addi %add3A_123, %add3A_131 : i32
        %lt3A_133 = arith.constant 40 : i32
        %lt3A_134 = arith.cmpi slt, %add3A_132, %lt3A_133 : i32
        %convert_element_type3A_135 = arith.extui %lt3A_134 : i1 to i32
        %cond3A_136 = arith.constant 0 : i32
        %cond3A_137 = arith.cmpi ne, %convert_element_type3A_135, %cond3A_136 : i32
        scf.if %cond3A_137 {
          %add3A_138 = arith.constant 2 : i32
          %add3A_139 = arith.addi %add3A_123, %add3A_138 : i32
          %dma_start3A_140 = arith.constant 0 : i32
          %dma_start3A_141 = tpu.memref_slice %arg7[%add3A_139, %dma_start3A_140] : memref<40x128xi32, #tpu.memory_space<vmem>> -> memref<1x128xi32, #tpu.memory_space<vmem>>
          %dma_start3A_142 = tpu.memref_squeeze %dma_start3A_141 : memref<1x128xi32, #tpu.memory_space<vmem>> -> memref<128xi32, #tpu.memory_space<vmem>>
          %dma_start3A_143 = arith.constant 0 : i32
          %dma_start3A_144 = arith.constant 0 : i32
          %dma_start3A_145 = tpu.memref_slice %arg3[%dma_start3A_143, %dma_start3A_144] : memref<10240x128xf32, #tpu.memory_space<hbm>> -> memref<10240x128xf32, #tpu.memory_space<hbm>>
          tpu.enqueue_indirect_dma source(%dma_start3A_145 : memref<10240x128xf32, #tpu.memory_space<hbm>>) target(%arg10 : memref<128x128xf32, #tpu.memory_space<vmem>>) offsets(%dma_start3A_142 : memref<128xi32, #tpu.memory_space<vmem>>) semaphore(%arg13 : memref<!tpu.dma_semaphore, #tpu.memory_space<semaphore_mem>>)
        } else {
        }
      }
      %scan3A_77 = arith.constant 20 : i32
      %mul3A_78 = arith.constant 80 : i32
      %mul3A_79 = arith.muli %arg1, %mul3A_78 : i32
      %add3A_80 = arith.constant 40 : i32
      %add3A_81 = arith.addi %mul3A_79, %add3A_80 : i32
      %multiple_of3A_82 = tpu.assume_multiple %add3A_81, 40 : i32
      "tpu.region"() ({
        %run_scoped3A = tpu.sem_alloc : memref<!tpu.dma_semaphore, #tpu.memory_space<semaphore_mem>>
        %dma_start3A_103 = arith.constant 0 : i32
        %dma_start3A_104 = tpu.memref_slice %arg4[%multiple_of3A_82, %dma_start3A_103] : memref<1280x128xi32, #tpu.memory_space<hbm>> -> memref<40x128xi32, #tpu.memory_space<hbm>>
        %dma_start3A_105 = arith.constant 0 : i32
        %dma_start3A_106 = tpu.memref_slice %arg4[%multiple_of3A_82, %dma_start3A_105] : memref<1280x128xi32, #tpu.memory_space<hbm>> -> memref<40x128xi32, #tpu.memory_space<hbm>>
        tpu.enqueue_dma source(%dma_start3A_106 : memref<40x128xi32, #tpu.memory_space<hbm>>) target(%arg7 : memref<40x128xi32, #tpu.memory_space<vmem>>) target_semaphore(%run_scoped3A : memref<!tpu.dma_semaphore, #tpu.memory_space<semaphore_mem>>)
        %dma_wait3A = arith.constant 0 : i32
        %dma_wait3A_107 = tpu.memref_slice %arg4[%multiple_of3A_82, %dma_wait3A] : memref<1280x128xi32, #tpu.memory_space<hbm>> -> memref<40x128xi32, #tpu.memory_space<hbm>>
        %dma_wait3A_108 = arith.constant 0 : i32
        %dma_wait3A_109 = tpu.memref_slice %arg4[%multiple_of3A_82, %dma_wait3A_108] : memref<1280x128xi32, #tpu.memory_space<hbm>> -> memref<40x128xi32, #tpu.memory_space<hbm>>
        tpu.wait_dma2 semaphore(%run_scoped3A : memref<!tpu.dma_semaphore, #tpu.memory_space<semaphore_mem>>) src(%dma_wait3A_109 : memref<40x128xi32, #tpu.memory_space<hbm>>) dst(%arg7 : memref<40x128xi32, #tpu.memory_space<vmem>>)
        tpu.yield
      }) : () -> ()
      "tpu.region"() ({
        %run_scoped3A = tpu.sem_alloc : memref<!tpu.dma_semaphore, #tpu.memory_space<semaphore_mem>>
        %dma_start3A_103 = arith.constant 0 : i32
        %dma_start3A_104 = tpu.memref_slice %arg5[%multiple_of3A_82, %dma_start3A_103] : memref<1280x128xi32, #tpu.memory_space<hbm>> -> memref<40x128xi32, #tpu.memory_space<hbm>>
        %dma_start3A_105 = arith.constant 0 : i32
        %dma_start3A_106 = tpu.memref_slice %arg5[%multiple_of3A_82, %dma_start3A_105] : memref<1280x128xi32, #tpu.memory_space<hbm>> -> memref<40x128xi32, #tpu.memory_space<hbm>>
        tpu.enqueue_dma source(%dma_start3A_106 : memref<40x128xi32, #tpu.memory_space<hbm>>) target(%arg8 : memref<40x128xi32, #tpu.memory_space<vmem>>) target_semaphore(%run_scoped3A : memref<!tpu.dma_semaphore, #tpu.memory_space<semaphore_mem>>)
        %dma_wait3A = arith.constant 0 : i32
        %dma_wait3A_107 = tpu.memref_slice %arg5[%multiple_of3A_82, %dma_wait3A] : memref<1280x128xi32, #tpu.memory_space<hbm>> -> memref<40x128xi32, #tpu.memory_space<hbm>>
        %dma_wait3A_108 = arith.constant 0 : i32
        %dma_wait3A_109 = tpu.memref_slice %arg5[%multiple_of3A_82, %dma_wait3A_108] : memref<1280x128xi32, #tpu.memory_space<hbm>> -> memref<40x128xi32, #tpu.memory_space<hbm>>
        tpu.wait_dma2 semaphore(%run_scoped3A : memref<!tpu.dma_semaphore, #tpu.memory_space<semaphore_mem>>) src(%dma_wait3A_109 : memref<40x128xi32, #tpu.memory_space<hbm>>) dst(%arg8 : memref<40x128xi32, #tpu.memory_space<vmem>>)
        tpu.yield
      }) : () -> ()
      %dma_start3A_83 = arith.constant 0 : i32
      %dma_start3A_84 = arith.constant 0 : i32
      %dma_start3A_85 = tpu.memref_slice %arg7[%dma_start3A_83, %dma_start3A_84] : memref<40x128xi32, #tpu.memory_space<vmem>> -> memref<1x128xi32, #tpu.memory_space<vmem>>
      %dma_start3A_86 = tpu.memref_squeeze %dma_start3A_85 : memref<1x128xi32, #tpu.memory_space<vmem>> -> memref<128xi32, #tpu.memory_space<vmem>>
      %dma_start3A_87 = arith.constant 0 : i32
      %dma_start3A_88 = arith.constant 0 : i32
      %dma_start3A_89 = tpu.memref_slice %arg3[%dma_start3A_87, %dma_start3A_88] : memref<10240x128xf32, #tpu.memory_space<hbm>> -> memref<10240x128xf32, #tpu.memory_space<hbm>>
      tpu.enqueue_indirect_dma source(%dma_start3A_89 : memref<10240x128xf32, #tpu.memory_space<hbm>>) target(%arg9 : memref<128x128xf32, #tpu.memory_space<vmem>>) offsets(%dma_start3A_86 : memref<128xi32, #tpu.memory_space<vmem>>) semaphore(%arg12 : memref<!tpu.dma_semaphore, #tpu.memory_space<semaphore_mem>>)
      %dma_start3A_90 = arith.constant 1 : i32
      %dma_start3A_91 = arith.constant 0 : i32
      %dma_start3A_92 = tpu.memref_slice %arg7[%dma_start3A_90, %dma_start3A_91] : memref<40x128xi32, #tpu.memory_space<vmem>> -> memref<1x128xi32, #tpu.memory_space<vmem>>
      %dma_start3A_93 = tpu.memref_squeeze %dma_start3A_92 : memref<1x128xi32, #tpu.memory_space<vmem>> -> memref<128xi32, #tpu.memory_space<vmem>>
      %dma_start3A_94 = arith.constant 0 : i32
      %dma_start3A_95 = arith.constant 0 : i32
      %dma_start3A_96 = tpu.memref_slice %arg3[%dma_start3A_94, %dma_start3A_95] : memref<10240x128xf32, #tpu.memory_space<hbm>> -> memref<10240x128xf32, #tpu.memory_space<hbm>>
      tpu.enqueue_indirect_dma source(%dma_start3A_96 : memref<10240x128xf32, #tpu.memory_space<hbm>>) target(%arg10 : memref<128x128xf32, #tpu.memory_space<vmem>>) offsets(%dma_start3A_93 : memref<128xi32, #tpu.memory_space<vmem>>) semaphore(%arg13 : memref<!tpu.dma_semaphore, #tpu.memory_space<semaphore_mem>>)
      %scan3A_97 = arith.constant 0 : i32
      %scan3A_98 = arith.constant 0 : i32
      %scan3A_99 = arith.constant 20 : i32
      %scan3A_100 = arith.addi %scan3A_98, %scan3A_99 : i32
      %scan3A_101 = arith.constant 1 : i32
      scf.for %scan3A_103 = %scan3A_98 to %scan3A_100 step %scan3A_101  : i32 {
        %mul3A_104 = arith.constant 2 : i32
        %mul3A_105 = arith.muli %scan3A_103, %mul3A_104 : i32
        %add3A_106 = arith.constant 0 : i32
        %add3A_107 = arith.addi %mul3A_105, %add3A_106 : i32
        %dma_wait3A = arith.constant 0 : i32
        %dma_wait3A_108 = arith.constant 0 : i32
        %dma_wait3A_109 = tpu.memref_slice %arg7[%dma_wait3A, %dma_wait3A_108] : memref<40x128xi32, #tpu.memory_space<vmem>> -> memref<1x128xi32, #tpu.memory_space<vmem>>
        %dma_wait3A_110 = tpu.memref_squeeze %dma_wait3A_109 : memref<1x128xi32, #tpu.memory_space<vmem>> -> memref<128xi32, #tpu.memory_space<vmem>>
        %dma_wait3A_111 = arith.constant 0 : i32
        %dma_wait3A_112 = arith.constant 0 : i32
        %dma_wait3A_113 = tpu.memref_slice %arg3[%dma_wait3A_111, %dma_wait3A_112] : memref<10240x128xf32, #tpu.memory_space<hbm>> -> memref<10240x128xf32, #tpu.memory_space<hbm>>
        tpu.wait_indirect_dma semaphore(%arg12 : memref<!tpu.dma_semaphore, #tpu.memory_space<semaphore_mem>>) src(%dma_wait3A_113 : memref<10240x128xf32, #tpu.memory_space<hbm>>) dst(%arg9 : memref<128x128xf32, #tpu.memory_space<vmem>>)
        "tpu.region"() ({
          %run_scoped3A = tpu.sem_alloc : memref<!tpu.dma_semaphore, #tpu.memory_space<semaphore_mem>>
          %dma_start3A_138 = arith.constant 0 : i32
          %dma_start3A_139 = tpu.memref_slice %arg8[%add3A_107, %dma_start3A_138] : memref<40x128xi32, #tpu.memory_space<vmem>> -> memref<1x128xi32, #tpu.memory_space<vmem>>
          %dma_start3A_140 = tpu.memref_squeeze %dma_start3A_139 : memref<1x128xi32, #tpu.memory_space<vmem>> -> memref<128xi32, #tpu.memory_space<vmem>>
          %dma_start3A_141 = arith.constant 0 : i32
          %dma_start3A_142 = arith.constant 0 : i32
          %dma_start3A_143 = tpu.memref_slice %arg11[%dma_start3A_141, %dma_start3A_142] : memref<10240x128xf32, #tpu.memory_space<vmem_shared>> -> memref<10240x128xf32, #tpu.memory_space<vmem_shared>>
          tpu.enqueue_indirect_dma source(%arg9 : memref<128x128xf32, #tpu.memory_space<vmem>>) target(%dma_start3A_143 : memref<10240x128xf32, #tpu.memory_space<vmem_shared>>) offsets(%dma_start3A_140 : memref<128xi32, #tpu.memory_space<vmem>>) semaphore(%run_scoped3A : memref<!tpu.dma_semaphore, #tpu.memory_space<semaphore_mem>>) {add = true}
          %dma_wait3A_144 = arith.constant 0 : i32
          %dma_wait3A_145 = tpu.memref_slice %arg8[%add3A_107, %dma_wait3A_144] : memref<40x128xi32, #tpu.memory_space<vmem>> -> memref<1x128xi32, #tpu.memory_space<vmem>>
          %dma_wait3A_146 = tpu.memref_squeeze %dma_wait3A_145 : memref<1x128xi32, #tpu.memory_space<vmem>> -> memref<128xi32, #tpu.memory_space<vmem>>
          %dma_wait3A_147 = arith.constant 0 : i32
          %dma_wait3A_148 = arith.constant 0 : i32
          %dma_wait3A_149 = tpu.memref_slice %arg11[%dma_wait3A_147, %dma_wait3A_148] : memref<10240x128xf32, #tpu.memory_space<vmem_shared>> -> memref<10240x128xf32, #tpu.memory_space<vmem_shared>>
          tpu.wait_indirect_dma semaphore(%run_scoped3A : memref<!tpu.dma_semaphore, #tpu.memory_space<semaphore_mem>>) src(%arg9 : memref<128x128xf32, #tpu.memory_space<vmem>>) dst(%dma_wait3A_149 : memref<10240x128xf32, #tpu.memory_space<vmem_shared>>)
          tpu.yield
        }) : () -> ()
        %add3A_114 = arith.constant 2 : i32
        %add3A_115 = arith.addi %add3A_107, %add3A_114 : i32
        %lt3A = arith.constant 40 : i32
        %lt3A_116 = arith.cmpi slt, %add3A_115, %lt3A : i32
        %convert_element_type3A_117 = arith.extui %lt3A_116 : i1 to i32
        %cond3A_118 = arith.constant 0 : i32
        %cond3A_119 = arith.cmpi ne, %convert_element_type3A_117, %cond3A_118 : i32
        scf.if %cond3A_119 {
          %add3A_138 = arith.constant 2 : i32
          %add3A_139 = arith.addi %add3A_107, %add3A_138 : i32
          %dma_start3A_140 = arith.constant 0 : i32
          %dma_start3A_141 = tpu.memref_slice %arg7[%add3A_139, %dma_start3A_140] : memref<40x128xi32, #tpu.memory_space<vmem>> -> memref<1x128xi32, #tpu.memory_space<vmem>>
          %dma_start3A_142 = tpu.memref_squeeze %dma_start3A_141 : memref<1x128xi32, #tpu.memory_space<vmem>> -> memref<128xi32, #tpu.memory_space<vmem>>
          %dma_start3A_143 = arith.constant 0 : i32
          %dma_start3A_144 = arith.constant 0 : i32
          %dma_start3A_145 = tpu.memref_slice %arg3[%dma_start3A_143, %dma_start3A_144] : memref<10240x128xf32, #tpu.memory_space<hbm>> -> memref<10240x128xf32, #tpu.memory_space<hbm>>
          tpu.enqueue_indirect_dma source(%dma_start3A_145 : memref<10240x128xf32, #tpu.memory_space<hbm>>) target(%arg9 : memref<128x128xf32, #tpu.memory_space<vmem>>) offsets(%dma_start3A_142 : memref<128xi32, #tpu.memory_space<vmem>>) semaphore(%arg12 : memref<!tpu.dma_semaphore, #tpu.memory_space<semaphore_mem>>)
        } else {
        }
        %mul3A_120 = arith.constant 2 : i32
        %mul3A_121 = arith.muli %scan3A_103, %mul3A_120 : i32
        %add3A_122 = arith.constant 1 : i32
        %add3A_123 = arith.addi %mul3A_121, %add3A_122 : i32
        %dma_wait3A_124 = arith.constant 1 : i32
        %dma_wait3A_125 = arith.constant 0 : i32
        %dma_wait3A_126 = tpu.memref_slice %arg7[%dma_wait3A_124, %dma_wait3A_125] : memref<40x128xi32, #tpu.memory_space<vmem>> -> memref<1x128xi32, #tpu.memory_space<vmem>>
        %dma_wait3A_127 = tpu.memref_squeeze %dma_wait3A_126 : memref<1x128xi32, #tpu.memory_space<vmem>> -> memref<128xi32, #tpu.memory_space<vmem>>
        %dma_wait3A_128 = arith.constant 0 : i32
        %dma_wait3A_129 = arith.constant 0 : i32
        %dma_wait3A_130 = tpu.memref_slice %arg3[%dma_wait3A_128, %dma_wait3A_129] : memref<10240x128xf32, #tpu.memory_space<hbm>> -> memref<10240x128xf32, #tpu.memory_space<hbm>>
        tpu.wait_indirect_dma semaphore(%arg13 : memref<!tpu.dma_semaphore, #tpu.memory_space<semaphore_mem>>) src(%dma_wait3A_130 : memref<10240x128xf32, #tpu.memory_space<hbm>>) dst(%arg10 : memref<128x128xf32, #tpu.memory_space<vmem>>)
        "tpu.region"() ({
          %run_scoped3A = tpu.sem_alloc : memref<!tpu.dma_semaphore, #tpu.memory_space<semaphore_mem>>
          %dma_start3A_138 = arith.constant 0 : i32
          %dma_start3A_139 = tpu.memref_slice %arg8[%add3A_123, %dma_start3A_138] : memref<40x128xi32, #tpu.memory_space<vmem>> -> memref<1x128xi32, #tpu.memory_space<vmem>>
          %dma_start3A_140 = tpu.memref_squeeze %dma_start3A_139 : memref<1x128xi32, #tpu.memory_space<vmem>> -> memref<128xi32, #tpu.memory_space<vmem>>
          %dma_start3A_141 = arith.constant 0 : i32
          %dma_start3A_142 = arith.constant 0 : i32
          %dma_start3A_143 = tpu.memref_slice %arg11[%dma_start3A_141, %dma_start3A_142] : memref<10240x128xf32, #tpu.memory_space<vmem_shared>> -> memref<10240x128xf32, #tpu.memory_space<vmem_shared>>
          tpu.enqueue_indirect_dma source(%arg10 : memref<128x128xf32, #tpu.memory_space<vmem>>) target(%dma_start3A_143 : memref<10240x128xf32, #tpu.memory_space<vmem_shared>>) offsets(%dma_start3A_140 : memref<128xi32, #tpu.memory_space<vmem>>) semaphore(%run_scoped3A : memref<!tpu.dma_semaphore, #tpu.memory_space<semaphore_mem>>) {add = true}
          %dma_wait3A_144 = arith.constant 0 : i32
          %dma_wait3A_145 = tpu.memref_slice %arg8[%add3A_123, %dma_wait3A_144] : memref<40x128xi32, #tpu.memory_space<vmem>> -> memref<1x128xi32, #tpu.memory_space<vmem>>
          %dma_wait3A_146 = tpu.memref_squeeze %dma_wait3A_145 : memref<1x128xi32, #tpu.memory_space<vmem>> -> memref<128xi32, #tpu.memory_space<vmem>>
          %dma_wait3A_147 = arith.constant 0 : i32
          %dma_wait3A_148 = arith.constant 0 : i32
          %dma_wait3A_149 = tpu.memref_slice %arg11[%dma_wait3A_147, %dma_wait3A_148] : memref<10240x128xf32, #tpu.memory_space<vmem_shared>> -> memref<10240x128xf32, #tpu.memory_space<vmem_shared>>
          tpu.wait_indirect_dma semaphore(%run_scoped3A : memref<!tpu.dma_semaphore, #tpu.memory_space<semaphore_mem>>) src(%arg10 : memref<128x128xf32, #tpu.memory_space<vmem>>) dst(%dma_wait3A_149 : memref<10240x128xf32, #tpu.memory_space<vmem_shared>>)
          tpu.yield
        }) : () -> ()
        %add3A_131 = arith.constant 2 : i32
        %add3A_132 = arith.addi %add3A_123, %add3A_131 : i32
        %lt3A_133 = arith.constant 40 : i32
        %lt3A_134 = arith.cmpi slt, %add3A_132, %lt3A_133 : i32
        %convert_element_type3A_135 = arith.extui %lt3A_134 : i1 to i32
        %cond3A_136 = arith.constant 0 : i32
        %cond3A_137 = arith.cmpi ne, %convert_element_type3A_135, %cond3A_136 : i32
        scf.if %cond3A_137 {
          %add3A_138 = arith.constant 2 : i32
          %add3A_139 = arith.addi %add3A_123, %add3A_138 : i32
          %dma_start3A_140 = arith.constant 0 : i32
          %dma_start3A_141 = tpu.memref_slice %arg7[%add3A_139, %dma_start3A_140] : memref<40x128xi32, #tpu.memory_space<vmem>> -> memref<1x128xi32, #tpu.memory_space<vmem>>
          %dma_start3A_142 = tpu.memref_squeeze %dma_start3A_141 : memref<1x128xi32, #tpu.memory_space<vmem>> -> memref<128xi32, #tpu.memory_space<vmem>>
          %dma_start3A_143 = arith.constant 0 : i32
          %dma_start3A_144 = arith.constant 0 : i32
          %dma_start3A_145 = tpu.memref_slice %arg3[%dma_start3A_143, %dma_start3A_144] : memref<10240x128xf32, #tpu.memory_space<hbm>> -> memref<10240x128xf32, #tpu.memory_space<hbm>>
          tpu.enqueue_indirect_dma source(%dma_start3A_145 : memref<10240x128xf32, #tpu.memory_space<hbm>>) target(%arg10 : memref<128x128xf32, #tpu.memory_space<vmem>>) offsets(%dma_start3A_142 : memref<128xi32, #tpu.memory_space<vmem>>) semaphore(%arg13 : memref<!tpu.dma_semaphore, #tpu.memory_space<semaphore_mem>>)
        } else {
        }
      }
      %scan3A_102 = arith.constant 20 : i32
    } else {
    }
    %barrier3A = arith.constant 0 : index
    tpu.barrier barrier_id(%barrier3A)
    %mul3A = arith.constant 640 : i32
    %mul3A_7 = arith.muli %arg1, %mul3A : i32
    %add3A = arith.constant 0 : i32
    %add3A_8 = arith.addi %mul3A_7, %add3A : i32
    %multiple_of3A = tpu.assume_multiple %add3A_8, 128 : i32
    "tpu.region"() ({
      %run_scoped3A = tpu.sem_alloc : memref<!tpu.dma_semaphore, #tpu.memory_space<semaphore_mem>>
      %dma_start3A = arith.constant 0 : i32
      %dma_start3A_29 = tpu.memref_slice %arg6[%arg0, %multiple_of3A, %dma_start3A] : memref<2x10240x128xf32, #tpu.memory_space<hbm>> -> memref<1x128x128xf32, #tpu.memory_space<hbm>>
      %dma_start3A_30 = tpu.memref_squeeze %dma_start3A_29 : memref<1x128x128xf32, #tpu.memory_space<hbm>> -> memref<128x128xf32, #tpu.memory_space<hbm>>
      %dma_start3A_31 = arith.constant 0 : i32
      %dma_start3A_32 = tpu.memref_slice %arg11[%multiple_of3A, %dma_start3A_31] : memref<10240x128xf32, #tpu.memory_space<vmem_shared>> -> memref<128x128xf32, #tpu.memory_space<vmem_shared>>
      tpu.enqueue_dma source(%dma_start3A_32 : memref<128x128xf32, #tpu.memory_space<vmem_shared>>) target(%dma_start3A_30 : memref<128x128xf32, #tpu.memory_space<hbm>>) target_semaphore(%run_scoped3A : memref<!tpu.dma_semaphore, #tpu.memory_space<semaphore_mem>>)
      %dma_wait3A = arith.constant 0 : i32
      %dma_wait3A_33 = tpu.memref_slice %arg6[%arg0, %multiple_of3A, %dma_wait3A] : memref<2x10240x128xf32, #tpu.memory_space<hbm>> -> memref<1x128x128xf32, #tpu.memory_space<hbm>>
      %dma_wait3A_34 = tpu.memref_squeeze %dma_wait3A_33 : memref<1x128x128xf32, #tpu.memory_space<hbm>> -> memref<128x128xf32, #tpu.memory_space<hbm>>
      %dma_wait3A_35 = arith.constant 0 : i32
      %dma_wait3A_36 = tpu.memref_slice %arg11[%multiple_of3A, %dma_wait3A_35] : memref<10240x128xf32, #tpu.memory_space<vmem_shared>> -> memref<128x128xf32, #tpu.memory_space<vmem_shared>>
      tpu.wait_dma2 semaphore(%run_scoped3A : memref<!tpu.dma_semaphore, #tpu.memory_space<semaphore_mem>>) src(%dma_wait3A_36 : memref<128x128xf32, #tpu.memory_space<vmem_shared>>) dst(%dma_wait3A_34 : memref<128x128xf32, #tpu.memory_space<hbm>>)
      tpu.yield
    }) : () -> ()
    %mul3A_9 = arith.constant 640 : i32
    %mul3A_10 = arith.muli %arg1, %mul3A_9 : i32
    %add3A_11 = arith.constant 128 : i32
    %add3A_12 = arith.addi %mul3A_10, %add3A_11 : i32
    %multiple_of3A_13 = tpu.assume_multiple %add3A_12, 128 : i32
    "tpu.region"() ({
      %run_scoped3A = tpu.sem_alloc : memref<!tpu.dma_semaphore, #tpu.memory_space<semaphore_mem>>
      %dma_start3A = arith.constant 0 : i32
      %dma_start3A_29 = tpu.memref_slice %arg6[%arg0, %multiple_of3A_13, %dma_start3A] : memref<2x10240x128xf32, #tpu.memory_space<hbm>> -> memref<1x128x128xf32, #tpu.memory_space<hbm>>
      %dma_start3A_30 = tpu.memref_squeeze %dma_start3A_29 : memref<1x128x128xf32, #tpu.memory_space<hbm>> -> memref<128x128xf32, #tpu.memory_space<hbm>>
      %dma_start3A_31 = arith.constant 0 : i32
      %dma_start3A_32 = tpu.memref_slice %arg11[%multiple_of3A_13, %dma_start3A_31] : memref<10240x128xf32, #tpu.memory_space<vmem_shared>> -> memref<128x128xf32, #tpu.memory_space<vmem_shared>>
      tpu.enqueue_dma source(%dma_start3A_32 : memref<128x128xf32, #tpu.memory_space<vmem_shared>>) target(%dma_start3A_30 : memref<128x128xf32, #tpu.memory_space<hbm>>) target_semaphore(%run_scoped3A : memref<!tpu.dma_semaphore, #tpu.memory_space<semaphore_mem>>)
      %dma_wait3A = arith.constant 0 : i32
      %dma_wait3A_33 = tpu.memref_slice %arg6[%arg0, %multiple_of3A_13, %dma_wait3A] : memref<2x10240x128xf32, #tpu.memory_space<hbm>> -> memref<1x128x128xf32, #tpu.memory_space<hbm>>
      %dma_wait3A_34 = tpu.memref_squeeze %dma_wait3A_33 : memref<1x128x128xf32, #tpu.memory_space<hbm>> -> memref<128x128xf32, #tpu.memory_space<hbm>>
      %dma_wait3A_35 = arith.constant 0 : i32
      %dma_wait3A_36 = tpu.memref_slice %arg11[%multiple_of3A_13, %dma_wait3A_35] : memref<10240x128xf32, #tpu.memory_space<vmem_shared>> -> memref<128x128xf32, #tpu.memory_space<vmem_shared>>
      tpu.wait_dma2 semaphore(%run_scoped3A : memref<!tpu.dma_semaphore, #tpu.memory_space<semaphore_mem>>) src(%dma_wait3A_36 : memref<128x128xf32, #tpu.memory_space<vmem_shared>>) dst(%dma_wait3A_34 : memref<128x128xf32, #tpu.memory_space<hbm>>)
      tpu.yield
    }) : () -> ()
    %mul3A_14 = arith.constant 640 : i32
    %mul3A_15 = arith.muli %arg1, %mul3A_14 : i32
    %add3A_16 = arith.constant 256 : i32
    %add3A_17 = arith.addi %mul3A_15, %add3A_16 : i32
    %multiple_of3A_18 = tpu.assume_multiple %add3A_17, 128 : i32
    "tpu.region"() ({
      %run_scoped3A = tpu.sem_alloc : memref<!tpu.dma_semaphore, #tpu.memory_space<semaphore_mem>>
      %dma_start3A = arith.constant 0 : i32
      %dma_start3A_29 = tpu.memref_slice %arg6[%arg0, %multiple_of3A_18, %dma_start3A] : memref<2x10240x128xf32, #tpu.memory_space<hbm>> -> memref<1x128x128xf32, #tpu.memory_space<hbm>>
      %dma_start3A_30 = tpu.memref_squeeze %dma_start3A_29 : memref<1x128x128xf32, #tpu.memory_space<hbm>> -> memref<128x128xf32, #tpu.memory_space<hbm>>
      %dma_start3A_31 = arith.constant 0 : i32
      %dma_start3A_32 = tpu.memref_slice %arg11[%multiple_of3A_18, %dma_start3A_31] : memref<10240x128xf32, #tpu.memory_space<vmem_shared>> -> memref<128x128xf32, #tpu.memory_space<vmem_shared>>
      tpu.enqueue_dma source(%dma_start3A_32 : memref<128x128xf32, #tpu.memory_space<vmem_shared>>) target(%dma_start3A_30 : memref<128x128xf32, #tpu.memory_space<hbm>>) target_semaphore(%run_scoped3A : memref<!tpu.dma_semaphore, #tpu.memory_space<semaphore_mem>>)
      %dma_wait3A = arith.constant 0 : i32
      %dma_wait3A_33 = tpu.memref_slice %arg6[%arg0, %multiple_of3A_18, %dma_wait3A] : memref<2x10240x128xf32, #tpu.memory_space<hbm>> -> memref<1x128x128xf32, #tpu.memory_space<hbm>>
      %dma_wait3A_34 = tpu.memref_squeeze %dma_wait3A_33 : memref<1x128x128xf32, #tpu.memory_space<hbm>> -> memref<128x128xf32, #tpu.memory_space<hbm>>
      %dma_wait3A_35 = arith.constant 0 : i32
      %dma_wait3A_36 = tpu.memref_slice %arg11[%multiple_of3A_18, %dma_wait3A_35] : memref<10240x128xf32, #tpu.memory_space<vmem_shared>> -> memref<128x128xf32, #tpu.memory_space<vmem_shared>>
      tpu.wait_dma2 semaphore(%run_scoped3A : memref<!tpu.dma_semaphore, #tpu.memory_space<semaphore_mem>>) src(%dma_wait3A_36 : memref<128x128xf32, #tpu.memory_space<vmem_shared>>) dst(%dma_wait3A_34 : memref<128x128xf32, #tpu.memory_space<hbm>>)
      tpu.yield
    }) : () -> ()
    %mul3A_19 = arith.constant 640 : i32
    %mul3A_20 = arith.muli %arg1, %mul3A_19 : i32
    %add3A_21 = arith.constant 384 : i32
    %add3A_22 = arith.addi %mul3A_20, %add3A_21 : i32
    %multiple_of3A_23 = tpu.assume_multiple %add3A_22, 128 : i32
    "tpu.region"() ({
      %run_scoped3A = tpu.sem_alloc : memref<!tpu.dma_semaphore, #tpu.memory_space<semaphore_mem>>
      %dma_start3A = arith.constant 0 : i32
      %dma_start3A_29 = tpu.memref_slice %arg6[%arg0, %multiple_of3A_23, %dma_start3A] : memref<2x10240x128xf32, #tpu.memory_space<hbm>> -> memref<1x128x128xf32, #tpu.memory_space<hbm>>
      %dma_start3A_30 = tpu.memref_squeeze %dma_start3A_29 : memref<1x128x128xf32, #tpu.memory_space<hbm>> -> memref<128x128xf32, #tpu.memory_space<hbm>>
      %dma_start3A_31 = arith.constant 0 : i32
      %dma_start3A_32 = tpu.memref_slice %arg11[%multiple_of3A_23, %dma_start3A_31] : memref<10240x128xf32, #tpu.memory_space<vmem_shared>> -> memref<128x128xf32, #tpu.memory_space<vmem_shared>>
      tpu.enqueue_dma source(%dma_start3A_32 : memref<128x128xf32, #tpu.memory_space<vmem_shared>>) target(%dma_start3A_30 : memref<128x128xf32, #tpu.memory_space<hbm>>) target_semaphore(%run_scoped3A : memref<!tpu.dma_semaphore, #tpu.memory_space<semaphore_mem>>)
      %dma_wait3A = arith.constant 0 : i32
      %dma_wait3A_33 = tpu.memref_slice %arg6[%arg0, %multiple_of3A_23, %dma_wait3A] : memref<2x10240x128xf32, #tpu.memory_space<hbm>> -> memref<1x128x128xf32, #tpu.memory_space<hbm>>
      %dma_wait3A_34 = tpu.memref_squeeze %dma_wait3A_33 : memref<1x128x128xf32, #tpu.memory_space<hbm>> -> memref<128x128xf32, #tpu.memory_space<hbm>>
      %dma_wait3A_35 = arith.constant 0 : i32
      %dma_wait3A_36 = tpu.memref_slice %arg11[%multiple_of3A_23, %dma_wait3A_35] : memref<10240x128xf32, #tpu.memory_space<vmem_shared>> -> memref<128x128xf32, #tpu.memory_space<vmem_shared>>
      tpu.wait_dma2 semaphore(%run_scoped3A : memref<!tpu.dma_semaphore, #tpu.memory_space<semaphore_mem>>) src(%dma_wait3A_36 : memref<128x128xf32, #tpu.memory_space<vmem_shared>>) dst(%dma_wait3A_34 : memref<128x128xf32, #tpu.memory_space<hbm>>)
      tpu.yield
    }) : () -> ()
    %mul3A_24 = arith.constant 640 : i32
    %mul3A_25 = arith.muli %arg1, %mul3A_24 : i32
    %add3A_26 = arith.constant 512 : i32
    %add3A_27 = arith.addi %mul3A_25, %add3A_26 : i32
    %multiple_of3A_28 = tpu.assume_multiple %add3A_27, 128 : i32
    "tpu.region"() ({
      %run_scoped3A = tpu.sem_alloc : memref<!tpu.dma_semaphore, #tpu.memory_space<semaphore_mem>>
      %dma_start3A = arith.constant 0 : i32
      %dma_start3A_29 = tpu.memref_slice %arg6[%arg0, %multiple_of3A_28, %dma_start3A] : memref<2x10240x128xf32, #tpu.memory_space<hbm>> -> memref<1x128x128xf32, #tpu.memory_space<hbm>>
      %dma_start3A_30 = tpu.memref_squeeze %dma_start3A_29 : memref<1x128x128xf32, #tpu.memory_space<hbm>> -> memref<128x128xf32, #tpu.memory_space<hbm>>
      %dma_start3A_31 = arith.constant 0 : i32
      %dma_start3A_32 = tpu.memref_slice %arg11[%multiple_of3A_28, %dma_start3A_31] : memref<10240x128xf32, #tpu.memory_space<vmem_shared>> -> memref<128x128xf32, #tpu.memory_space<vmem_shared>>
      tpu.enqueue_dma source(%dma_start3A_32 : memref<128x128xf32, #tpu.memory_space<vmem_shared>>) target(%dma_start3A_30 : memref<128x128xf32, #tpu.memory_space<hbm>>) target_semaphore(%run_scoped3A : memref<!tpu.dma_semaphore, #tpu.memory_space<semaphore_mem>>)
      %dma_wait3A = arith.constant 0 : i32
      %dma_wait3A_33 = tpu.memref_slice %arg6[%arg0, %multiple_of3A_28, %dma_wait3A] : memref<2x10240x128xf32, #tpu.memory_space<hbm>> -> memref<1x128x128xf32, #tpu.memory_space<hbm>>
      %dma_wait3A_34 = tpu.memref_squeeze %dma_wait3A_33 : memref<1x128x128xf32, #tpu.memory_space<hbm>> -> memref<128x128xf32, #tpu.memory_space<hbm>>
      %dma_wait3A_35 = arith.constant 0 : i32
      %dma_wait3A_36 = tpu.memref_slice %arg11[%multiple_of3A_28, %dma_wait3A_35] : memref<10240x128xf32, #tpu.memory_space<vmem_shared>> -> memref<128x128xf32, #tpu.memory_space<vmem_shared>>
      tpu.wait_dma2 semaphore(%run_scoped3A : memref<!tpu.dma_semaphore, #tpu.memory_space<semaphore_mem>>) src(%dma_wait3A_36 : memref<128x128xf32, #tpu.memory_space<vmem_shared>>) dst(%dma_wait3A_34 : memref<128x128xf32, #tpu.memory_space<hbm>>)
      tpu.yield
    }) : () -> ()
    return
  }
}

module attributes {stable_mosaic.version = 14 : i64} {
  func.func @_tc1a_body(%arg0: i32, %arg1: memref<1000x256xf32, #tpu.memory_space<vmem>>, %arg2: memref<256x256xf32, #tpu.memory_space<vmem>>, %arg3: memref<1000x256xf32, #tpu.memory_space<vmem>>) attributes {dimension_semantics = [#tpu.dimension_semantics<arbitrary>], iteration_bounds = array<i64: 10>, scalar_prefetch = 0 : i64, scratch_operands = 0 : i64, tpu.core_type = #tpu.core_type<tc>, window_params = [{transform_indices = @transform_0, window_bounds = array<i64: 1000, 256>}, {pipeline_mode = #tpu.pipeline_mode<synchronous>, transform_indices = @transform_1, window_bounds = array<i64: 256, 256>}, {transform_indices = @transform_2, window_bounds = array<i64: 1000, 256>}]} {
    %get3A = arith.constant 0 : index
    %get3A_0 = arith.constant 0 : index
    %get3A_1 = vector.load %arg1[%get3A, %get3A_0] : memref<1000x256xf32, #tpu.memory_space<vmem>>, vector<1000x256xf32>
    %get3A_2 = arith.constant 0 : index
    %get3A_3 = arith.constant 0 : index
    %get3A_4 = vector.load %arg2[%get3A_2, %get3A_3] : memref<256x256xf32, #tpu.memory_space<vmem>>, vector<256x256xf32>
    %dot_general3A = arith.constant dense<0.000000e+00> : vector<1000x256xf32>
    %dot_general3A_5 = tpu.matmul %get3A_1, %get3A_4, %dot_general3A {dimension_numbers = #tpu.dot_dimension_numbers<[1], [0], [0], [1], [0, 0, 1, 1], [], []>, transpose_lhs_hint = false} : vector<1000x256xf32>, vector<256x256xf32>, vector<1000x256xf32> -> vector<1000x256xf32>
    %swap3A = arith.constant 0 : index
    %swap3A_6 = arith.constant 0 : index
    %swap3A_7 = vector.load %arg3[%swap3A, %swap3A_6] : memref<1000x256xf32, #tpu.memory_space<vmem>>, vector<1000x256xf32>
    tpu.vector_store %arg3[%swap3A, %swap3A_6], %dot_general3A_5 {strides = array<i32>} : memref<1000x256xf32, #tpu.memory_space<vmem>>, vector<1000x256xf32>,
    return
  }
  func.func @transform_0(%arg0: i32) -> (i32, i32) {
    %c0_i32 = arith.constant 0 : i32
    %c0_i32_0 = arith.constant 0 : i32
    return %arg0, %c0_i32 : i32, i32
  }
  func.func @transform_1(%arg0: i32) -> (i32, i32) {
    %c0_i32 = arith.constant 0 : i32
    %c0_i32_0 = arith.constant 0 : i32
    %c0_i32_1 = arith.constant 0 : i32
    return %c0_i32, %c0_i32_0 : i32, i32
  }
  func.func @transform_2(%arg0: i32) -> (i32, i32) {
    %c0_i32 = arith.constant 0 : i32
    %c0_i32_0 = arith.constant 0 : i32
    return %arg0, %c0_i32 : i32, i32
  }
}

module attributes {stable_mosaic.version = 14 : i64} {
  func.func @_tc1b_body(%arg0: i32, %arg1: memref<1000x256xf32, #tpu.memory_space<vmem>>, %arg2: memref<2x1000x1xf32, #tpu.memory_space<vmem>>, %arg3: memref<1000x128xf32, #tpu.memory_space<vmem>>, %arg4: memref<1000x128xf32, #tpu.memory_space<vmem>>, %arg5: memref<1000x1xf32, #tpu.memory_space<vmem>>) attributes {dimension_semantics = [#tpu.dimension_semantics<arbitrary>], iteration_bounds = array<i64: 10>, scalar_prefetch = 0 : i64, scratch_operands = 0 : i64, tpu.core_type = #tpu.core_type<tc>, window_params = [{transform_indices = @transform_0, window_bounds = array<i64: 1000, 256>}, {transform_indices = @transform_1, window_bounds = array<i64: 2, 1000, 1>}, {transform_indices = @transform_2, window_bounds = array<i64: 1000, 128>}, {transform_indices = @transform_3, window_bounds = array<i64: 1000, 128>}, {transform_indices = @transform_4, window_bounds = array<i64: 1000, 1>}]} {
    %get3A = arith.constant 0 : index
    %get3A_0 = arith.constant 0 : index
    %get3A_1 = arith.constant 0 : index
    %get3A_2 = vector.load %arg2[%get3A, %get3A_0, %get3A_1] : memref<2x1000x1xf32, #tpu.memory_space<vmem>>, vector<2x1000x1xf32>
    %slice3A = vector.extract_strided_slice %get3A_2 {offsets = [0, 0, 0], sizes = [1, 1000, 1], strides = [1, 1, 1]} : vector<2x1000x1xf32> to vector<1x1000x1xf32>
    %squeeze3A = vector.shape_cast %slice3A : vector<1x1000x1xf32> to vector<1000x1xf32>
    %slice3A_3 = vector.extract_strided_slice %get3A_2 {offsets = [1, 0, 0], sizes = [1, 1000, 1], strides = [1, 1, 1]} : vector<2x1000x1xf32> to vector<1x1000x1xf32>
    %squeeze3A_4 = vector.shape_cast %slice3A_3 : vector<1x1000x1xf32> to vector<1000x1xf32>
    %add3A = arith.addf %squeeze3A, %squeeze3A_4 : vector<1000x1xf32>
    %add3A_5 = arith.constant 1.000000e+00 : f32
    %add3A_6 = vector.broadcast %add3A_5 : f32 to vector<1000x1xf32>
    %add3A_7 = arith.addf %add3A, %add3A_6 : vector<1000x1xf32>
    %rsqrt3A = math.rsqrt %add3A_7 : vector<1000x1xf32>
    %get3A_8 = arith.constant 0 : index
    %get3A_9 = arith.constant 0 : index
    %get3A_10 = vector.load %arg1[%get3A_8, %get3A_9] : memref<1000x256xf32, #tpu.memory_space<vmem>>, vector<1000x256xf32>
    %mul3A = vector.broadcast %rsqrt3A : vector<1000x1xf32> to vector<1000x256xf32>
    %mul3A_11 = arith.mulf %get3A_10, %mul3A : vector<1000x256xf32>
    %slice3A_12 = vector.extract_strided_slice %mul3A_11 {offsets = [0, 0], sizes = [1000, 128], strides = [1, 1]} : vector<1000x256xf32> to vector<1000x128xf32>
    %swap3A = arith.constant 0 : index
    %swap3A_13 = arith.constant 0 : index
    %swap3A_14 = vector.load %arg3[%swap3A, %swap3A_13] : memref<1000x128xf32, #tpu.memory_space<vmem>>, vector<1000x128xf32>
    tpu.vector_store %arg3[%swap3A, %swap3A_13], %slice3A_12 {strides = array<i32>} : memref<1000x128xf32, #tpu.memory_space<vmem>>, vector<1000x128xf32>,
    %slice3A_15 = vector.extract_strided_slice %mul3A_11 {offsets = [0, 128], sizes = [1000, 128], strides = [1, 1]} : vector<1000x256xf32> to vector<1000x128xf32>
    %swap3A_16 = arith.constant 0 : index
    %swap3A_17 = arith.constant 0 : index
    %swap3A_18 = vector.load %arg4[%swap3A_16, %swap3A_17] : memref<1000x128xf32, #tpu.memory_space<vmem>>, vector<1000x128xf32>
    tpu.vector_store %arg4[%swap3A_16, %swap3A_17], %slice3A_15 {strides = array<i32>} : memref<1000x128xf32, #tpu.memory_space<vmem>>, vector<1000x128xf32>,
    %swap3A_19 = arith.constant 0 : index
    %swap3A_20 = arith.constant 0 : index
    %swap3A_21 = vector.load %arg5[%swap3A_19, %swap3A_20] : memref<1000x1xf32, #tpu.memory_space<vmem>>, vector<1000x1xf32>
    tpu.vector_store %arg5[%swap3A_19, %swap3A_20], %rsqrt3A {strides = array<i32>} : memref<1000x1xf32, #tpu.memory_space<vmem>>, vector<1000x1xf32>,
    return
  }
  func.func @transform_0(%arg0: i32) -> (i32, i32) {
    %c0_i32 = arith.constant 0 : i32
    %c0_i32_0 = arith.constant 0 : i32
    return %arg0, %c0_i32 : i32, i32
  }
  func.func @transform_1(%arg0: i32) -> (i32, i32, i32) {
    %c0_i32 = arith.constant 0 : i32
    %c0_i32_0 = arith.constant 0 : i32
    %c0_i32_1 = arith.constant 0 : i32
    return %c0_i32, %arg0, %c0_i32_0 : i32, i32, i32
  }
  func.func @transform_2(%arg0: i32) -> (i32, i32) {
    %c0_i32 = arith.constant 0 : i32
    %c0_i32_0 = arith.constant 0 : i32
    return %arg0, %c0_i32 : i32, i32
  }
  func.func @transform_3(%arg0: i32) -> (i32, i32) {
    %c0_i32 = arith.constant 0 : i32
    %c0_i32_0 = arith.constant 0 : i32
    return %arg0, %c0_i32 : i32, i32
  }
  func.func @transform_4(%arg0: i32) -> (i32, i32) {
    %c0_i32 = arith.constant 0 : i32
    %c0_i32_0 = arith.constant 0 : i32
    return %arg0, %c0_i32 : i32, i32
  }
}

module attributes {stable_mosaic.version = 14 : i64} {
  func.func @_tc2_body(%arg0: i32, %arg1: memref<1x1000x128xf32, #tpu.memory_space<vmem>>, %arg2: memref<1x1000x128xf32, #tpu.memory_space<vmem>>, %arg3: memref<1000x1xf32, #tpu.memory_space<vmem>>, %arg4: memref<1x128xf32, #tpu.memory_space<vmem>>, %arg5: memref<1x128xf32, #tpu.memory_space<vmem>>, %arg6: memref<1x128xf32, #tpu.memory_space<vmem>>, %arg7: memref<1x128xf32, #tpu.memory_space<vmem>>, %arg8: memref<1000x1xf32, #tpu.memory_space<vmem>>) attributes {dimension_semantics = [#tpu.dimension_semantics<arbitrary>], iteration_bounds = array<i64: 10>, scalar_prefetch = 0 : i64, scratch_operands = 0 : i64, tpu.core_type = #tpu.core_type<tc>, window_params = [{transform_indices = @transform_0, window_bounds = array<i64: 1, 1000, 128>}, {transform_indices = @transform_1, window_bounds = array<i64: 1, 1000, 128>}, {transform_indices = @transform_2, window_bounds = array<i64: 1000, 1>}, {transform_indices = @transform_3, window_bounds = array<i64: 1, 128>}, {transform_indices = @transform_4, window_bounds = array<i64: 1, 128>}, {transform_indices = @transform_5, window_bounds = array<i64: 1, 128>}, {transform_indices = @transform_6, window_bounds = array<i64: 1, 128>}, {transform_indices = @transform_7, window_bounds = array<i64: 1000, 1>}]} {
    %get3A = arith.constant 0 : index
    %get3A_0 = arith.constant 0 : index
    %get3A_1 = vector.load %arg3[%get3A, %get3A_0] : memref<1000x1xf32, #tpu.memory_space<vmem>>, vector<1000x1xf32>
    %get3A_2 = arith.constant 0 : index
    %get3A_3 = arith.constant 0 : index
    %get3A_4 = arith.constant 0 : index
    %get3A_5 = vector.load %arg1[%get3A_2, %get3A_3, %get3A_4] : memref<1x1000x128xf32, #tpu.memory_space<vmem>>, vector<1x1000x128xf32>
    %squeeze3A = vector.shape_cast %get3A_5 : vector<1x1000x128xf32> to vector<1000x128xf32>
    %mul3A = vector.broadcast %get3A_1 : vector<1000x1xf32> to vector<1000x128xf32>
    %mul3A_6 = arith.mulf %mul3A, %squeeze3A : vector<1000x128xf32>
    %get3A_7 = arith.constant 0 : index
    %get3A_8 = arith.constant 0 : index
    %get3A_9 = vector.load %arg4[%get3A_7, %get3A_8] : memref<1x128xf32, #tpu.memory_space<vmem>>, vector<1x128xf32>
    %add3A = vector.broadcast %get3A_9 : vector<1x128xf32> to vector<1000x128xf32>
    %add3A_10 = arith.addf %mul3A_6, %add3A : vector<1000x128xf32>
    %max3A = arith.constant 0.000000e+00 : f32
    %max3A_11 = vector.broadcast %max3A : f32 to vector<1000x128xf32>
    %max3A_12 = arith.maximumf %add3A_10, %max3A_11 : vector<1000x128xf32>
    %get3A_13 = arith.constant 0 : index
    %get3A_14 = arith.constant 0 : index
    %get3A_15 = arith.constant 0 : index
    %get3A_16 = vector.load %arg2[%get3A_13, %get3A_14, %get3A_15] : memref<1x1000x128xf32, #tpu.memory_space<vmem>>, vector<1x1000x128xf32>
    %squeeze3A_17 = vector.shape_cast %get3A_16 : vector<1x1000x128xf32> to vector<1000x128xf32>
    %mul3A_18 = vector.broadcast %get3A_1 : vector<1000x1xf32> to vector<1000x128xf32>
    %mul3A_19 = arith.mulf %mul3A_18, %squeeze3A_17 : vector<1000x128xf32>
    %get3A_20 = arith.constant 0 : index
    %get3A_21 = arith.constant 0 : index
    %get3A_22 = vector.load %arg5[%get3A_20, %get3A_21] : memref<1x128xf32, #tpu.memory_space<vmem>>, vector<1x128xf32>
    %add3A_23 = vector.broadcast %get3A_22 : vector<1x128xf32> to vector<1000x128xf32>
    %add3A_24 = arith.addf %mul3A_19, %add3A_23 : vector<1000x128xf32>
    %max3A_25 = arith.constant 0.000000e+00 : f32
    %max3A_26 = vector.broadcast %max3A_25 : f32 to vector<1000x128xf32>
    %max3A_27 = arith.maximumf %add3A_24, %max3A_26 : vector<1000x128xf32>
    %get3A_28 = arith.constant 0 : index
    %get3A_29 = arith.constant 0 : index
    %get3A_30 = vector.load %arg6[%get3A_28, %get3A_29] : memref<1x128xf32, #tpu.memory_space<vmem>>, vector<1x128xf32>
    %mul3A_31 = vector.broadcast %get3A_30 : vector<1x128xf32> to vector<1000x128xf32>
    %mul3A_32 = arith.mulf %max3A_12, %mul3A_31 : vector<1000x128xf32>
    %get3A_33 = arith.constant 0 : index
    %get3A_34 = arith.constant 0 : index
    %get3A_35 = vector.load %arg7[%get3A_33, %get3A_34] : memref<1x128xf32, #tpu.memory_space<vmem>>, vector<1x128xf32>
    %mul3A_36 = vector.broadcast %get3A_35 : vector<1x128xf32> to vector<1000x128xf32>
    %mul3A_37 = arith.mulf %max3A_27, %mul3A_36 : vector<1000x128xf32>
    %add3A_38 = arith.addf %mul3A_32, %mul3A_37 : vector<1000x128xf32>
    %reduce_sum3A = arith.constant dense<0.000000e+00> : vector<1000xf32>
    %reduce_sum3A_39 = vector.multi_reduction <add>, %add3A_38, %reduce_sum3A [1] : vector<1000x128xf32> to vector<1000xf32>
    %broadcast_in_dim3A = vector.shape_cast %reduce_sum3A_39 : vector<1000xf32> to vector<1000x1xf32>
    %mul3A_40 = arith.mulf %broadcast_in_dim3A, %get3A_1 : vector<1000x1xf32>
    %swap3A = arith.constant 0 : index
    %swap3A_41 = arith.constant 0 : index
    %swap3A_42 = vector.load %arg8[%swap3A, %swap3A_41] : memref<1000x1xf32, #tpu.memory_space<vmem>>, vector<1000x1xf32>
    tpu.vector_store %arg8[%swap3A, %swap3A_41], %mul3A_40 {strides = array<i32>} : memref<1000x1xf32, #tpu.memory_space<vmem>>, vector<1000x1xf32>,
    return
  }
  func.func @transform_0(%arg0: i32) -> (i32, i32, i32) {
    %c0_i32 = arith.constant 0 : i32
    %c0_i32_0 = arith.constant 0 : i32
    %c0_i32_1 = arith.constant 0 : i32
    return %c0_i32, %arg0, %c0_i32_0 : i32, i32, i32
  }
  func.func @transform_1(%arg0: i32) -> (i32, i32, i32) {
    %c1_i32 = arith.constant 1 : i32
    %c0_i32 = arith.constant 0 : i32
    %c0_i32_0 = arith.constant 0 : i32
    return %c1_i32, %arg0, %c0_i32 : i32, i32, i32
  }
  func.func @transform_2(%arg0: i32) -> (i32, i32) {
    %c0_i32 = arith.constant 0 : i32
    %c0_i32_0 = arith.constant 0 : i32
    return %arg0, %c0_i32 : i32, i32
  }
  func.func @transform_3(%arg0: i32) -> (i32, i32) {
    %c0_i32 = arith.constant 0 : i32
    %c0_i32_0 = arith.constant 0 : i32
    %c0_i32_1 = arith.constant 0 : i32
    return %c0_i32, %c0_i32_0 : i32, i32
  }
  func.func @transform_4(%arg0: i32) -> (i32, i32) {
    %c0_i32 = arith.constant 0 : i32
    %c1_i32 = arith.constant 1 : i32
    %c0_i32_0 = arith.constant 0 : i32
    return %c0_i32, %c1_i32 : i32, i32
  }
  func.func @transform_5(%arg0: i32) -> (i32, i32) {
    %c0_i32 = arith.constant 0 : i32
    %c0_i32_0 = arith.constant 0 : i32
    %c0_i32_1 = arith.constant 0 : i32
    return %c0_i32, %c0_i32_0 : i32, i32
  }
  func.func @transform_6(%arg0: i32) -> (i32, i32) {
    %c0_i32 = arith.constant 0 : i32
    %c1_i32 = arith.constant 1 : i32
    %c0_i32_0 = arith.constant 0 : i32
    return %c0_i32, %c1_i32 : i32, i32
  }
  func.func @transform_7(%arg0: i32) -> (i32, i32) {
    %c0_i32 = arith.constant 0 : i32
    %c0_i32_0 = arith.constant 0 : i32
    return %arg0, %c0_i32 : i32, i32
  }
}

module attributes {stable_mosaic.version = 14 : i64} {
  func.func @_tc3_body(%arg0: i32, %arg1: memref<2x1000x1xf32, #tpu.memory_space<vmem>>, %arg2: memref<1000x1xf32, #tpu.memory_space<vmem>>, %arg3: memref<1000x1xf32, #tpu.memory_space<vmem>>, %arg4: memref<1x1xf32, #tpu.memory_space<vmem>>, %arg5: memref<1000x1xf32, #tpu.memory_space<vmem>>) attributes {dimension_semantics = [#tpu.dimension_semantics<arbitrary>], iteration_bounds = array<i64: 10>, scalar_prefetch = 0 : i64, scratch_operands = 0 : i64, tpu.core_type = #tpu.core_type<tc>, window_params = [{transform_indices = @transform_0, window_bounds = array<i64: 2, 1000, 1>}, {transform_indices = @transform_1, window_bounds = array<i64: 1000, 1>}, {transform_indices = @transform_2, window_bounds = array<i64: 1000, 1>}, {pipeline_mode = #tpu.pipeline_mode<synchronous>, transform_indices = @transform_3, window_bounds = array<i64: 1, 1>}, {transform_indices = @transform_4, window_bounds = array<i64: 1000, 1>}]} {
    %get3A = arith.constant 0 : index
    %get3A_0 = arith.constant 0 : index
    %get3A_1 = arith.constant 0 : index
    %get3A_2 = vector.load %arg1[%get3A, %get3A_0, %get3A_1] : memref<2x1000x1xf32, #tpu.memory_space<vmem>>, vector<2x1000x1xf32>
    %get3A_3 = arith.constant 0 : index
    %get3A_4 = arith.constant 0 : index
    %get3A_5 = vector.load %arg3[%get3A_3, %get3A_4] : memref<1000x1xf32, #tpu.memory_space<vmem>>, vector<1000x1xf32>
    %slice3A = vector.extract_strided_slice %get3A_2 {offsets = [0, 0, 0], sizes = [1, 1000, 1], strides = [1, 1, 1]} : vector<2x1000x1xf32> to vector<1x1000x1xf32>
    %squeeze3A = vector.shape_cast %slice3A : vector<1x1000x1xf32> to vector<1000x1xf32>
    %slice3A_6 = vector.extract_strided_slice %get3A_2 {offsets = [1, 0, 0], sizes = [1, 1000, 1], strides = [1, 1, 1]} : vector<2x1000x1xf32> to vector<1x1000x1xf32>
    %squeeze3A_7 = vector.shape_cast %slice3A_6 : vector<1x1000x1xf32> to vector<1000x1xf32>
    %add3A = arith.addf %squeeze3A, %squeeze3A_7 : vector<1000x1xf32>
    %get3A_8 = arith.constant 0 : index
    %get3A_9 = arith.constant 0 : index
    %get3A_10 = vector.load %arg2[%get3A_8, %get3A_9] : memref<1000x1xf32, #tpu.memory_space<vmem>>, vector<1000x1xf32>
    %add3A_11 = arith.addf %add3A, %get3A_10 : vector<1000x1xf32>
    %mul3A = arith.mulf %get3A_5, %add3A_11 : vector<1000x1xf32>
    %get3A_12 = arith.constant 0 : index
    %get3A_13 = arith.constant 0 : index
    %get3A_14 = vector.load %arg4[%get3A_12, %get3A_13] : memref<1x1xf32, #tpu.memory_space<vmem>>, vector<1x1xf32>
    %add3A_15 = vector.broadcast %get3A_14 : vector<1x1xf32> to vector<1000x1xf32>
    %add3A_16 = arith.addf %mul3A, %add3A_15 : vector<1000x1xf32>
    %swap3A = arith.constant 0 : index
    %swap3A_17 = arith.constant 0 : index
    %swap3A_18 = vector.load %arg5[%swap3A, %swap3A_17] : memref<1000x1xf32, #tpu.memory_space<vmem>>, vector<1000x1xf32>
    tpu.vector_store %arg5[%swap3A, %swap3A_17], %add3A_16 {strides = array<i32>} : memref<1000x1xf32, #tpu.memory_space<vmem>>, vector<1000x1xf32>,
    return
  }
  func.func @transform_0(%arg0: i32) -> (i32, i32, i32) {
    %c0_i32 = arith.constant 0 : i32
    %c0_i32_0 = arith.constant 0 : i32
    %c0_i32_1 = arith.constant 0 : i32
    return %c0_i32, %arg0, %c0_i32_0 : i32, i32, i32
  }
  func.func @transform_1(%arg0: i32) -> (i32, i32) {
    %c0_i32 = arith.constant 0 : i32
    %c0_i32_0 = arith.constant 0 : i32
    return %arg0, %c0_i32 : i32, i32
  }
  func.func @transform_2(%arg0: i32) -> (i32, i32) {
    %c0_i32 = arith.constant 0 : i32
    %c0_i32_0 = arith.constant 0 : i32
    return %arg0, %c0_i32 : i32, i32
  }
  func.func @transform_3(%arg0: i32) -> (i32, i32) {
    %c0_i32 = arith.constant 0 : i32
    %c0_i32_0 = arith.constant 0 : i32
    %c0_i32_1 = arith.constant 0 : i32
    return %c0_i32, %c0_i32_0 : i32, i32
  }
  func.func @transform_4(%arg0: i32) -> (i32, i32) {
    %c0_i32 = arith.constant 0 : i32
    %c0_i32_0 = arith.constant 0 : i32
    return %arg0, %c0_i32 : i32, i32
  }
}

</mosaic_0001>

<sc_bundles>
// kernel: kernel.12.cloned.1.call-start
scs
__scs_entry_jumppad:
0x0: {  	(pc) =	sbr.rel $0x88, $3  }
0x1: {  	(tag) =	ssettag $0x0;
	lr =	simm.s32 $0x1  }
0x2: {  	[smem:$0x3F9B] =	sst lr;
	_ =	strace $0xD0000000  }
0x3: {  	_ = 	snop  }
0x4: {  	_ = 	snop  }
0x5: {  	_ = 	snop  }
0x6: {  	_ = 	snop  }
0x7: {  	_ = 	snop  }
__scs_overlays_trampoline_lowered:
0x8: {  	[smem:$0x3FAA] =	sst s0  }
0x9: {  	[smem:$0x3FAB] =	sst s1  }
0xa: {  	[smem:$0x3FAC] =	sst s2  }
0xb: {  	[smem:$0x3FAD] =	sst s3  }
0xc: {  	[smem:$0x3FAE] =	sst s4  }
0xd: {  	[smem:$0x3FAF] =	sst s5  }
0xe: {  	[smem:$0x3FB0] =	sst s6  }
0xf: {  	[smem:$0x3FB1] =	sst s7  }
0x10: {  	[smem:$0x3FB2] =	sst s8  }
0x11: {  	[smem:$0x3FB3] =	sst s9;
	s0 =	simm.s32 @!p0 $0x0  }
0x12: {  	s1 =	sld [smem:$0x3F99];
	s0 =	simm.s32 @p0 $0x1  }
0x13: {  	[smem:$0x3FB4] =	sst s0;
	s0 =	simm.s32 @!p1 $0x0  }
0x14: {  	s2 =	sld [smem:$0x3F98];
	s0 =	simm.s32 @p1 $0x1  }
0x15: {  	[smem:$0x3FB5] =	sst s0;
	s0 =	simm.s32 @!p2 $0x0  }
0x16: {  	s3 =	sld [smem:$0x3FDB];
	s0 =	simm.s32 @p2 $0x1  }
0x17: {  	s4 =	simm.s32 $0x1BF5;
	[smem:$0x3FB7] =	sst s0  }
0x18: {  	s0 =	sld [smem:$0x3F9A];
	_ =	swait.ge [sflag:s4], $0x0  }
0x19: {  	s7 =	sld [smem:$0x3F9B]  }
0x1a: {  	s8 =	sadd.s32 $0xFFFFE003, lr  }
0x1b: {  	s9 =	sadd.s32 $0xFFFFFEF7, lr;
	s5 =	simm.s32 $0xFFFFFFFF;
	p2 =	slt.u32 s8, $0xFFFFF086  }
0x1c: {  	p1 =	slt.u32 s9, $0xF7A;
	s5 =	simm.s32 @!p2 $0x0  }
0x1d: {  	s5 =	simm.s32 @p1 $0x1;
	p0 =	seq.s32 s7, s2  }
0x1e: {  	s7 =	smul.u32 @!p0 $0xF7A, s2;
	p2 =	seq.s32 @!p0 s5, $0x0  }
0x1f: {  	s9 =	smul.u32 $0xF7A, s1;
	s8 =	simm.s32 @!p0 $0x1BF5;
	p2 =	por !p2, p0  }
0x20: {  	[sflag:s8] =	ssyncset.s32 @!p0 $0xFFFFF086;
	s6 =	sadd.s32 @!p0 s3, s7;
	s7 =	simm.s32 @!p0 $0x108  }
0x21: {  	s3 =	sadd.s32 s3, s9;
	s6 =	sadd.s32 @!p0 $0x88, s6;
	s7 =	simm.s32 @p2 $0x1082  }
0x22: {  	[simem:s7], [sflag:s8] =	dma.local @!p0 [hbm:s6], $0xF7A  }
0x23: {  	s9 =	sor.u32 $0xD0000000, s2;
	s6 =	simm.s32 $0x108;
	_ =	swait.ge @!p0 [sflag:s8], $0x0  }
0x24: {  	s3 =	sadd.s32 $0x88, s3;
	s6 =	simm.s32 @!p1 $0x1082;
	[sflag:s4] =	ssyncset.s32 $0xFFFFF086  }
0x25: {  	[simem:s6], [sflag:s4] =	dma.local [hbm:s3], $0xF7A  }
0x26: {  	[smem:$0x3F9B] =	sst s1;
	(tag) =	ssettag s2;
	_ =	strace s9  }
0x27: {  	s1 =	sld [smem:$0x3FAB]  }
0x28: {  	s2 =	sld [smem:$0x3FAC]  }
0x29: {  	s4 =	sld [smem:$0x3FAE]  }
0x2a: {  	p0 =	seq.s32 s5, $0x0;
	s5 =	sld [smem:$0x3FAF]  }
0x2b: {  	s6 =	sld [smem:$0x3FB0]  }
0x2c: {  	s7 =	sld [smem:$0x3FB1]  }
0x2d: {  	s3 =	simm.s32 $0x108;
	s8 =	sld [smem:$0x3FB2]  }
0x2e: {  	s3 =	simm.s32 @!p0 $0x1082;
	s9 =	sld [smem:$0x3FB3]  }
0x2f: {  	lr =	sadd.s32 s0, s3;
	s0 =	sld [smem:$0x3FAA]  }
0x30: {  	s3 =	sld [smem:$0x3FAD]  }
0x31: {  	[smem:$0x3FB6] =	sst s10  }
0x32: {  	s10 =	sld [smem:$0x3FB4];
	_ =	sdelay $0x3  }
0x33: {  	p0 =	seq.s32 s10, $0x1;
	s10 =	sld [smem:$0x3FB6];
	_ =	sdelay $0x3  }
0x34: {  	[smem:$0x3FB6] =	sst s10  }
0x35: {  	s10 =	sld [smem:$0x3FB5];
	_ =	sdelay $0x3  }
0x36: {  	p1 =	seq.s32 s10, $0x1;
	s10 =	sld [smem:$0x3FB6];
	_ =	sdelay $0x3  }
0x37: {  	[smem:$0x3FB6] =	sst s10  }
0x38: {  	s10 =	sld [smem:$0x3FB7]  }
0x39: {  	_ = 	snop;
	(pc) =	sbr.ind lr, $3  }
0x3a: {  	_ = 	snop  }
0x3b: {  	_ = 	snop  }
0x3c: {  	p2 =	seq.s32 s10, $0x1;
	s10 =	sld [smem:$0x3FB6]  }
0x3d: {  	_ =	shalt  }
0x3e: {  	_ =	shalt  }
0x3f: {  	_ =	shalt  }
0x40: {  	_ =	shalt  }
0x41: {  	_ =	shalt  }
0x42: {  	_ =	shalt  }
0x43: {  	_ =	shalt  }
0x44: {  	_ =	shalt  }
0x45: {  	_ =	shalt  }
0x46: {  	_ =	shalt  }
0x47: {  	_ =	shalt  }
0x48: {  	_ =	shalt  }
0x49: {  	_ =	shalt  }
0x4a: {  	_ =	shalt  }
0x4b: {  	_ =	shalt  }
0x4c: {  	_ =	shalt  }
0x4d: {  	_ =	shalt  }
0x4e: {  	_ =	shalt  }
0x4f: {  	_ =	shalt  }
0x50: {  	_ =	shalt  }
0x51: {  	_ =	shalt  }
0x52: {  	_ =	shalt  }
0x53: {  	_ =	shalt  }
0x54: {  	_ =	shalt  }
0x55: {  	_ =	shalt  }
0x56: {  	_ =	shalt  }
0x57: {  	_ =	shalt  }
0x58: {  	_ =	shalt  }
0x59: {  	_ =	shalt  }
0x5a: {  	_ =	shalt  }
0x5b: {  	_ =	shalt  }
0x5c: {  	_ =	shalt  }
0x5d: {  	_ =	shalt  }
0x5e: {  	_ =	shalt  }
0x5f: {  	_ =	shalt  }
0x60: {  	_ =	shalt  }
0x61: {  	_ =	shalt  }
0x62: {  	_ =	shalt  }
0x63: {  	_ =	shalt  }
0x64: {  	_ =	shalt  }
0x65: {  	_ =	shalt  }
0x66: {  	_ =	shalt  }
0x67: {  	_ =	shalt  }
0x68: {  	_ =	shalt  }
0x69: {  	_ =	shalt  }
0x6a: {  	_ =	shalt  }
0x6b: {  	_ =	shalt  }
0x6c: {  	_ =	shalt  }
0x6d: {  	_ =	shalt  }
0x6e: {  	_ =	shalt  }
0x6f: {  	_ =	shalt  }
0x70: {  	_ =	shalt  }
0x71: {  	_ =	shalt  }
0x72: {  	_ =	shalt  }
0x73: {  	_ =	shalt  }
0x74: {  	_ =	shalt  }
0x75: {  	_ =	shalt  }
0x76: {  	_ =	shalt  }
0x77: {  	_ =	shalt  }
0x78: {  	_ =	shalt  }
0x79: {  	_ =	shalt  }
0x7a: {  	_ =	shalt  }
0x7b: {  	_ =	shalt  }
0x7c: {  	_ =	shalt  }
0x7d: {  	_ =	shalt  }
0x7e: {  	_ =	shalt  }
0x7f: {  	_ =	shalt  }
0x80: {  	_ =	shalt  }
0x81: {  	_ =	shalt  }
0x82: {  	_ =	shalt  }
0x83: {  	_ =	shalt  }
0x84: {  	_ =	shalt  }
0x85: {  	_ =	shalt  }
0x86: {  	_ =	shalt  }
0x87: {  	_ =	shalt  }
.Lfunc_end0:
.L_simem_size_0:
called_computation.1_lowered:
.L_overlay_start_0:
0x88: {  	s2 =	sld [smem:$0x3FD9]  }
0x89: {  	s3 =	sld [smem:$0x3FFE];
	_ =	sdelay $0x1  }
0x8a: {  	s1 =	srdreg.scid  }
0x8b: {  	s0 =	sand.u32 $0x1, s1  }
0x8c: {  	s16 =	sshll.u32 s0, $0xA;
	s2 =	sadd.s32 s3, s2  }
0x8d: {  	s2 =	sadd.s32 s2, s16  }
0x8e: {  	[smem:$0x3FC2] =	sst s2  }
0x8f: {  	_ = 	snop  }
0x90: {  	(tm) =	ssettm $0x1  }
0x91: {  	s17 =	sld [smem:$0x3FFB];
	_ =	sdelay $0x3  }
0x92: {  	_ =	strace s17  }
0x93: {  	s2 =	sld [smem:$0x3FFC];
	_ =	sdelay $0x3  }
0x94: {  	_ =	strace s2  }
0x95: {  	s2 =	sld [smem:$0x3FFD];
	_ =	sdelay $0x3  }
0x96: {  	_ =	strace s2  }
0x97: {  	_ =	strace $0x8FFFFFFF  }
0x98: {  	s18 =	sld [smem:$0x3FDB];
	_ =	sdelay $0x1  }
0x99: {  	s19 =	simm.s32 $_scs_section_size  }
0x9a: {  	s4 =	simm.s32 $_size__tile_overlayer_lowered;
	s5 =	simm.s32 $_tile_overlayer_lowered  }
0x9b: {  	s22 =	simm.s32 $0x1BFF;
	s21 =	sshll.u32 s5, $0x1;
	s2 =	sadd.s32 s19, s18  }
0x9c: {  	s6 =	simm.s32 $0x0;
	s20 =	sshll.u32 s4, $0x1;
	s4 =	sadd.s32 s21, s2  }
0x9d: {  	[timem:s6], [sflag:s22] =	dma.local [hbm:s4], s20  }
0x9e: {  	_ =	swait.ge [sflag:s22], s20  }
0x9f: {  	s3 =	ssub.s32 $0x0, s20;
	[sflag:s22] =	ssyncset.done $0x0  }
0xa0: {  	[sflag:s22] =	ssyncadd.s32 s3;
	_ =	sdelay $0x1  }
0xa1: {  	s23 =	simm.s32 $0x1B8B  }
0xa2: {  	_ =	swait.ge [sflag:s23], $0x1  }
0xa3: {  	[sflag:s23] =	ssyncset.done $0x0  }
0xa4: {  	s25 =	simm.s32 $0x1B8E;
	s24 =	sld [smem:$0x3FFE];
	[sflag:s23] =	ssyncadd.s32 $0xFFFFFFFF  }
0xa5: {  	s26 =	simm.s32 $execute0_lowered;
	[smem:$0x3FD2] =	sst s25  }
0xa6: {  	s4 =	sshll.u32 s26, $0x1;
	_ =	strace $0x80000049;
	[dreg:$0x1] =	wrdreg $0xFFFFFFFF  }
0xa7: {  	s28 =	simm.s32 $_size_execute0_lowered;
	s2 =	sadd.s32 s2, s4;
	[dreg:$0x0] =	wrdreg $0x0  }
0xa8: {  	s4 =	sshll.u32 s28, $0x1;
	[dreg:$0x2] =	wrdreg s2  }
0xa9: {  	[dreg:$0x3] =	wrdreg s4  }
0xaa: {  	[dreg:$0x4] =	wrdreg $0xC0  }
0xab: {  	_ =	task [dreg:s6], $0x5FFFF  }
0xac: {  	[dreg:$0x1] =	wrdreg $0xFFFFFFFF  }
0xad: {  	[dreg:$0x0] =	wrdreg $0x60  }
0xae: {  	[dreg:$0x2] =	wrdreg s24  }
0xaf: {  	[dreg:$0x3] =	wrdreg $0xA8000  }
0xb0: {  	[dreg:$0x4] =	wrdreg $0x9  }
0xb1: {  	_ =	task.clear_ibuf [dreg:s6], $0x5FFFF;
	_ =	strace $0x90000049  }
0xb2: {  	s29 =	simm.s32 $0x9;
	_ =	strace $0x8000004B  }
0xb3: {  	_ =	swait.ge [sflag:s29], $0x1  }
0xb4: {  	[sflag:s29] =	ssyncadd.s32 $0xFFFFFFFF  }
0xb5: {  	_ =	strace $0x9000004B  }
0xb6: {  	_ =	sfence  }
0xb7: {  	s30 =	sld [smem:$0x0];
	_ =	sdelay $0x2  }
0xb8: {  	s31 =	sshll.u32 s1, $0xD;
	s1 =	sshrl.u32 s1, $0x2  }
0xb9: {  	s3 =	sand.u32 $0x4000, s31;
	s1 =	sadd.s32 s1, s30  }
0xba: {  	s0 =	sor.u32 s3, s0;
	s1 =	sshll.u32 s1, $0x11  }
0xbb: {  	s0 =	sor.u32 s1, s0  }
0xbc: {  	s0 =	sadd.s32 $0x8F2B, s0  }
0xbd: {  	[sflag:s0] =	ssyncadd.remote.s32 $0x1  }
0xbe: {  	_ =	sfence.sel $0xFFFF  }
0xbf: {  	[dreg:$0x0] =	wrdreg $0xFFFFFFFF;
	(pc) =	sbr.abs _section_cstart, $3  }
0xc0: {  	[dreg:$0x1] =	wrdreg $0xFFFFFFFF  }
0xc1: {  	_ =	task.clear_ibuf [dreg:s6], $0x2FFFF;
	_ =	strace $0x9FFFFFFF  }
0xc2: {  	(tm) =	ssettm $0x7FFFFFFF  }
0xc3: {  	_ =	shalt  }
tec
execute0_lowered:
.L_overlay_start_1:
0x0: {  	(tag) =	ssettag $0x1  }
0x1: {  	s0 =	rddreg [dreg:$0x0]  }
0x2: {  	s1 =	rddreg [dreg:$0x1];
	s2 =	simm.s32 $0x0;
	s3 =	srdreg.scid  }
0x3: {  	s25 =	stileid.u32;
	s28 =	simm.s32 $0x2780;
	[smem:$0x7FF] =	sst s2  }
0x4: {  	s4 =	sadd.s32 $0xB800, s0;
	s5 =	sadd.s32 $0x33800, s0;
	s7 =	smul.u32 $0x50000, s25  }
0x5: {  	s6 =	sadd.s32 $0x1200, s0;
	s3 =	sand.u32 $0x1, s3;
	s11 =	smul.u32 $0x280, s25  }
0x6: {  	s10 =	sadd.s32 $0x6200, s0;
	s0 =	sadd.s32 $0x5B800, s0;
	s12 =	smul.u32 $0x500, s25  }
0x7: {  	s13 =	smul.u32 $0x14000, s25;
	_ =	strace $0x8000004A;
	s8 =	ssub.s32 $0x2, s3  }
0x8: {  	p0 =	seq.s32 s3, $0x1;
	s3 =	smul.u32 $0x140000, s3;
	s9 =	sshrl.u32 s8, $0x1  }
0x9: {  	s7 =	sshrl.u32 s7, $0x2;
	s17 =	sadd.s32 $0x80, s11;
	s18 =	sadd.s32 $0x100, s11  }
0xa: {  	s21 =	sadd.s32 $0x180, s11;
	s22 =	sadd.s32 $0x200, s11;
	s14 =	sadd.s32 s6, s12  }
0xb: {  	s20 =	ssub.s32 s8, s9;
	s7 =	sadd.s32 s7, s1;
	s16 =	sshll.u32 s17, $0x7  }
0xc: {  	s19 =	sshll.u32 s18, $0x7;
	s23 =	sshll.u32 s21, $0x7;
	s24 =	sshll.u32 s22, $0x7  }
0xd: {  	[dreg:$0x4] =	wrdreg s14;
	s8 =	sadd.s32 s10, s12;
	s12 =	sadd.s32 $0x280, s12  }
0xe: {  	s11 =	sadd.s32 s13, s3;
	s21 =	sshll.u32 s21, $0x4;
	s22 =	sshll.u32 s22, $0x4  }
0xf: {  	[dreg:$0x3] =	wrdreg s7;
	s9 =	sadd.s32 s6, s12;
	s15 =	sshrl.u32 s11, $0x3  }
0x10: {  	s13 =	sadd.s32 s3, s16;
	s10 =	sadd.s32 s10, s12;
	s29 =	sadd.s32 s3, s19  }
0x11: {  	s30 =	sadd.s32 s3, s23;
	s3 =	sadd.s32 s3, s24;
	s16 =	sadd.s32 s16, s1  }
0x12: {  	s31 =	smax.u32 s20, $0x1;
	s20 =	simm.s32 $0x1400;
	s11 =	sadd.s32 s0, s15  }
0x13: {  	s26 =	sshrl.u32 s13, $0x3;
	s6 =	sshrl.u32 s29, $0x3;
	s14 =	sshrl.u32 s30, $0x3  }
0x14: {  	s3 =	sshrl.u32 s3, $0x3;
	s12 =	sadd.s32 s0, s26;
	s13 =	sadd.s32 s0, s6  }
0x15: {  	s14 =	sadd.s32 s0, s14;
	s6 =	smul.u32 $0x2800, s25;
	s25 =	sshll.u32 s17, $0x4  }
0x16: {  	s15 =	sadd.s32 s0, s3;
	s17 =	sadd.s32 s19, s1;
	s30 =	sadd.s32 s4, s25  }
0x17: {  	s26 =	sshll.u32 s18, $0x4;
	s7 =	sadd.s32 s5, s25;
	[dreg:$0x7] =	wrdreg s30  }
0x18: {  	s18 =	sadd.s32 s23, s1;
	s23 =	sadd.s32 s4, s26;
	[dreg:$0x8] =	wrdreg s7  }
0x19: {  	s19 =	sadd.s32 s24, s1;
	s24 =	sadd.s32 s5, s26;
	[dreg:$0x9] =	wrdreg s23  }
0x1a: {  	s25 =	sadd.s32 s4, s21;
	s26 =	sadd.s32 s5, s21;
	[dreg:$0xa] =	wrdreg s24  }
0x1b: {  	s21 =	simm.s32 $0x80;
	s29 =	sadd.s32 s4, s6;
	[dreg:$0xb] =	wrdreg s25  }
.Ltmp0:
0x1c: {  	s0 =	sadd.s32 s5, s6;
	[dreg:$0xc] =	wrdreg s26;
	(pc) =	sbr.rel .LBB2_1-.Ltmp0, $4  }
0x1d: {  	s30 =	sadd.s32 s5, s22;
	s23 =	simm.s32 $0x6800;
	[dreg:$0x5] =	wrdreg s29  }
0x1e: {  	s24 =	simm.s32 $0x1;
	s25 =	simm.s32 $0x2;
	[dreg:$0x6] =	wrdreg s0  }
0x1f: {  	s26 =	simm.s32 $0x2700;
	s29 =	sadd.s32 s4, s22;
	[dreg:$0xe] =	wrdreg s30  }
0x20: {  	s0 =	simm.s32 $0x3;
	s22 =	simm.s32 $0x2800;
	[dreg:$0xd] =	wrdreg s29  }
.LBB2_11:
0x21: {  	[tilespmem:s23], [sflag:$0x2] =	stream.indirect.gather [hbm4b:s5+s21], $0x80, s6, s21, $0xb8;
	[tilespmem:$0x1E800] =	vst v63  }
.LBB2_12:
0x22: {  	_ =	swait.ge [sflag:s24], $0x4000  }
0x23: {  	[sflag:s24] =	ssyncset.done $0x0  }
0x24: {  	[sflag:s24] =	ssyncadd.s32 $0xFFFFC000  }
0x25: {  	[spmem:s1] =	stream.indirect.scatter.add.f32 [tilespmem:s22], [sflag:$0x3], $0x80, s26, s21, $0xb8;
	[tilespmem:$0x1E800] =	vst v63  }
0x26: {  	_ =	swait.ge [sflag:s0], $0x4000  }
0x27: {  	[sflag:s0] =	ssyncset.done $0x0  }
0x28: {  	[sflag:s0] =	ssyncadd.s32 $0xFFFFC000  }
0x29: {  	_ =	swait.ge [sflag:s25], $0x4000  }
0x2a: {  	[sflag:s25] =	ssyncset.done $0x0  }
0x2b: {  	[sflag:s25] =	ssyncadd.s32 $0xFFFFC000  }
0x2c: {  	[spmem:s1] =	stream.indirect.scatter.add.f32 [tilespmem:s23], [sflag:$0x3], $0x80, s28, s21, $0xb8;
	[tilespmem:$0x1E800] =	vst v63  }
0x2d: {  	_ =	swait.ge [sflag:s0], $0x4000  }
0x2e: {  	[sflag:s0] =	ssyncset.done $0x0  }
0x2f: {  	[sflag:s0] =	ssyncadd.s32 $0xFFFFC000  }
0x30: {  	[bflag:$0x0] =	sbarrier.arrive $0xFFFF  }
0x31: {  	[hbm:s11], [sflag:s29] =	dma.local [spmem:s30], $0x800  }
0x32: {  	_ =	swait.ge [sflag:s0], $0x800  }
0x33: {  	[sflag:s0] =	ssyncset.done $0x0  }
0x34: {  	s3 =	sshrl.u32 s16, $0x3;
	[sflag:s0] =	ssyncadd.s32 $0xFFFFF800  }
0x35: {  	[hbm:s12], [sflag:s29] =	dma.local [spmem:s3], $0x800  }
0x36: {  	_ =	swait.ge [sflag:s0], $0x800  }
0x37: {  	[sflag:s0] =	ssyncset.done $0x0  }
0x38: {  	s6 =	sshrl.u32 s17, $0x3;
	[sflag:s0] =	ssyncadd.s32 $0xFFFFF800  }
0x39: {  	[hbm:s13], [sflag:s29] =	dma.local [spmem:s6], $0x800  }
0x3a: {  	_ =	swait.ge [sflag:s0], $0x800  }
0x3b: {  	[sflag:s0] =	ssyncset.done $0x0  }
0x3c: {  	s7 =	sshrl.u32 s18, $0x3;
	[sflag:s0] =	ssyncadd.s32 $0xFFFFF800  }
0x3d: {  	[hbm:s14], [sflag:s29] =	dma.local [spmem:s7], $0x800  }
0x3e: {  	s2 =	sadd.s32 $0x1, s2;
	_ =	swait.ge [sflag:s0], $0x800  }
0x3f: {  	p1 =	sne.s32 s2, s31;
	[sflag:s0] =	ssyncset.done $0x0  }
.Ltmp1:
0x40: {  	s30 =	sshrl.u32 s19, $0x3;
	[sflag:s0] =	ssyncadd.s32 $0xFFFFF800;
	(pc) =	sbr.rel @!p1 .LBB2_13-.Ltmp1, $4  }
0x41: {  	[hbm:s15], [sflag:s29] =	dma.local [spmem:s30], $0x800  }
0x42: {  	_ =	swait.ge [sflag:s0], $0x800  }
0x43: {  	[sflag:s0] =	ssyncset.done $0x0  }
0x44: {  	[sflag:s0] =	ssyncadd.s32 $0xFFFFF800  }
.LBB2_1:
.Ltmp2:
0x45: {  	(pc) =	sbr.rel @!p0 .LBB2_2-.Ltmp2, $4  }
0x46: {  	_ = 	snop  }
0x47: {  	s3 =	stileid.u32  }
0x48: {  	s6 =	rddreg [dreg:$0x3];
	s3 =	sshll.u32 s3, $0x6  }
0x49: {  	s30 =	sshrl.u32 s6, $0x3;
	s29 =	sor.u32 $0x1C03, s3  }
0x4a: {  	s3 =	rddreg [dreg:$0x6]  }
0x4b: {  	[spmem:s30], [sflag:s29] =	dma.local [hbm:s3], $0x800  }
0x4c: {  	_ =	swait.ge [sflag:s0], $0x800  }
0x4d: {  	[sflag:s0] =	ssyncset.done $0x0  }
0x4e: {  	s7 =	sshrl.u32 s16, $0x3;
	s6 =	rddreg [dreg:$0x8];
	[sflag:s0] =	ssyncadd.s32 $0xFFFFF800  }
0x4f: {  	[spmem:s7], [sflag:s29] =	dma.local [hbm:s6], $0x800  }
0x50: {  	_ =	swait.ge [sflag:s0], $0x800  }
0x51: {  	[sflag:s0] =	ssyncset.done $0x0  }
0x52: {  	s6 =	sshrl.u32 s17, $0x3;
	s7 =	rddreg [dreg:$0xa];
	[sflag:s0] =	ssyncadd.s32 $0xFFFFF800  }
0x53: {  	[spmem:s6], [sflag:s29] =	dma.local [hbm:s7], $0x800  }
0x54: {  	_ =	swait.ge [sflag:s0], $0x800  }
0x55: {  	[sflag:s0] =	ssyncset.done $0x0  }
0x56: {  	s6 =	sshrl.u32 s18, $0x3;
	s7 =	rddreg [dreg:$0xc];
	[sflag:s0] =	ssyncadd.s32 $0xFFFFF800  }
0x57: {  	[spmem:s6], [sflag:s29] =	dma.local [hbm:s7], $0x800  }
0x58: {  	_ =	swait.ge [sflag:s0], $0x800  }
0x59: {  	[sflag:s0] =	ssyncset.done $0x0  }
0x5a: {  	s6 =	sshrl.u32 s19, $0x3;
	s7 =	rddreg [dreg:$0xe];
	[sflag:s0] =	ssyncadd.s32 $0xFFFFF800  }
0x5b: {  	[spmem:s6], [sflag:s29] =	dma.local [hbm:s7], $0x800  }
0x5c: {  	_ =	swait.ge [sflag:s0], $0x800  }
0x5d: {  	[sflag:s0] =	ssyncset.done $0x0  }
0x5e: {  	[sflag:s0] =	ssyncadd.s32 $0xFFFFF800  }
0x5f: {  	[bflag:$0x0] =	sbarrier.arrive $0xFFFF  }
0x60: {  	s3 =	simm.s32 $0x0;
	s7 =	rddreg [dreg:$0x4]  }
0x61: {  	[tilespmem:s3], [sflag:$0x3] =	stream.linear.gather [hbm4b:s7+s3], $0x1400, $0x38;
	[tilespmem:$0x1E800] =	vst v63  }
0x62: {  	_ =	swait.ge [sflag:s0], $0x1400  }
0x63: {  	[sflag:s0] =	ssyncset.done $0x0  }
0x64: {  	[sflag:s0] =	ssyncadd.s32 $0xFFFFEC00  }
0x65: {  	[tilespmem:s20], [sflag:$0x3] =	stream.linear.gather [hbm4b:s8+s3], $0x1400, $0x38;
	[tilespmem:$0x1E800] =	vst v63  }
0x66: {  	_ =	swait.ge [sflag:s0], $0x1400  }
0x67: {  	[sflag:s0] =	ssyncset.done $0x0  }
0x68: {  	[sflag:s0] =	ssyncadd.s32 $0xFFFFEC00  }
0x69: {  	[tilespmem:s22], [sflag:$0x1] =	stream.indirect.gather [hbm4b:s5+s21], $0x80, s3, s21, $0xb8;
	[tilespmem:$0x1E800] =	vst v63  }
0x6a: {  	_ = 	snop  }
0x6b: {  	[tilespmem:s23], [sflag:$0x2] =	stream.indirect.gather [hbm4b:s5+s21], $0x80, s21, s21, $0xb8;
	[tilespmem:$0x1E800] =	vst v63  }
0x6c: {  	_ =	swait.ge [sflag:s24], $0x4000  }
0x6d: {  	[sflag:s24] =	ssyncset.done $0x0  }
0x6e: {  	s7 =	simm.s32 $0x1400;
	[sflag:s24] =	ssyncadd.s32 $0xFFFFC000  }
0x6f: {  	[spmem:s1] =	stream.indirect.scatter.add.f32 [tilespmem:s22], [sflag:$0x3], $0x80, s7, s21, $0xb8;
	[tilespmem:$0x1E800] =	vst v63  }
0x70: {  	_ =	swait.ge [sflag:s0], $0x4000  }
0x71: {  	[sflag:s0] =	ssyncset.done $0x0  }
0x72: {  	s6 =	simm.s32 $0x100;
	[sflag:s0] =	ssyncadd.s32 $0xFFFFC000  }
0x73: {  	[tilespmem:s22], [sflag:$0x1] =	stream.indirect.gather [hbm4b:s5+s21], $0x80, s6, s21, $0xb8;
	[tilespmem:$0x1E800] =	vst v63  }
0x74: {  	_ =	swait.ge [sflag:s25], $0x4000  }
0x75: {  	[sflag:s25] =	ssyncset.done $0x0  }
0x76: {  	s7 =	simm.s32 $0x1480;
	[sflag:s25] =	ssyncadd.s32 $0xFFFFC000  }
0x77: {  	[spmem:s1] =	stream.indirect.scatter.add.f32 [tilespmem:s23], [sflag:$0x3], $0x80, s7, s21, $0xb8;
	[tilespmem:$0x1E800] =	vst v63  }
0x78: {  	_ =	swait.ge [sflag:s0], $0x4000  }
0x79: {  	[sflag:s0] =	ssyncset.done $0x0  }
0x7a: {  	s3 =	simm.s32 $0x400;
	s6 =	simm.s32 $0x180;
	[sflag:s0] =	ssyncadd.s32 $0xFFFFC000  }
.LBB2_8:
0x7b: {  	[tilespmem:s23], [sflag:$0x2] =	stream.indirect.gather [hbm4b:s5+s21], $0x80, s6, s21, $0xb8;
	[tilespmem:$0x1E800] =	vst v63  }
0x7c: {  	s6 =	smov.u32 s3  }
0x7d: {  	p1 =	sne.s32 s3, $0x4800;
	s3 =	sadd.s32 $0x400, s3;
	_ =	swait.ge [sflag:s24], $0x4000  }
0x7e: {  	s6 =	sshra.s32 s6, $0x2;
	[sflag:s24] =	ssyncset.done $0x0  }
0x7f: {  	s7 =	sadd.s32 $0x1400, s6;
	[sflag:s24] =	ssyncadd.s32 $0xFFFFC000  }
0x80: {  	[spmem:s1] =	stream.indirect.scatter.add.f32 [tilespmem:s22], [sflag:$0x3], $0x80, s7, s21, $0xb8;
	[tilespmem:$0x1E800] =	vst v63  }
0x81: {  	_ =	swait.ge [sflag:s0], $0x4000  }
0x82: {  	[sflag:s0] =	ssyncset.done $0x0  }
0x83: {  	s7 =	sadd.s32 $0x100, s6;
	[sflag:s0] =	ssyncadd.s32 $0xFFFFC000  }
0x84: {  	[tilespmem:s22], [sflag:$0x1] =	stream.indirect.gather [hbm4b:s5+s21], $0x80, s7, s21, $0xb8;
	[tilespmem:$0x1E800] =	vst v63  }
0x85: {  	_ =	swait.ge [sflag:s25], $0x4000  }
0x86: {  	[sflag:s25] =	ssyncset.done $0x0  }
.Ltmp3:
0x87: {  	s7 =	sadd.s32 $0x1480, s6;
	[sflag:s25] =	ssyncadd.s32 $0xFFFFC000;
	(pc) =	sbr.rel @p1 .LBB2_8-.Ltmp3, $4  }
0x88: {  	[spmem:s1] =	stream.indirect.scatter.add.f32 [tilespmem:s23], [sflag:$0x3], $0x80, s7, s21, $0xb8;
	[tilespmem:$0x1E800] =	vst v63  }
0x89: {  	_ =	swait.ge [sflag:s0], $0x4000  }
0x8a: {  	[sflag:s0] =	ssyncset.done $0x0  }
0x8b: {  	s6 =	sadd.s32 $0x180, s6;
	[sflag:s0] =	ssyncadd.s32 $0xFFFFC000  }
0x8c: {  	[tilespmem:s23], [sflag:$0x2] =	stream.indirect.gather [hbm4b:s5+s21], $0x80, s6, s21, $0xb8;
	[tilespmem:$0x1E800] =	vst v63  }
0x8d: {  	_ =	swait.ge [sflag:s24], $0x4000  }
0x8e: {  	[sflag:s24] =	ssyncset.done $0x0  }
0x8f: {  	[sflag:s24] =	ssyncadd.s32 $0xFFFFC000  }
0x90: {  	[spmem:s1] =	stream.indirect.scatter.add.f32 [tilespmem:s22], [sflag:$0x3], $0x80, s26, s21, $0xb8;
	[tilespmem:$0x1E800] =	vst v63  }
0x91: {  	_ =	swait.ge [sflag:s0], $0x4000  }
0x92: {  	[sflag:s0] =	ssyncset.done $0x0  }
0x93: {  	[sflag:s0] =	ssyncadd.s32 $0xFFFFC000  }
0x94: {  	_ =	swait.ge [sflag:s25], $0x4000  }
0x95: {  	[sflag:s25] =	ssyncset.done $0x0  }
0x96: {  	[sflag:s25] =	ssyncadd.s32 $0xFFFFC000  }
0x97: {  	[spmem:s1] =	stream.indirect.scatter.add.f32 [tilespmem:s23], [sflag:$0x3], $0x80, s28, s21, $0xb8;
	[tilespmem:$0x1E800] =	vst v63  }
0x98: {  	_ =	swait.ge [sflag:s0], $0x4000  }
0x99: {  	[sflag:s0] =	ssyncset.done $0x0  }
0x9a: {  	s3 =	simm.s32 $0x0;
	[sflag:s0] =	ssyncadd.s32 $0xFFFFC000  }
0x9b: {  	[tilespmem:s3], [sflag:$0x3] =	stream.linear.gather [hbm4b:s9+s3], $0x1400, $0x38;
	[tilespmem:$0x1E800] =	vst v63  }
0x9c: {  	_ =	swait.ge [sflag:s0], $0x1400  }
0x9d: {  	[sflag:s0] =	ssyncset.done $0x0  }
0x9e: {  	[sflag:s0] =	ssyncadd.s32 $0xFFFFEC00  }
0x9f: {  	[tilespmem:s20], [sflag:$0x3] =	stream.linear.gather [hbm4b:s10+s3], $0x1400, $0x38;
	[tilespmem:$0x1E800] =	vst v63  }
0xa0: {  	_ =	swait.ge [sflag:s0], $0x1400  }
0xa1: {  	[sflag:s0] =	ssyncset.done $0x0  }
0xa2: {  	[sflag:s0] =	ssyncadd.s32 $0xFFFFEC00  }
0xa3: {  	[tilespmem:s22], [sflag:$0x1] =	stream.indirect.gather [hbm4b:s5+s21], $0x80, s3, s21, $0xb8;
	[tilespmem:$0x1E800] =	vst v63  }
0xa4: {  	_ = 	snop  }
0xa5: {  	[tilespmem:s23], [sflag:$0x2] =	stream.indirect.gather [hbm4b:s5+s21], $0x80, s21, s21, $0xb8;
	[tilespmem:$0x1E800] =	vst v63  }
0xa6: {  	_ =	swait.ge [sflag:s24], $0x4000  }
0xa7: {  	[sflag:s24] =	ssyncset.done $0x0  }
0xa8: {  	s7 =	simm.s32 $0x1400;
	[sflag:s24] =	ssyncadd.s32 $0xFFFFC000  }
0xa9: {  	[spmem:s1] =	stream.indirect.scatter.add.f32 [tilespmem:s22], [sflag:$0x3], $0x80, s7, s21, $0xb8;
	[tilespmem:$0x1E800] =	vst v63  }
0xaa: {  	_ =	swait.ge [sflag:s0], $0x4000  }
0xab: {  	[sflag:s0] =	ssyncset.done $0x0  }
0xac: {  	s6 =	simm.s32 $0x100;
	[sflag:s0] =	ssyncadd.s32 $0xFFFFC000  }
0xad: {  	[tilespmem:s22], [sflag:$0x1] =	stream.indirect.gather [hbm4b:s5+s21], $0x80, s6, s21, $0xb8;
	[tilespmem:$0x1E800] =	vst v63  }
0xae: {  	_ =	swait.ge [sflag:s25], $0x4000  }
0xaf: {  	[sflag:s25] =	ssyncset.done $0x0  }
0xb0: {  	s7 =	simm.s32 $0x1480;
	[sflag:s25] =	ssyncadd.s32 $0xFFFFC000  }
0xb1: {  	[spmem:s1] =	stream.indirect.scatter.add.f32 [tilespmem:s23], [sflag:$0x3], $0x80, s7, s21, $0xb8;
	[tilespmem:$0x1E800] =	vst v63  }
0xb2: {  	_ =	swait.ge [sflag:s0], $0x4000  }
0xb3: {  	[sflag:s0] =	ssyncset.done $0x0  }
0xb4: {  	s3 =	simm.s32 $0x400;
	s6 =	simm.s32 $0x180;
	[sflag:s0] =	ssyncadd.s32 $0xFFFFC000  }
.LBB2_10:
0xb5: {  	[tilespmem:s23], [sflag:$0x2] =	stream.indirect.gather [hbm4b:s5+s21], $0x80, s6, s21, $0xb8;
	[tilespmem:$0x1E800] =	vst v63  }
0xb6: {  	s6 =	smov.u32 s3  }
0xb7: {  	p1 =	sne.s32 s3, $0x4800;
	s3 =	sadd.s32 $0x400, s3;
	_ =	swait.ge [sflag:s24], $0x4000  }
0xb8: {  	s6 =	sshra.s32 s6, $0x2;
	[sflag:s24] =	ssyncset.done $0x0  }
0xb9: {  	s7 =	sadd.s32 $0x1400, s6;
	[sflag:s24] =	ssyncadd.s32 $0xFFFFC000  }
0xba: {  	[spmem:s1] =	stream.indirect.scatter.add.f32 [tilespmem:s22], [sflag:$0x3], $0x80, s7, s21, $0xb8;
	[tilespmem:$0x1E800] =	vst v63  }
0xbb: {  	_ =	swait.ge [sflag:s0], $0x4000  }
0xbc: {  	[sflag:s0] =	ssyncset.done $0x0  }
0xbd: {  	s7 =	sadd.s32 $0x100, s6;
	[sflag:s0] =	ssyncadd.s32 $0xFFFFC000  }
0xbe: {  	[tilespmem:s22], [sflag:$0x1] =	stream.indirect.gather [hbm4b:s5+s21], $0x80, s7, s21, $0xb8;
	[tilespmem:$0x1E800] =	vst v63  }
0xbf: {  	_ =	swait.ge [sflag:s25], $0x4000  }
0xc0: {  	[sflag:s25] =	ssyncset.done $0x0  }
.Ltmp4:
0xc1: {  	s7 =	sadd.s32 $0x1480, s6;
	[sflag:s25] =	ssyncadd.s32 $0xFFFFC000;
	(pc) =	sbr.rel @p1 .LBB2_10-.Ltmp4, $4  }
0xc2: {  	[spmem:s1] =	stream.indirect.scatter.add.f32 [tilespmem:s23], [sflag:$0x3], $0x80, s7, s21, $0xb8;
	[tilespmem:$0x1E800] =	vst v63  }
0xc3: {  	_ =	swait.ge [sflag:s0], $0x4000  }
0xc4: {  	[sflag:s0] =	ssyncset.done $0x0  }
0xc5: {  	s6 =	sadd.s32 $0x180, s6;
	[sflag:s0] =	ssyncadd.s32 $0xFFFFC000  }
.Ltmp5:
0xc6: {  	_ = 	snop;
	(pc) =	sbr.rel .LBB2_11-.Ltmp5, $1  }
0xc7: {  	_ =	sdelay $0x3  }
.LBB2_2:
0xc8: {  	s3 =	rddreg [dreg:$0x5]  }
0xc9: {  	[spmem:s30], [sflag:s29] =	dma.local [hbm:s3], $0x800  }
0xca: {  	_ =	swait.ge [sflag:s0], $0x800  }
0xcb: {  	[sflag:s0] =	ssyncset.done $0x0  }
0xcc: {  	s7 =	sshrl.u32 s16, $0x3;
	s6 =	rddreg [dreg:$0x7];
	[sflag:s0] =	ssyncadd.s32 $0xFFFFF800  }
0xcd: {  	[spmem:s7], [sflag:s29] =	dma.local [hbm:s6], $0x800  }
0xce: {  	_ =	swait.ge [sflag:s0], $0x800  }
0xcf: {  	[sflag:s0] =	ssyncset.done $0x0  }
0xd0: {  	s6 =	sshrl.u32 s17, $0x3;
	s7 =	rddreg [dreg:$0x9];
	[sflag:s0] =	ssyncadd.s32 $0xFFFFF800  }
0xd1: {  	[spmem:s6], [sflag:s29] =	dma.local [hbm:s7], $0x800  }
0xd2: {  	_ =	swait.ge [sflag:s0], $0x800  }
0xd3: {  	[sflag:s0] =	ssyncset.done $0x0  }
0xd4: {  	s6 =	sshrl.u32 s18, $0x3;
	s7 =	rddreg [dreg:$0xb];
	[sflag:s0] =	ssyncadd.s32 $0xFFFFF800  }
0xd5: {  	[spmem:s6], [sflag:s29] =	dma.local [hbm:s7], $0x800  }
0xd6: {  	_ =	swait.ge [sflag:s0], $0x800  }
0xd7: {  	[sflag:s0] =	ssyncset.done $0x0  }
0xd8: {  	s6 =	sshrl.u32 s19, $0x3;
	s7 =	rddreg [dreg:$0xd];
	[sflag:s0] =	ssyncadd.s32 $0xFFFFF800  }
0xd9: {  	[spmem:s6], [sflag:s29] =	dma.local [hbm:s7], $0x800  }
0xda: {  	_ =	swait.ge [sflag:s0], $0x800  }
0xdb: {  	[sflag:s0] =	ssyncset.done $0x0  }
0xdc: {  	[sflag:s0] =	ssyncadd.s32 $0xFFFFF800  }
0xdd: {  	[bflag:$0x0] =	sbarrier.arrive $0xFFFF  }
0xde: {  	s3 =	simm.s32 $0x0;
	s7 =	rddreg [dreg:$0x4]  }
0xdf: {  	[tilespmem:s3], [sflag:$0x3] =	stream.linear.gather [hbm4b:s7+s3], $0x1400, $0x38;
	[tilespmem:$0x1E800] =	vst v63  }
0xe0: {  	_ =	swait.ge [sflag:s0], $0x1400  }
0xe1: {  	[sflag:s0] =	ssyncset.done $0x0  }
0xe2: {  	[sflag:s0] =	ssyncadd.s32 $0xFFFFEC00  }
0xe3: {  	[tilespmem:s20], [sflag:$0x3] =	stream.linear.gather [hbm4b:s8+s3], $0x1400, $0x38;
	[tilespmem:$0x1E800] =	vst v63  }
0xe4: {  	_ =	swait.ge [sflag:s0], $0x1400  }
0xe5: {  	[sflag:s0] =	ssyncset.done $0x0  }
0xe6: {  	[sflag:s0] =	ssyncadd.s32 $0xFFFFEC00  }
0xe7: {  	[tilespmem:s22], [sflag:$0x1] =	stream.indirect.gather [hbm4b:s4+s21], $0x80, s3, s21, $0xb8;
	[tilespmem:$0x1E800] =	vst v63  }
0xe8: {  	_ = 	snop  }
0xe9: {  	[tilespmem:s23], [sflag:$0x2] =	stream.indirect.gather [hbm4b:s4+s21], $0x80, s21, s21, $0xb8;
	[tilespmem:$0x1E800] =	vst v63  }
0xea: {  	_ =	swait.ge [sflag:s24], $0x4000  }
0xeb: {  	[sflag:s24] =	ssyncset.done $0x0  }
0xec: {  	s7 =	simm.s32 $0x1400;
	[sflag:s24] =	ssyncadd.s32 $0xFFFFC000  }
0xed: {  	[spmem:s1] =	stream.indirect.scatter.add.f32 [tilespmem:s22], [sflag:$0x3], $0x80, s7, s21, $0xb8;
	[tilespmem:$0x1E800] =	vst v63  }
0xee: {  	_ =	swait.ge [sflag:s0], $0x4000  }
0xef: {  	[sflag:s0] =	ssyncset.done $0x0  }
0xf0: {  	s6 =	simm.s32 $0x100;
	[sflag:s0] =	ssyncadd.s32 $0xFFFFC000  }
0xf1: {  	[tilespmem:s22], [sflag:$0x1] =	stream.indirect.gather [hbm4b:s4+s21], $0x80, s6, s21, $0xb8;
	[tilespmem:$0x1E800] =	vst v63  }
0xf2: {  	_ =	swait.ge [sflag:s25], $0x4000  }
0xf3: {  	[sflag:s25] =	ssyncset.done $0x0  }
0xf4: {  	s7 =	simm.s32 $0x1480;
	[sflag:s25] =	ssyncadd.s32 $0xFFFFC000  }
0xf5: {  	[spmem:s1] =	stream.indirect.scatter.add.f32 [tilespmem:s23], [sflag:$0x3], $0x80, s7, s21, $0xb8;
	[tilespmem:$0x1E800] =	vst v63  }
0xf6: {  	_ =	swait.ge [sflag:s0], $0x4000  }
0xf7: {  	[sflag:s0] =	ssyncset.done $0x0  }
0xf8: {  	s3 =	simm.s32 $0x400;
	s6 =	simm.s32 $0x180;
	[sflag:s0] =	ssyncadd.s32 $0xFFFFC000  }
.LBB2_3:
0xf9: {  	[tilespmem:s23], [sflag:$0x2] =	stream.indirect.gather [hbm4b:s4+s21], $0x80, s6, s21, $0xb8;
	[tilespmem:$0x1E800] =	vst v63  }
0xfa: {  	s6 =	smov.u32 s3  }
0xfb: {  	p1 =	sne.s32 s3, $0x4800;
	s3 =	sadd.s32 $0x400, s3;
	_ =	swait.ge [sflag:s24], $0x4000  }
0xfc: {  	s6 =	sshra.s32 s6, $0x2;
	[sflag:s24] =	ssyncset.done $0x0  }
0xfd: {  	s7 =	sadd.s32 $0x1400, s6;
	[sflag:s24] =	ssyncadd.s32 $0xFFFFC000  }
0xfe: {  	[spmem:s1] =	stream.indirect.scatter.add.f32 [tilespmem:s22], [sflag:$0x3], $0x80, s7, s21, $0xb8;
	[tilespmem:$0x1E800] =	vst v63  }
0xff: {  	_ =	swait.ge [sflag:s0], $0x4000  }
0x100: {  	[sflag:s0] =	ssyncset.done $0x0  }
0x101: {  	s7 =	sadd.s32 $0x100, s6;
	[sflag:s0] =	ssyncadd.s32 $0xFFFFC000  }
0x102: {  	[tilespmem:s22], [sflag:$0x1] =	stream.indirect.gather [hbm4b:s4+s21], $0x80, s7, s21, $0xb8;
	[tilespmem:$0x1E800] =	vst v63  }
0x103: {  	_ =	swait.ge [sflag:s25], $0x4000  }
0x104: {  	[sflag:s25] =	ssyncset.done $0x0  }
.Ltmp6:
0x105: {  	s7 =	sadd.s32 $0x1480, s6;
	[sflag:s25] =	ssyncadd.s32 $0xFFFFC000;
	(pc) =	sbr.rel @p1 .LBB2_3-.Ltmp6, $4  }
0x106: {  	[spmem:s1] =	stream.indirect.scatter.add.f32 [tilespmem:s23], [sflag:$0x3], $0x80, s7, s21, $0xb8;
	[tilespmem:$0x1E800] =	vst v63  }
0x107: {  	_ =	swait.ge [sflag:s0], $0x4000  }
0x108: {  	[sflag:s0] =	ssyncset.done $0x0  }
0x109: {  	s6 =	sadd.s32 $0x180, s6;
	[sflag:s0] =	ssyncadd.s32 $0xFFFFC000  }
0x10a: {  	[tilespmem:s23], [sflag:$0x2] =	stream.indirect.gather [hbm4b:s4+s21], $0x80, s6, s21, $0xb8;
	[tilespmem:$0x1E800] =	vst v63  }
0x10b: {  	_ =	swait.ge [sflag:s24], $0x4000  }
0x10c: {  	[sflag:s24] =	ssyncset.done $0x0  }
0x10d: {  	[sflag:s24] =	ssyncadd.s32 $0xFFFFC000  }
0x10e: {  	[spmem:s1] =	stream.indirect.scatter.add.f32 [tilespmem:s22], [sflag:$0x3], $0x80, s26, s21, $0xb8;
	[tilespmem:$0x1E800] =	vst v63  }
0x10f: {  	_ =	swait.ge [sflag:s0], $0x4000  }
0x110: {  	[sflag:s0] =	ssyncset.done $0x0  }
0x111: {  	[sflag:s0] =	ssyncadd.s32 $0xFFFFC000  }
0x112: {  	_ =	swait.ge [sflag:s25], $0x4000  }
0x113: {  	[sflag:s25] =	ssyncset.done $0x0  }
0x114: {  	[sflag:s25] =	ssyncadd.s32 $0xFFFFC000  }
0x115: {  	[spmem:s1] =	stream.indirect.scatter.add.f32 [tilespmem:s23], [sflag:$0x3], $0x80, s28, s21, $0xb8;
	[tilespmem:$0x1E800] =	vst v63  }
0x116: {  	_ =	swait.ge [sflag:s0], $0x4000  }
0x117: {  	[sflag:s0] =	ssyncset.done $0x0  }
0x118: {  	s3 =	simm.s32 $0x0;
	[sflag:s0] =	ssyncadd.s32 $0xFFFFC000  }
0x119: {  	[tilespmem:s3], [sflag:$0x3] =	stream.linear.gather [hbm4b:s9+s3], $0x1400, $0x38;
	[tilespmem:$0x1E800] =	vst v63  }
0x11a: {  	_ =	swait.ge [sflag:s0], $0x1400  }
0x11b: {  	[sflag:s0] =	ssyncset.done $0x0  }
0x11c: {  	[sflag:s0] =	ssyncadd.s32 $0xFFFFEC00  }
0x11d: {  	[tilespmem:s20], [sflag:$0x3] =	stream.linear.gather [hbm4b:s10+s3], $0x1400, $0x38;
	[tilespmem:$0x1E800] =	vst v63  }
0x11e: {  	_ =	swait.ge [sflag:s0], $0x1400  }
0x11f: {  	[sflag:s0] =	ssyncset.done $0x0  }
0x120: {  	[sflag:s0] =	ssyncadd.s32 $0xFFFFEC00  }
0x121: {  	[tilespmem:s22], [sflag:$0x1] =	stream.indirect.gather [hbm4b:s4+s21], $0x80, s3, s21, $0xb8;
	[tilespmem:$0x1E800] =	vst v63  }
0x122: {  	_ = 	snop  }
0x123: {  	[tilespmem:s23], [sflag:$0x2] =	stream.indirect.gather [hbm4b:s4+s21], $0x80, s21, s21, $0xb8;
	[tilespmem:$0x1E800] =	vst v63  }
0x124: {  	_ =	swait.ge [sflag:s24], $0x4000  }
0x125: {  	[sflag:s24] =	ssyncset.done $0x0  }
0x126: {  	s7 =	simm.s32 $0x1400;
	[sflag:s24] =	ssyncadd.s32 $0xFFFFC000  }
0x127: {  	[spmem:s1] =	stream.indirect.scatter.add.f32 [tilespmem:s22], [sflag:$0x3], $0x80, s7, s21, $0xb8;
	[tilespmem:$0x1E800] =	vst v63  }
0x128: {  	_ =	swait.ge [sflag:s0], $0x4000  }
0x129: {  	[sflag:s0] =	ssyncset.done $0x0  }
0x12a: {  	s6 =	simm.s32 $0x100;
	[sflag:s0] =	ssyncadd.s32 $0xFFFFC000  }
0x12b: {  	[tilespmem:s22], [sflag:$0x1] =	stream.indirect.gather [hbm4b:s4+s21], $0x80, s6, s21, $0xb8;
	[tilespmem:$0x1E800] =	vst v63  }
0x12c: {  	_ =	swait.ge [sflag:s25], $0x4000  }
0x12d: {  	[sflag:s25] =	ssyncset.done $0x0  }
0x12e: {  	s7 =	simm.s32 $0x1480;
	[sflag:s25] =	ssyncadd.s32 $0xFFFFC000  }
0x12f: {  	[spmem:s1] =	stream.indirect.scatter.add.f32 [tilespmem:s23], [sflag:$0x3], $0x80, s7, s21, $0xb8;
	[tilespmem:$0x1E800] =	vst v63  }
0x130: {  	_ =	swait.ge [sflag:s0], $0x4000  }
0x131: {  	[sflag:s0] =	ssyncset.done $0x0  }
0x132: {  	s3 =	simm.s32 $0x400;
	s6 =	simm.s32 $0x180;
	[sflag:s0] =	ssyncadd.s32 $0xFFFFC000  }
.LBB2_5:
0x133: {  	[tilespmem:s23], [sflag:$0x2] =	stream.indirect.gather [hbm4b:s4+s21], $0x80, s6, s21, $0xb8;
	[tilespmem:$0x1E800] =	vst v63  }
0x134: {  	s6 =	smov.u32 s3  }
0x135: {  	p1 =	seq.s32 s3, $0x4800;
	s3 =	sadd.s32 $0x400, s3;
	_ =	swait.ge [sflag:s24], $0x4000  }
0x136: {  	s6 =	sshra.s32 s6, $0x2;
	[sflag:s24] =	ssyncset.done $0x0  }
0x137: {  	s7 =	sadd.s32 $0x1400, s6;
	[sflag:s24] =	ssyncadd.s32 $0xFFFFC000  }
0x138: {  	[spmem:s1] =	stream.indirect.scatter.add.f32 [tilespmem:s22], [sflag:$0x3], $0x80, s7, s21, $0xb8;
	[tilespmem:$0x1E800] =	vst v63  }
0x139: {  	_ =	swait.ge [sflag:s0], $0x4000  }
0x13a: {  	[sflag:s0] =	ssyncset.done $0x0  }
0x13b: {  	s7 =	sadd.s32 $0x100, s6;
	[sflag:s0] =	ssyncadd.s32 $0xFFFFC000  }
0x13c: {  	[tilespmem:s22], [sflag:$0x1] =	stream.indirect.gather [hbm4b:s4+s21], $0x80, s7, s21, $0xb8;
	[tilespmem:$0x1E800] =	vst v63  }
0x13d: {  	_ =	swait.ge [sflag:s25], $0x4000  }
0x13e: {  	[sflag:s25] =	ssyncset.done $0x0  }
.Ltmp7:
0x13f: {  	s7 =	sadd.s32 $0x1480, s6;
	[sflag:s25] =	ssyncadd.s32 $0xFFFFC000;
	(pc) =	sbr.rel @!p1 .LBB2_5-.Ltmp7, $4  }
0x140: {  	[spmem:s1] =	stream.indirect.scatter.add.f32 [tilespmem:s23], [sflag:$0x3], $0x80, s7, s21, $0xb8;
	[tilespmem:$0x1E800] =	vst v63  }
0x141: {  	_ =	swait.ge [sflag:s0], $0x4000  }
0x142: {  	[sflag:s0] =	ssyncset.done $0x0  }
0x143: {  	s6 =	sadd.s32 $0x180, s6;
	[sflag:s0] =	ssyncadd.s32 $0xFFFFC000  }
.Ltmp8:
0x144: {  	(pc) =	sbr.rel .LBB2_12-.Ltmp8, $2  }
0x145: {  	_ =	sdelay $0x2  }
0x146: {  	[tilespmem:s23], [sflag:$0x2] =	stream.indirect.gather [hbm4b:s4+s21], $0x80, s6, s21, $0xb8;
	[tilespmem:$0x1E800] =	vst v63  }
.LBB2_13:
0x147: {  	_ =	sfence.sel $0x180000  }
0x148: {  	[bflag:$0x0] =	sbarrier.arrive $0xFFFF  }
0x149: {  	_ =	strace $0x9000004A  }
0x14a: {  	s0 =	stileid.u32;
	[bflag:$0x2] =	sbarrier.arrive $0xFFFF  }
0x14b: {  	p0 =	sne.s32 s0, $0x0;
	s0 =	rddreg [dreg:$0x2]  }
0x14c: {  	s0 =	sadd.s32 @!p0 $0x100000, s0  }
0x14d: {  	[sflag:s0] =	ssyncadd.tile.s32 @!p0 $0x1;
	_ =	shalt  }
.Lfunc_end2:
_tile_overlayer_lowered:
.L_overlay_start_2:
0x14e: {  	(tag) =	ssettag $0x2  }
0x14f: {  	s0 =	rddreg [dreg:$0x0];
	s2 =	stileid.u32  }
0x150: {  	s1 =	rddreg [dreg:$0x1];
	p0 =	sne.s32 s2, $0x0  }
0x151: {  	s3 =	rddreg [dreg:$0x2];
	[bflag:$0x3] =	sbarrier.arrive $0xFFFF;
	s2 =	simm.s32 @!p0 $0x1C03  }
0x152: {  	[timem:s3], [sflag:s2] =	dma.local @!p0 [hbm:s0], s1  }
0x153: {  	s0 =	simm.s32 @!p0 $0x3  }
0x154: {  	_ =	swait.ge @!p0 [sflag:s0], s1  }
0x155: {  	s1 =	ssub.s32 @!p0 $0x0, s1;
	[sflag:s0] =	ssyncset.done @!p0 $0x0  }
0x156: {  	[sflag:s0] =	ssyncadd.s32 @!p0 s1  }
0x157: {  	[bflag:$0x3] =	sbarrier.arrive $0xFFFF  }
0x158: {  	_ =	shalt  }

// kernel: kernel.15.cloned.1.call-start
scs
__scs_entry_jumppad:
0x0: {  	(pc) =	sbr.rel $0x88, $3  }
0x1: {  	(tag) =	ssettag $0x0;
	lr =	simm.s32 $0x1  }
0x2: {  	[smem:$0x3F9B] =	sst lr;
	_ =	strace $0xD0000000  }
0x3: {  	_ = 	snop  }
0x4: {  	_ = 	snop  }
0x5: {  	_ = 	snop  }
0x6: {  	_ = 	snop  }
0x7: {  	_ = 	snop  }
__scs_overlays_trampoline_lowered:
0x8: {  	[smem:$0x3FAA] =	sst s0  }
0x9: {  	[smem:$0x3FAB] =	sst s1  }
0xa: {  	[smem:$0x3FAC] =	sst s2  }
0xb: {  	[smem:$0x3FAD] =	sst s3  }
0xc: {  	[smem:$0x3FAE] =	sst s4  }
0xd: {  	[smem:$0x3FAF] =	sst s5  }
0xe: {  	[smem:$0x3FB0] =	sst s6  }
0xf: {  	[smem:$0x3FB1] =	sst s7  }
0x10: {  	[smem:$0x3FB2] =	sst s8  }
0x11: {  	[smem:$0x3FB3] =	sst s9;
	s0 =	simm.s32 @!p0 $0x0  }
0x12: {  	s1 =	sld [smem:$0x3F99];
	s0 =	simm.s32 @p0 $0x1  }
0x13: {  	[smem:$0x3FB4] =	sst s0;
	s0 =	simm.s32 @!p1 $0x0  }
0x14: {  	s2 =	sld [smem:$0x3F98];
	s0 =	simm.s32 @p1 $0x1  }
0x15: {  	[smem:$0x3FB5] =	sst s0;
	s0 =	simm.s32 @!p2 $0x0  }
0x16: {  	s3 =	sld [smem:$0x3FDB];
	s0 =	simm.s32 @p2 $0x1  }
0x17: {  	s4 =	simm.s32 $0x1BF5;
	[smem:$0x3FB7] =	sst s0  }
0x18: {  	s0 =	sld [smem:$0x3F9A];
	_ =	swait.ge [sflag:s4], $0x0  }
0x19: {  	s7 =	sld [smem:$0x3F9B]  }
0x1a: {  	s8 =	sadd.s32 $0xFFFFE003, lr  }
0x1b: {  	s9 =	sadd.s32 $0xFFFFFEF7, lr;
	s5 =	simm.s32 $0xFFFFFFFF;
	p2 =	slt.u32 s8, $0xFFFFF086  }
0x1c: {  	p1 =	slt.u32 s9, $0xF7A;
	s5 =	simm.s32 @!p2 $0x0  }
0x1d: {  	s5 =	simm.s32 @p1 $0x1;
	p0 =	seq.s32 s7, s2  }
0x1e: {  	s7 =	smul.u32 @!p0 $0xF7A, s2;
	p2 =	seq.s32 @!p0 s5, $0x0  }
0x1f: {  	s9 =	smul.u32 $0xF7A, s1;
	s8 =	simm.s32 @!p0 $0x1BF5;
	p2 =	por !p2, p0  }
0x20: {  	[sflag:s8] =	ssyncset.s32 @!p0 $0xFFFFF086;
	s6 =	sadd.s32 @!p0 s3, s7;
	s7 =	simm.s32 @!p0 $0x108  }
0x21: {  	s3 =	sadd.s32 s3, s9;
	s6 =	sadd.s32 @!p0 $0x88, s6;
	s7 =	simm.s32 @p2 $0x1082  }
0x22: {  	[simem:s7], [sflag:s8] =	dma.local @!p0 [hbm:s6], $0xF7A  }
0x23: {  	s9 =	sor.u32 $0xD0000000, s2;
	s6 =	simm.s32 $0x108;
	_ =	swait.ge @!p0 [sflag:s8], $0x0  }
0x24: {  	s3 =	sadd.s32 $0x88, s3;
	s6 =	simm.s32 @!p1 $0x1082;
	[sflag:s4] =	ssyncset.s32 $0xFFFFF086  }
0x25: {  	[simem:s6], [sflag:s4] =	dma.local [hbm:s3], $0xF7A  }
0x26: {  	[smem:$0x3F9B] =	sst s1;
	(tag) =	ssettag s2;
	_ =	strace s9  }
0x27: {  	s1 =	sld [smem:$0x3FAB]  }
0x28: {  	s2 =	sld [smem:$0x3FAC]  }
0x29: {  	s4 =	sld [smem:$0x3FAE]  }
0x2a: {  	p0 =	seq.s32 s5, $0x0;
	s5 =	sld [smem:$0x3FAF]  }
0x2b: {  	s6 =	sld [smem:$0x3FB0]  }
0x2c: {  	s7 =	sld [smem:$0x3FB1]  }
0x2d: {  	s3 =	simm.s32 $0x108;
	s8 =	sld [smem:$0x3FB2]  }
0x2e: {  	s3 =	simm.s32 @!p0 $0x1082;
	s9 =	sld [smem:$0x3FB3]  }
0x2f: {  	lr =	sadd.s32 s0, s3;
	s0 =	sld [smem:$0x3FAA]  }
0x30: {  	s3 =	sld [smem:$0x3FAD]  }
0x31: {  	[smem:$0x3FB6] =	sst s10  }
0x32: {  	s10 =	sld [smem:$0x3FB4];
	_ =	sdelay $0x3  }
0x33: {  	p0 =	seq.s32 s10, $0x1;
	s10 =	sld [smem:$0x3FB6];
	_ =	sdelay $0x3  }
0x34: {  	[smem:$0x3FB6] =	sst s10  }
0x35: {  	s10 =	sld [smem:$0x3FB5];
	_ =	sdelay $0x3  }
0x36: {  	p1 =	seq.s32 s10, $0x1;
	s10 =	sld [smem:$0x3FB6];
	_ =	sdelay $0x3  }
0x37: {  	[smem:$0x3FB6] =	sst s10  }
0x38: {  	s10 =	sld [smem:$0x3FB7]  }
0x39: {  	_ = 	snop;
	(pc) =	sbr.ind lr, $3  }
0x3a: {  	_ = 	snop  }
0x3b: {  	_ = 	snop  }
0x3c: {  	p2 =	seq.s32 s10, $0x1;
	s10 =	sld [smem:$0x3FB6]  }
0x3d: {  	_ =	shalt  }
0x3e: {  	_ =	shalt  }
0x3f: {  	_ =	shalt  }
0x40: {  	_ =	shalt  }
0x41: {  	_ =	shalt  }
0x42: {  	_ =	shalt  }
0x43: {  	_ =	shalt  }
0x44: {  	_ =	shalt  }
0x45: {  	_ =	shalt  }
0x46: {  	_ =	shalt  }
0x47: {  	_ =	shalt  }
0x48: {  	_ =	shalt  }
0x49: {  	_ =	shalt  }
0x4a: {  	_ =	shalt  }
0x4b: {  	_ =	shalt  }
0x4c: {  	_ =	shalt  }
0x4d: {  	_ =	shalt  }
0x4e: {  	_ =	shalt  }
0x4f: {  	_ =	shalt  }
0x50: {  	_ =	shalt  }
0x51: {  	_ =	shalt  }
0x52: {  	_ =	shalt  }
0x53: {  	_ =	shalt  }
0x54: {  	_ =	shalt  }
0x55: {  	_ =	shalt  }
0x56: {  	_ =	shalt  }
0x57: {  	_ =	shalt  }
0x58: {  	_ =	shalt  }
0x59: {  	_ =	shalt  }
0x5a: {  	_ =	shalt  }
0x5b: {  	_ =	shalt  }
0x5c: {  	_ =	shalt  }
0x5d: {  	_ =	shalt  }
0x5e: {  	_ =	shalt  }
0x5f: {  	_ =	shalt  }
0x60: {  	_ =	shalt  }
0x61: {  	_ =	shalt  }
0x62: {  	_ =	shalt  }
0x63: {  	_ =	shalt  }
0x64: {  	_ =	shalt  }
0x65: {  	_ =	shalt  }
0x66: {  	_ =	shalt  }
0x67: {  	_ =	shalt  }
0x68: {  	_ =	shalt  }
0x69: {  	_ =	shalt  }
0x6a: {  	_ =	shalt  }
0x6b: {  	_ =	shalt  }
0x6c: {  	_ =	shalt  }
0x6d: {  	_ =	shalt  }
0x6e: {  	_ =	shalt  }
0x6f: {  	_ =	shalt  }
0x70: {  	_ =	shalt  }
0x71: {  	_ =	shalt  }
0x72: {  	_ =	shalt  }
0x73: {  	_ =	shalt  }
0x74: {  	_ =	shalt  }
0x75: {  	_ =	shalt  }
0x76: {  	_ =	shalt  }
0x77: {  	_ =	shalt  }
0x78: {  	_ =	shalt  }
0x79: {  	_ =	shalt  }
0x7a: {  	_ =	shalt  }
0x7b: {  	_ =	shalt  }
0x7c: {  	_ =	shalt  }
0x7d: {  	_ =	shalt  }
0x7e: {  	_ =	shalt  }
0x7f: {  	_ =	shalt  }
0x80: {  	_ =	shalt  }
0x81: {  	_ =	shalt  }
0x82: {  	_ =	shalt  }
0x83: {  	_ =	shalt  }
0x84: {  	_ =	shalt  }
0x85: {  	_ =	shalt  }
0x86: {  	_ =	shalt  }
0x87: {  	_ =	shalt  }
.Lfunc_end0:
.L_simem_size_0:
called_computation.2_lowered:
.L_overlay_start_0:
0x88: {  	s2 =	sld [smem:$0x3FD9]  }
0x89: {  	s3 =	sld [smem:$0x3FFE];
	_ =	sdelay $0x1  }
0x8a: {  	s1 =	srdreg.scid  }
0x8b: {  	s0 =	sand.u32 $0x1, s1  }
0x8c: {  	s16 =	sshll.u32 s0, $0xA;
	s2 =	sadd.s32 s3, s2  }
0x8d: {  	s2 =	sadd.s32 s2, s16  }
0x8e: {  	[smem:$0x3FC2] =	sst s2  }
0x8f: {  	_ = 	snop  }
0x90: {  	(tm) =	ssettm $0x1  }
0x91: {  	s17 =	sld [smem:$0x3FFB];
	_ =	sdelay $0x3  }
0x92: {  	_ =	strace s17  }
0x93: {  	s2 =	sld [smem:$0x3FFC];
	_ =	sdelay $0x3  }
0x94: {  	_ =	strace s2  }
0x95: {  	s2 =	sld [smem:$0x3FFD];
	_ =	sdelay $0x3  }
0x96: {  	_ =	strace s2  }
0x97: {  	_ =	strace $0x8FFFFFFF  }
0x98: {  	s18 =	sld [smem:$0x3FDB];
	_ =	sdelay $0x1  }
0x99: {  	s19 =	simm.s32 $_scs_section_size  }
0x9a: {  	s4 =	simm.s32 $_size__tile_overlayer_lowered;
	s5 =	simm.s32 $_tile_overlayer_lowered  }
0x9b: {  	s22 =	simm.s32 $0x1BFF;
	s21 =	sshll.u32 s5, $0x1;
	s2 =	sadd.s32 s19, s18  }
0x9c: {  	s6 =	simm.s32 $0x0;
	s20 =	sshll.u32 s4, $0x1;
	s4 =	sadd.s32 s21, s2  }
0x9d: {  	[timem:s6], [sflag:s22] =	dma.local [hbm:s4], s20  }
0x9e: {  	_ =	swait.ge [sflag:s22], s20  }
0x9f: {  	s3 =	ssub.s32 $0x0, s20;
	[sflag:s22] =	ssyncset.done $0x0  }
0xa0: {  	[sflag:s22] =	ssyncadd.s32 s3;
	_ =	sdelay $0x1  }
0xa1: {  	s23 =	simm.s32 $0x1B8B  }
0xa2: {  	_ =	swait.ge [sflag:s23], $0x1  }
0xa3: {  	[sflag:s23] =	ssyncset.done $0x0  }
0xa4: {  	s25 =	simm.s32 $0x1B8E;
	s24 =	sld [smem:$0x3FFE];
	[sflag:s23] =	ssyncadd.s32 $0xFFFFFFFF  }
0xa5: {  	s26 =	simm.s32 $execute0_lowered;
	[smem:$0x3FD2] =	sst s25  }
0xa6: {  	s4 =	sshll.u32 s26, $0x1;
	_ =	strace $0x8000004C;
	[dreg:$0x1] =	wrdreg $0xFFFFFFFF  }
0xa7: {  	s28 =	simm.s32 $_size_execute0_lowered;
	s2 =	sadd.s32 s2, s4;
	[dreg:$0x0] =	wrdreg $0x0  }
0xa8: {  	s4 =	sshll.u32 s28, $0x1;
	[dreg:$0x2] =	wrdreg s2  }
0xa9: {  	[dreg:$0x3] =	wrdreg s4  }
0xaa: {  	[dreg:$0x4] =	wrdreg $0xC0  }
0xab: {  	_ =	task [dreg:s6], $0x5FFFF  }
0xac: {  	[dreg:$0x1] =	wrdreg $0xFFFFFFFF  }
0xad: {  	[dreg:$0x0] =	wrdreg $0x60  }
0xae: {  	[dreg:$0x2] =	wrdreg s24  }
0xaf: {  	[dreg:$0x3] =	wrdreg $0x2C000  }
0xb0: {  	[dreg:$0x4] =	wrdreg $0x9  }
0xb1: {  	_ =	task.clear_ibuf [dreg:s6], $0x5FFFF;
	_ =	strace $0x9000004C  }
0xb2: {  	s29 =	simm.s32 $0x9;
	_ =	strace $0x8000004E  }
0xb3: {  	_ =	swait.ge [sflag:s29], $0x1  }
0xb4: {  	[sflag:s29] =	ssyncadd.s32 $0xFFFFFFFF  }
0xb5: {  	_ =	strace $0x9000004E  }
0xb6: {  	_ =	sfence  }
0xb7: {  	s30 =	sld [smem:$0x0];
	_ =	sdelay $0x2  }
0xb8: {  	s31 =	sshll.u32 s1, $0xD;
	s1 =	sshrl.u32 s1, $0x2  }
0xb9: {  	s3 =	sand.u32 $0x4000, s31;
	s1 =	sadd.s32 s1, s30  }
0xba: {  	s0 =	sor.u32 s3, s0;
	s1 =	sshll.u32 s1, $0x11  }
0xbb: {  	s0 =	sor.u32 s1, s0  }
0xbc: {  	s0 =	sadd.s32 $0x8F2B, s0  }
0xbd: {  	[sflag:s0] =	ssyncadd.remote.s32 $0x1  }
0xbe: {  	_ =	sfence.sel $0xFFFF  }
0xbf: {  	[dreg:$0x0] =	wrdreg $0xFFFFFFFF;
	(pc) =	sbr.abs _section_cstart, $3  }
0xc0: {  	[dreg:$0x1] =	wrdreg $0xFFFFFFFF  }
0xc1: {  	_ =	task.clear_ibuf [dreg:s6], $0x2FFFF;
	_ =	strace $0x9FFFFFFF  }
0xc2: {  	(tm) =	ssettm $0x7FFFFFFF  }
0xc3: {  	_ =	shalt  }
tec
execute0_lowered:
.L_overlay_start_1:
0x0: {  	(tag) =	ssettag $0x1  }
0x1: {  	s0 =	srdreg.scid;
	s1 =	rddreg [dreg:$0x0]  }
0x2: {  	s10 =	stileid.u32;
	s2 =	rddreg [dreg:$0x1]  }
0x3: {  	s12 =	simm.s32 $0x9;
	s14 =	simm.s32 $0x80;
	s15 =	simm.s32 $0x2800  }
0x4: {  	s18 =	simm.s32 $0x2900;
	s29 =	simm.s32 $0x2B80;
	s30 =	simm.s32 $0x1  }
0x5: {  	s31 =	simm.s32 $0x3;
	s13 =	simm.s32 $0x8;
	s6 =	smul.u32 $0x280, s10  }
0x6: {  	s19 =	simm.s32 $0x0;
	s0 =	sand.u32 $0x1, s0;
	s7 =	smul.u32 $0x500, s10  }
0x7: {  	s25 =	sshll.u32 s10, $0x6;
	s3 =	sshll.u32 s0, $0x4;
	s22 =	sshll.u32 s0, $0x7  }
0x8: {  	s0 =	ssub.s32 $0x2, s0;
	s4 =	sor.u32 s10, s3;
	s3 =	simm.s32 $0x0  }
0x9: {  	s9 =	sshrl.u32 s6, $0x3;
	s24 =	sshrl.u32 s0, $0x1;
	s11 =	sadd.s32 s6, s2  }
0xa: {  	s6 =	sor.u32 $0x1C09, s25;
	s5 =	smul.u32 $0x280, s4;
	[smem:$0x7FF] =	sst s3  }
0xb: {  	s4 =	sadd.s32 $0xB800, s1;
	s23 =	sadd.s32 s9, s1;
	s0 =	ssub.s32 s0, s24  }
0xc: {  	s11 =	sshrl.u32 s11, $0x3;
	_ =	strace $0x8000004D;
	s26 =	sadd.s32 $0xB200, s23  }
.Ltmp0:
0xd: {  	s10 =	smax.u32 s0, $0x1;
	s0 =	simm.s32 $0x7;
	(pc) =	sbr.rel .LBB2_1-.Ltmp0, $4  }
0xe: {  	s8 =	sadd.s32 s5, s1;
	s5 =	sor.u32 s22, s7;
	[dreg:$0x3] =	wrdreg s26  }
0xf: {  	s22 =	simm.s32 $0x2A00;
	s26 =	simm.s32 $0x2B00;
	s5 =	sshrl.u32 s5, $0x3  }
0x10: {  	s28 =	sadd.s32 $0x1200, s8;
	s8 =	sadd.s32 $0x6200, s8;
	s1 =	sadd.s32 s5, s1  }
0x11: {  	[dreg:$0x4] =	wrdreg s28;
	s9 =	sadd.s32 $0xBE00, s1;
	s1 =	simm.s32 $0x5  }
.LBB2_4:
0x12: {  	_ =	swait.ge [sflag:s13], $0x80  }
0x13: {  	[sflag:s13] =	ssyncset.done $0x0  }
0x14: {  	[sflag:s13] =	ssyncadd.s32 $0xFFFFFF80  }
0x15: {  	[spmem:s2] =	stream.indirect.scatter.add.f32 [tilespmem:s29], [sflag:$0x9], $0x1, s16, s14, $0xb8;
	[tilespmem:$0x2E80] =	vst v63  }
0x16: {  	_ =	swait.ge [sflag:s12], $0x80  }
0x17: {  	s19 =	sadd.s32 $0x1, s19;
	[sflag:s12] =	ssyncset.done $0x0  }
0x18: {  	s5 =	simm.s32 $0x20;
	p0 =	sne.s32 s19, s10;
	[sflag:s12] =	ssyncadd.s32 $0xFFFFFF80  }
.Ltmp1:
0x19: {  	s7 =	simm.s32 $0x10;
	[bflag:$0x0] =	sbarrier.arrive $0xFFFF;
	(pc) =	sbr.rel @!p0 .LBB2_5-.Ltmp1, $4  }
0x1a: {  	[hbm:s9@s5], [sflag:s6] =	dma.strided [spmem:s11@s7], $0x50, s30, $0x10   }
0x1b: {  	_ =	swait.ge [sflag:s12], $0x50  }
0x1c: {  	[sflag:s12] =	ssyncset.done $0x0  }
0x1d: {  	[sflag:s12] =	ssyncadd.s32 $0xFFFFFFB0  }
.LBB2_1:
0x1e: {  	s5 =	rddreg [dreg:$0x3]  }
0x1f: {  	[spmem:s11], [sflag:s6] =	dma.local [hbm:s5], $0x50  }
0x20: {  	_ =	swait.ge [sflag:s12], $0x50  }
0x21: {  	[sflag:s12] =	ssyncset.done $0x0  }
0x22: {  	s28 =	rddreg [dreg:$0x4];
	[sflag:s12] =	ssyncadd.s32 $0xFFFFFFB0  }
0x23: {  	[tilespmem:s3], [sflag:$0x9] =	stream.linear.gather [hbm4b:s28+s3], $0x1400, $0x38;
	[tilespmem:$0x2E80] =	vst v63  }
0x24: {  	_ =	swait.ge [sflag:s12], $0x1400  }
0x25: {  	[sflag:s12] =	ssyncset.done $0x0  }
0x26: {  	s7 =	simm.s32 $0x1400;
	[sflag:s12] =	ssyncadd.s32 $0xFFFFEC00  }
0x27: {  	[tilespmem:s7], [sflag:$0x9] =	stream.linear.gather [hbm4b:s8+s3], $0x1400, $0x38;
	[tilespmem:$0x2E80] =	vst v63  }
0x28: {  	_ =	swait.ge [sflag:s12], $0x1400  }
0x29: {  	[sflag:s12] =	ssyncset.done $0x0  }
0x2a: {  	[sflag:s12] =	ssyncadd.s32 $0xFFFFEC00  }
0x2b: {  	[bflag:$0x0] =	sbarrier.arrive $0xFFFF  }
0x2c: {  	[tilespmem:s15], [sflag:$0x1] =	stream.indirect.gather [hbm4b:s4+s14], $0x1, s3, s14, $0xb8;
	[tilespmem:$0x2E80] =	vst v63  }
0x2d: {  	s16 =	simm.s32 $0x2880  }
0x2e: {  	[tilespmem:s16], [sflag:$0x2] =	stream.indirect.gather [hbm4b:s4+s14], $0x1, s14, s14, $0xb8;
	[tilespmem:$0x2E80] =	vst v63  }
0x2f: {  	s17 =	simm.s32 $0x100  }
0x30: {  	[tilespmem:s18], [sflag:$0x3] =	stream.indirect.gather [hbm4b:s4+s14], $0x1, s17, s14, $0xb8;
	[tilespmem:$0x2E80] =	vst v63  }
0x31: {  	s20 =	simm.s32 $0x180;
	s7 =	simm.s32 $0x2980  }
0x32: {  	[tilespmem:s7], [sflag:$0x4] =	stream.indirect.gather [hbm4b:s4+s14], $0x1, s20, s14, $0xb8;
	[tilespmem:$0x2E80] =	vst v63  }
0x33: {  	s21 =	simm.s32 $0x200  }
0x34: {  	[tilespmem:s22], [sflag:$0x5] =	stream.indirect.gather [hbm4b:s4+s14], $0x1, s21, s14, $0xb8;
	[tilespmem:$0x2E80] =	vst v63  }
0x35: {  	s23 =	simm.s32 $0x280;
	s24 =	simm.s32 $0x2A80  }
0x36: {  	[tilespmem:s24], [sflag:$0x6] =	stream.indirect.gather [hbm4b:s4+s14], $0x1, s23, s14, $0xb8;
	[tilespmem:$0x2E80] =	vst v63  }
0x37: {  	s25 =	simm.s32 $0x300  }
0x38: {  	[tilespmem:s26], [sflag:$0x7] =	stream.indirect.gather [hbm4b:s4+s14], $0x1, s25, s14, $0xb8;
	[tilespmem:$0x2E80] =	vst v63  }
0x39: {  	s28 =	simm.s32 $0x380;
	s20 =	simm.s32 $0x0  }
0x3a: {  	[tilespmem:s29], [sflag:$0x8] =	stream.indirect.gather [hbm4b:s4+s14], $0x1, s28, s14, $0xb8;
	[tilespmem:$0x2E80] =	vst v63  }
.LBB2_2:
0x3b: {  	_ =	swait.ge [sflag:s30], $0x80  }
0x3c: {  	s21 =	sshra.s32 s20, $0x2;
	[sflag:s30] =	ssyncset.done $0x0  }
0x3d: {  	s16 =	sadd.s32 $0x1400, s21;
	[sflag:s30] =	ssyncadd.s32 $0xFFFFFF80  }
0x3e: {  	[spmem:s2] =	stream.indirect.scatter.add.f32 [tilespmem:s15], [sflag:$0x9], $0x1, s16, s14, $0xb8;
	[tilespmem:$0x2E80] =	vst v63  }
0x3f: {  	_ =	swait.ge [sflag:s12], $0x80  }
0x40: {  	p0 =	seq.s32 s20, $0x4000;
	[sflag:s12] =	ssyncset.done $0x0  }
0x41: {  	s16 =	simm.s32 @p0 $0x2;
	[sflag:s12] =	ssyncadd.s32 $0xFFFFFF80  }
0x42: {  	_ =	swait.ge @p0 [sflag:s16], $0x80  }
0x43: {  	s25 =	sshra.s32 @p0 s20, $0x2;
	s28 =	simm.s32 @p0 $0x80;
	[sflag:s16] =	ssyncset.done @p0 $0x0  }
0x44: {  	s17 =	simm.s32 @p0 $0x2880;
	[sflag:s16] =	ssyncadd.s32 @p0 $0xFFFFFF80;
	s16 =	sadd.s32 @p0 $0x1480, s25  }
0x45: {  	[spmem:s2] =	stream.indirect.scatter.add.f32 @p0 [tilespmem:s17], [sflag:$0x9], $0x1, s16, s28, $0xb8;
	[tilespmem:$0x2E80] =	vst v63  }
0x46: {  	s16 =	simm.s32 @p0 $0x9  }
0x47: {  	_ =	swait.ge @p0 [sflag:s16], $0x80  }
0x48: {  	s23 =	sshra.s32 @!p0 s20, $0x2;
	s24 =	simm.s32 @!p0 $0x80;
	[sflag:s16] =	ssyncset.done @p0 $0x0  }
0x49: {  	s5 =	simm.s32 @!p0 $0x2800;
	s17 =	sadd.s32 @!p0 $0x400, s23;
	[sflag:s16] =	ssyncadd.s32 @p0 $0xFFFFFF80  }
0x4a: {  	[tilespmem:s5], [sflag:$0x1] =	stream.indirect.gather @!p0 [hbm4b:s4+s24], $0x1, s17, s24, $0xb8;
	[tilespmem:$0x2E80] =	vst v63  }
0x4b: {  	s5 =	simm.s32 @!p0 $0x2  }
0x4c: {  	_ =	swait.ge @!p0 [sflag:s5], $0x80  }
0x4d: {  	s7 =	simm.s32 @!p0 $0x2880;
	[sflag:s5] =	ssyncset.done @!p0 $0x0  }
0x4e: {  	s17 =	simm.s32 @!p0 $0x9;
	[sflag:s5] =	ssyncadd.s32 @!p0 $0xFFFFFF80;
	s5 =	sadd.s32 @!p0 $0x1480, s23  }
0x4f: {  	[spmem:s2] =	stream.indirect.scatter.add.f32 @!p0 [tilespmem:s7], [sflag:$0x9], $0x1, s5, s24, $0xb8;
	[tilespmem:$0x2E80] =	vst v63  }
0x50: {  	_ =	swait.ge @!p0 [sflag:s17], $0x80  }
0x51: {  	[sflag:s17] =	ssyncset.done @!p0 $0x0  }
0x52: {  	s5 =	sadd.s32 @!p0 $0x480, s23;
	[sflag:s17] =	ssyncadd.s32 @!p0 $0xFFFFFF80  }
0x53: {  	[tilespmem:s7], [sflag:$0x2] =	stream.indirect.gather @!p0 [hbm4b:s4+s24], $0x1, s5, s24, $0xb8;
	[tilespmem:$0x2E80] =	vst v63  }
0x54: {  	_ =	swait.ge [sflag:s31], $0x80  }
0x55: {  	[sflag:s31] =	ssyncset.done $0x0  }
0x56: {  	s7 =	sadd.s32 $0x1500, s21;
	[sflag:s31] =	ssyncadd.s32 $0xFFFFFF80  }
0x57: {  	[spmem:s2] =	stream.indirect.scatter.add.f32 [tilespmem:s18], [sflag:$0x9], $0x1, s7, s14, $0xb8;
	[tilespmem:$0x2E80] =	vst v63  }
0x58: {  	_ =	swait.ge [sflag:s12], $0x80  }
0x59: {  	[sflag:s12] =	ssyncset.done $0x0  }
0x5a: {  	s5 =	simm.s32 @p0 $0x4;
	[sflag:s12] =	ssyncadd.s32 $0xFFFFFF80  }
0x5b: {  	_ =	swait.ge @p0 [sflag:s5], $0x80  }
0x5c: {  	[sflag:s5] =	ssyncset.done @p0 $0x0  }
0x5d: {  	s7 =	simm.s32 @p0 $0x2980;
	[sflag:s5] =	ssyncadd.s32 @p0 $0xFFFFFF80;
	s5 =	sadd.s32 @p0 $0x1580, s25  }
0x5e: {  	[spmem:s2] =	stream.indirect.scatter.add.f32 @p0 [tilespmem:s7], [sflag:$0x9], $0x1, s5, s28, $0xb8;
	[tilespmem:$0x2E80] =	vst v63  }
0x5f: {  	_ =	swait.ge @p0 [sflag:s16], $0x80  }
0x60: {  	[sflag:s16] =	ssyncset.done @p0 $0x0  }
0x61: {  	s5 =	sadd.s32 @!p0 $0x500, s23;
	s7 =	simm.s32 @!p0 $0x2900;
	[sflag:s16] =	ssyncadd.s32 @p0 $0xFFFFFF80  }
0x62: {  	[tilespmem:s7], [sflag:$0x3] =	stream.indirect.gather @!p0 [hbm4b:s4+s24], $0x1, s5, s24, $0xb8;
	[tilespmem:$0x2E80] =	vst v63  }
0x63: {  	s5 =	simm.s32 @!p0 $0x4  }
0x64: {  	_ =	swait.ge @!p0 [sflag:s5], $0x80  }
0x65: {  	[sflag:s5] =	ssyncset.done @!p0 $0x0  }
0x66: {  	s7 =	simm.s32 @!p0 $0x2980;
	[sflag:s5] =	ssyncadd.s32 @!p0 $0xFFFFFF80;
	s5 =	sadd.s32 @!p0 $0x1580, s23  }
0x67: {  	[spmem:s2] =	stream.indirect.scatter.add.f32 @!p0 [tilespmem:s7], [sflag:$0x9], $0x1, s5, s24, $0xb8;
	[tilespmem:$0x2E80] =	vst v63  }
0x68: {  	_ =	swait.ge @!p0 [sflag:s17], $0x80  }
0x69: {  	[sflag:s17] =	ssyncset.done @!p0 $0x0  }
0x6a: {  	s5 =	sadd.s32 @!p0 $0x580, s23;
	[sflag:s17] =	ssyncadd.s32 @!p0 $0xFFFFFF80  }
0x6b: {  	[tilespmem:s7], [sflag:$0x4] =	stream.indirect.gather @!p0 [hbm4b:s4+s24], $0x1, s5, s24, $0xb8;
	[tilespmem:$0x2E80] =	vst v63  }
0x6c: {  	_ =	swait.ge [sflag:s1], $0x80  }
0x6d: {  	[sflag:s1] =	ssyncset.done $0x0  }
0x6e: {  	s7 =	sadd.s32 $0x1600, s21;
	[sflag:s1] =	ssyncadd.s32 $0xFFFFFF80  }
0x6f: {  	[spmem:s2] =	stream.indirect.scatter.add.f32 [tilespmem:s22], [sflag:$0x9], $0x1, s7, s14, $0xb8;
	[tilespmem:$0x2E80] =	vst v63  }
0x70: {  	_ =	swait.ge [sflag:s12], $0x80  }
0x71: {  	[sflag:s12] =	ssyncset.done $0x0  }
0x72: {  	s5 =	simm.s32 @p0 $0x6;
	[sflag:s12] =	ssyncadd.s32 $0xFFFFFF80  }
0x73: {  	_ =	swait.ge @p0 [sflag:s5], $0x80  }
0x74: {  	[sflag:s5] =	ssyncset.done @p0 $0x0  }
0x75: {  	s7 =	simm.s32 @p0 $0x2A80;
	[sflag:s5] =	ssyncadd.s32 @p0 $0xFFFFFF80;
	s5 =	sadd.s32 @p0 $0x1680, s25  }
0x76: {  	[spmem:s2] =	stream.indirect.scatter.add.f32 @p0 [tilespmem:s7], [sflag:$0x9], $0x1, s5, s28, $0xb8;
	[tilespmem:$0x2E80] =	vst v63  }
0x77: {  	_ =	swait.ge @p0 [sflag:s16], $0x80  }
0x78: {  	[sflag:s16] =	ssyncset.done @p0 $0x0  }
0x79: {  	s5 =	sadd.s32 @!p0 $0x600, s23;
	s7 =	simm.s32 @!p0 $0x2A00;
	[sflag:s16] =	ssyncadd.s32 @p0 $0xFFFFFF80  }
0x7a: {  	[tilespmem:s7], [sflag:$0x5] =	stream.indirect.gather @!p0 [hbm4b:s4+s24], $0x1, s5, s24, $0xb8;
	[tilespmem:$0x2E80] =	vst v63  }
0x7b: {  	s5 =	simm.s32 @!p0 $0x6  }
0x7c: {  	_ =	swait.ge @!p0 [sflag:s5], $0x80  }
0x7d: {  	[sflag:s5] =	ssyncset.done @!p0 $0x0  }
0x7e: {  	s7 =	simm.s32 @!p0 $0x2A80;
	[sflag:s5] =	ssyncadd.s32 @!p0 $0xFFFFFF80;
	s5 =	sadd.s32 @!p0 $0x1680, s23  }
0x7f: {  	[spmem:s2] =	stream.indirect.scatter.add.f32 @!p0 [tilespmem:s7], [sflag:$0x9], $0x1, s5, s24, $0xb8;
	[tilespmem:$0x2E80] =	vst v63  }
0x80: {  	_ =	swait.ge @!p0 [sflag:s17], $0x80  }
0x81: {  	[sflag:s17] =	ssyncset.done @!p0 $0x0  }
0x82: {  	s5 =	sadd.s32 @!p0 $0x680, s23;
	[sflag:s17] =	ssyncadd.s32 @!p0 $0xFFFFFF80  }
0x83: {  	[tilespmem:s7], [sflag:$0x6] =	stream.indirect.gather @!p0 [hbm4b:s4+s24], $0x1, s5, s24, $0xb8;
	[tilespmem:$0x2E80] =	vst v63  }
0x84: {  	_ =	swait.ge [sflag:s0], $0x80  }
0x85: {  	[sflag:s0] =	ssyncset.done $0x0  }
.Ltmp2:
0x86: {  	s28 =	sadd.s32 $0x1700, s21;
	[sflag:s0] =	ssyncadd.s32 $0xFFFFFF80;
	(pc) =	sbr.rel @p0 .LBB2_4-.Ltmp2, $4  }
0x87: {  	[spmem:s2] =	stream.indirect.scatter.add.f32 [tilespmem:s26], [sflag:$0x9], $0x1, s28, s14, $0xb8;
	[tilespmem:$0x2E80] =	vst v63  }
0x88: {  	_ =	swait.ge [sflag:s12], $0x80  }
0x89: {  	[sflag:s12] =	ssyncset.done $0x0  }
0x8a: {  	s16 =	sadd.s32 $0x1780, s21;
	[sflag:s12] =	ssyncadd.s32 $0xFFFFFF80  }
0x8b: {  	s5 =	sadd.s32 $0x700, s21  }
0x8c: {  	[tilespmem:s26], [sflag:$0x7] =	stream.indirect.gather [hbm4b:s4+s14], $0x1, s5, s14, $0xb8;
	[tilespmem:$0x2E80] =	vst v63  }
0x8d: {  	_ =	swait.ge [sflag:s13], $0x80  }
0x8e: {  	[sflag:s13] =	ssyncset.done $0x0  }
0x8f: {  	[sflag:s13] =	ssyncadd.s32 $0xFFFFFF80  }
0x90: {  	[spmem:s2] =	stream.indirect.scatter.add.f32 [tilespmem:s29], [sflag:$0x9], $0x1, s16, s14, $0xb8;
	[tilespmem:$0x2E80] =	vst v63  }
.Ltmp3:
0x91: {  	_ = 	snop;
	(pc) =	sbr.rel .LBB2_2-.Ltmp3, $4  }
0x92: {  	_ =	swait.ge [sflag:s12], $0x80  }
0x93: {  	[sflag:s12] =	ssyncset.done $0x0  }
0x94: {  	s28 =	sadd.s32 $0x780, s21;
	s20 =	sadd.s32 $0x1000, s20;
	[sflag:s12] =	ssyncadd.s32 $0xFFFFFF80  }
0x95: {  	[tilespmem:s29], [sflag:$0x8] =	stream.indirect.gather [hbm4b:s4+s14], $0x1, s28, s14, $0xb8;
	[tilespmem:$0x2E80] =	vst v63  }
.LBB2_5:
0x96: {  	_ =	sfence.sel $0x180000  }
0x97: {  	[bflag:$0x0] =	sbarrier.arrive $0xFFFF  }
0x98: {  	_ =	strace $0x9000004D  }
0x99: {  	s0 =	stileid.u32;
	[bflag:$0x2] =	sbarrier.arrive $0xFFFF  }
0x9a: {  	p0 =	sne.s32 s0, $0x0;
	s0 =	rddreg [dreg:$0x2]  }
0x9b: {  	s0 =	sadd.s32 @!p0 $0x100000, s0  }
0x9c: {  	[sflag:s0] =	ssyncadd.tile.s32 @!p0 $0x1;
	_ =	shalt  }
.Lfunc_end2:
_tile_overlayer_lowered:
.L_overlay_start_2:
0x9d: {  	(tag) =	ssettag $0x2  }
0x9e: {  	s0 =	rddreg [dreg:$0x0];
	s2 =	stileid.u32  }
0x9f: {  	s1 =	rddreg [dreg:$0x1];
	p0 =	sne.s32 s2, $0x0  }
0xa0: {  	s3 =	rddreg [dreg:$0x2];
	[bflag:$0x3] =	sbarrier.arrive $0xFFFF;
	s2 =	simm.s32 @!p0 $0x1C09  }
0xa1: {  	[timem:s3], [sflag:s2] =	dma.local @!p0 [hbm:s0], s1  }
0xa2: {  	s0 =	simm.s32 @!p0 $0x9  }
0xa3: {  	_ =	swait.ge @!p0 [sflag:s0], s1  }
0xa4: {  	s1 =	ssub.s32 @!p0 $0x0, s1;
	[sflag:s0] =	ssyncset.done @!p0 $0x0  }
0xa5: {  	[sflag:s0] =	ssyncadd.s32 @!p0 s1  }
0xa6: {  	[bflag:$0x3] =	sbarrier.arrive $0xFFFF  }
0xa7: {  	_ =	shalt  }

// kernel: kernel.9.cloned.1.call-start
scs
__scs_entry_jumppad:
0x0: {  	(pc) =	sbr.rel $0x88, $3  }
0x1: {  	(tag) =	ssettag $0x0;
	lr =	simm.s32 $0x1  }
0x2: {  	[smem:$0x3F9B] =	sst lr;
	_ =	strace $0xD0000000  }
0x3: {  	_ = 	snop  }
0x4: {  	_ = 	snop  }
0x5: {  	_ = 	snop  }
0x6: {  	_ = 	snop  }
0x7: {  	_ = 	snop  }
__scs_overlays_trampoline_lowered:
0x8: {  	[smem:$0x3FAA] =	sst s0  }
0x9: {  	[smem:$0x3FAB] =	sst s1  }
0xa: {  	[smem:$0x3FAC] =	sst s2  }
0xb: {  	[smem:$0x3FAD] =	sst s3  }
0xc: {  	[smem:$0x3FAE] =	sst s4  }
0xd: {  	[smem:$0x3FAF] =	sst s5  }
0xe: {  	[smem:$0x3FB0] =	sst s6  }
0xf: {  	[smem:$0x3FB1] =	sst s7  }
0x10: {  	[smem:$0x3FB2] =	sst s8  }
0x11: {  	[smem:$0x3FB3] =	sst s9;
	s0 =	simm.s32 @!p0 $0x0  }
0x12: {  	s1 =	sld [smem:$0x3F99];
	s0 =	simm.s32 @p0 $0x1  }
0x13: {  	[smem:$0x3FB4] =	sst s0;
	s0 =	simm.s32 @!p1 $0x0  }
0x14: {  	s2 =	sld [smem:$0x3F98];
	s0 =	simm.s32 @p1 $0x1  }
0x15: {  	[smem:$0x3FB5] =	sst s0;
	s0 =	simm.s32 @!p2 $0x0  }
0x16: {  	s3 =	sld [smem:$0x3FDB];
	s0 =	simm.s32 @p2 $0x1  }
0x17: {  	s4 =	simm.s32 $0x1BF5;
	[smem:$0x3FB7] =	sst s0  }
0x18: {  	s0 =	sld [smem:$0x3F9A];
	_ =	swait.ge [sflag:s4], $0x0  }
0x19: {  	s7 =	sld [smem:$0x3F9B]  }
0x1a: {  	s8 =	sadd.s32 $0xFFFFE003, lr  }
0x1b: {  	s9 =	sadd.s32 $0xFFFFFEF7, lr;
	s5 =	simm.s32 $0xFFFFFFFF;
	p2 =	slt.u32 s8, $0xFFFFF086  }
0x1c: {  	p1 =	slt.u32 s9, $0xF7A;
	s5 =	simm.s32 @!p2 $0x0  }
0x1d: {  	s5 =	simm.s32 @p1 $0x1;
	p0 =	seq.s32 s7, s2  }
0x1e: {  	s7 =	smul.u32 @!p0 $0xF7A, s2;
	p2 =	seq.s32 @!p0 s5, $0x0  }
0x1f: {  	s9 =	smul.u32 $0xF7A, s1;
	s8 =	simm.s32 @!p0 $0x1BF5;
	p2 =	por !p2, p0  }
0x20: {  	[sflag:s8] =	ssyncset.s32 @!p0 $0xFFFFF086;
	s6 =	sadd.s32 @!p0 s3, s7;
	s7 =	simm.s32 @!p0 $0x108  }
0x21: {  	s3 =	sadd.s32 s3, s9;
	s6 =	sadd.s32 @!p0 $0x88, s6;
	s7 =	simm.s32 @p2 $0x1082  }
0x22: {  	[simem:s7], [sflag:s8] =	dma.local @!p0 [hbm:s6], $0xF7A  }
0x23: {  	s9 =	sor.u32 $0xD0000000, s2;
	s6 =	simm.s32 $0x108;
	_ =	swait.ge @!p0 [sflag:s8], $0x0  }
0x24: {  	s3 =	sadd.s32 $0x88, s3;
	s6 =	simm.s32 @!p1 $0x1082;
	[sflag:s4] =	ssyncset.s32 $0xFFFFF086  }
0x25: {  	[simem:s6], [sflag:s4] =	dma.local [hbm:s3], $0xF7A  }
0x26: {  	[smem:$0x3F9B] =	sst s1;
	(tag) =	ssettag s2;
	_ =	strace s9  }
0x27: {  	s1 =	sld [smem:$0x3FAB]  }
0x28: {  	s2 =	sld [smem:$0x3FAC]  }
0x29: {  	s4 =	sld [smem:$0x3FAE]  }
0x2a: {  	p0 =	seq.s32 s5, $0x0;
	s5 =	sld [smem:$0x3FAF]  }
0x2b: {  	s6 =	sld [smem:$0x3FB0]  }
0x2c: {  	s7 =	sld [smem:$0x3FB1]  }
0x2d: {  	s3 =	simm.s32 $0x108;
	s8 =	sld [smem:$0x3FB2]  }
0x2e: {  	s3 =	simm.s32 @!p0 $0x1082;
	s9 =	sld [smem:$0x3FB3]  }
0x2f: {  	lr =	sadd.s32 s0, s3;
	s0 =	sld [smem:$0x3FAA]  }
0x30: {  	s3 =	sld [smem:$0x3FAD]  }
0x31: {  	[smem:$0x3FB6] =	sst s10  }
0x32: {  	s10 =	sld [smem:$0x3FB4];
	_ =	sdelay $0x3  }
0x33: {  	p0 =	seq.s32 s10, $0x1;
	s10 =	sld [smem:$0x3FB6];
	_ =	sdelay $0x3  }
0x34: {  	[smem:$0x3FB6] =	sst s10  }
0x35: {  	s10 =	sld [smem:$0x3FB5];
	_ =	sdelay $0x3  }
0x36: {  	p1 =	seq.s32 s10, $0x1;
	s10 =	sld [smem:$0x3FB6];
	_ =	sdelay $0x3  }
0x37: {  	[smem:$0x3FB6] =	sst s10  }
0x38: {  	s10 =	sld [smem:$0x3FB7]  }
0x39: {  	_ = 	snop;
	(pc) =	sbr.ind lr, $3  }
0x3a: {  	_ = 	snop  }
0x3b: {  	_ = 	snop  }
0x3c: {  	p2 =	seq.s32 s10, $0x1;
	s10 =	sld [smem:$0x3FB6]  }
0x3d: {  	_ =	shalt  }
0x3e: {  	_ =	shalt  }
0x3f: {  	_ =	shalt  }
0x40: {  	_ =	shalt  }
0x41: {  	_ =	shalt  }
0x42: {  	_ =	shalt  }
0x43: {  	_ =	shalt  }
0x44: {  	_ =	shalt  }
0x45: {  	_ =	shalt  }
0x46: {  	_ =	shalt  }
0x47: {  	_ =	shalt  }
0x48: {  	_ =	shalt  }
0x49: {  	_ =	shalt  }
0x4a: {  	_ =	shalt  }
0x4b: {  	_ =	shalt  }
0x4c: {  	_ =	shalt  }
0x4d: {  	_ =	shalt  }
0x4e: {  	_ =	shalt  }
0x4f: {  	_ =	shalt  }
0x50: {  	_ =	shalt  }
0x51: {  	_ =	shalt  }
0x52: {  	_ =	shalt  }
0x53: {  	_ =	shalt  }
0x54: {  	_ =	shalt  }
0x55: {  	_ =	shalt  }
0x56: {  	_ =	shalt  }
0x57: {  	_ =	shalt  }
0x58: {  	_ =	shalt  }
0x59: {  	_ =	shalt  }
0x5a: {  	_ =	shalt  }
0x5b: {  	_ =	shalt  }
0x5c: {  	_ =	shalt  }
0x5d: {  	_ =	shalt  }
0x5e: {  	_ =	shalt  }
0x5f: {  	_ =	shalt  }
0x60: {  	_ =	shalt  }
0x61: {  	_ =	shalt  }
0x62: {  	_ =	shalt  }
0x63: {  	_ =	shalt  }
0x64: {  	_ =	shalt  }
0x65: {  	_ =	shalt  }
0x66: {  	_ =	shalt  }
0x67: {  	_ =	shalt  }
0x68: {  	_ =	shalt  }
0x69: {  	_ =	shalt  }
0x6a: {  	_ =	shalt  }
0x6b: {  	_ =	shalt  }
0x6c: {  	_ =	shalt  }
0x6d: {  	_ =	shalt  }
0x6e: {  	_ =	shalt  }
0x6f: {  	_ =	shalt  }
0x70: {  	_ =	shalt  }
0x71: {  	_ =	shalt  }
0x72: {  	_ =	shalt  }
0x73: {  	_ =	shalt  }
0x74: {  	_ =	shalt  }
0x75: {  	_ =	shalt  }
0x76: {  	_ =	shalt  }
0x77: {  	_ =	shalt  }
0x78: {  	_ =	shalt  }
0x79: {  	_ =	shalt  }
0x7a: {  	_ =	shalt  }
0x7b: {  	_ =	shalt  }
0x7c: {  	_ =	shalt  }
0x7d: {  	_ =	shalt  }
0x7e: {  	_ =	shalt  }
0x7f: {  	_ =	shalt  }
0x80: {  	_ =	shalt  }
0x81: {  	_ =	shalt  }
0x82: {  	_ =	shalt  }
0x83: {  	_ =	shalt  }
0x84: {  	_ =	shalt  }
0x85: {  	_ =	shalt  }
0x86: {  	_ =	shalt  }
0x87: {  	_ =	shalt  }
.Lfunc_end0:
.L_simem_size_0:
called_computation_lowered:
.L_overlay_start_0:
0x88: {  	s2 =	sld [smem:$0x3FD9]  }
0x89: {  	s3 =	sld [smem:$0x3FFE];
	_ =	sdelay $0x1  }
0x8a: {  	s1 =	srdreg.scid  }
0x8b: {  	s0 =	sand.u32 $0x1, s1  }
0x8c: {  	s17 =	sshll.u32 s0, $0xA;
	s2 =	sadd.s32 s3, s2  }
0x8d: {  	s2 =	sadd.s32 s2, s17  }
0x8e: {  	[smem:$0x3FC2] =	sst s2  }
0x8f: {  	_ = 	snop  }
0x90: {  	s2 =	sld [smem:$0x3FD0];
	(tm) =	ssettm $0x1  }
0x91: {  	s18 =	sld [smem:$0x3FFB];
	_ =	sdelay $0x3  }
0x92: {  	_ =	strace s18  }
0x93: {  	s3 =	sld [smem:$0x3FFC];
	_ =	sdelay $0x3  }
0x94: {  	_ =	strace s3  }
0x95: {  	s3 =	sld [smem:$0x3FFD];
	_ =	sdelay $0x3  }
0x96: {  	_ =	strace s3  }
0x97: {  	_ =	strace $0x8FFFFFFF  }
0x98: {  	s19 =	sld [smem:$0x3FDB];
	_ =	sdelay $0x1  }
0x99: {  	s4 =	simm.s32 $_scs_section_size  }
0x9a: {  	s5 =	simm.s32 $_size__tile_overlayer_lowered;
	s6 =	simm.s32 $_tile_overlayer_lowered  }
0x9b: {  	s22 =	simm.s32 $0x1BFF;
	s21 =	sshll.u32 s6, $0x1;
	s3 =	sadd.s32 s4, s19  }
0x9c: {  	s7 =	simm.s32 $0x0;
	s20 =	sshll.u32 s5, $0x1;
	s5 =	sadd.s32 s21, s3  }
0x9d: {  	[timem:s7], [sflag:s22] =	dma.local [hbm:s5], s20  }
0x9e: {  	_ =	swait.ge [sflag:s22], s20  }
0x9f: {  	s4 =	ssub.s32 $0x0, s20;
	[sflag:s22] =	ssyncset.done $0x0  }
0xa0: {  	[sflag:s22] =	ssyncadd.s32 s4;
	_ =	sdelay $0x1  }
0xa1: {  	s23 =	simm.s32 $0x1B8B  }
0xa2: {  	_ =	swait.ge [sflag:s23], $0x1  }
0xa3: {  	[sflag:s23] =	ssyncset.done $0x0  }
0xa4: {  	s25 =	simm.s32 $0x1B8E;
	s24 =	sld [smem:$0x3FFE];
	[sflag:s23] =	ssyncadd.s32 $0xFFFFFFFF  }
0xa5: {  	s26 =	simm.s32 $execute0_lowered;
	[smem:$0x3FD2] =	sst s25  }
0xa6: {  	s5 =	sshll.u32 s26, $0x1;
	_ =	strace $0x80000046;
	[dreg:$0x1] =	wrdreg $0xFFFFFFFF  }
0xa7: {  	s28 =	simm.s32 $_size_execute0_lowered;
	s3 =	sadd.s32 s3, s5;
	[dreg:$0x0] =	wrdreg $0x0  }
0xa8: {  	s5 =	sshll.u32 s28, $0x1;
	[dreg:$0x2] =	wrdreg s3  }
0xa9: {  	[dreg:$0x3] =	wrdreg s5  }
0xaa: {  	[dreg:$0x4] =	wrdreg $0xC0  }
0xab: {  	_ =	task [dreg:s7], $0x5FFFF  }
0xac: {  	[dreg:$0x1] =	wrdreg $0xFFFFFFFF  }
0xad: {  	[dreg:$0x0] =	wrdreg $0x60  }
0xae: {  	[dreg:$0x2] =	wrdreg s24  }
0xaf: {  	[dreg:$0x3] =	wrdreg s2  }
0xb0: {  	[dreg:$0x4] =	wrdreg $0x14800  }
0xb1: {  	[dreg:$0x5] =	wrdreg $0x9  }
0xb2: {  	_ =	task.clear_ibuf [dreg:s7], $0x6FFFF;
	_ =	strace $0x90000046  }
0xb3: {  	s29 =	simm.s32 $0x9;
	_ =	strace $0x80000048  }
0xb4: {  	_ =	swait.ge [sflag:s29], $0x1  }
0xb5: {  	[sflag:s29] =	ssyncadd.s32 $0xFFFFFFFF  }
0xb6: {  	_ =	strace $0x90000048  }
0xb7: {  	_ =	sfence  }
0xb8: {  	s30 =	sld [smem:$0x0];
	_ =	sdelay $0x2  }
0xb9: {  	s31 =	sshll.u32 s1, $0xD;
	s1 =	sshrl.u32 s1, $0x2  }
0xba: {  	s3 =	sand.u32 $0x4000, s31;
	s1 =	sadd.s32 s1, s30  }
0xbb: {  	s0 =	sor.u32 s3, s0;
	s1 =	sshll.u32 s1, $0x11  }
0xbc: {  	s0 =	sor.u32 s1, s0  }
0xbd: {  	s0 =	sadd.s32 $0x8F2B, s0  }
0xbe: {  	[sflag:s0] =	ssyncadd.remote.s32 $0x1  }
0xbf: {  	_ =	sfence.sel $0xFFFF  }
0xc0: {  	[dreg:$0x0] =	wrdreg $0xFFFFFFFF;
	(pc) =	sbr.abs _section_cstart, $3  }
0xc1: {  	[dreg:$0x1] =	wrdreg $0xFFFFFFFF  }
0xc2: {  	_ =	task.clear_ibuf [dreg:s7], $0x2FFFF;
	_ =	strace $0x9FFFFFFF  }
0xc3: {  	(tm) =	ssettm $0x7FFFFFFF  }
tec
execute0_lowered:
.L_overlay_start_1:
0x0: {  	(tag) =	ssettag $0x1  }
0x1: {  	s6 =	rddreg [dreg:$0x0]  }
0x2: {  	s2 =	rddreg [dreg:$0x1]  }
0x3: {  	s0 =	srdreg.scid;
	s3 =	rddreg [dreg:$0x2];
	s4 =	simm.s32 $0x0  }
0x4: {  	s13 =	simm.s32 $0x20;
	s5 =	sand.u32 $0x1, s0;
	s0 =	stileid.u32  }
0x5: {  	s14 =	simm.s32 $0x10;
	s15 =	simm.s32 $0x0;
	s8 =	smul.u32 $0x280, s0  }
0x6: {  	[smem:$0x7FF] =	sst s4;
	s1 =	sshll.u32 s5, $0x4;
	s9 =	smul.u32 $0x500, s0  }
0x7: {  	s10 =	sshll.u32 s5, $0x7;
	s5 =	ssub.s32 $0x2, s5;
	s1 =	sor.u32 s0, s1  }
0x8: {  	s31 =	sshll.u32 s0, $0x6;
	s30 =	sshrl.u32 s5, $0x1;
	s7 =	smul.u32 $0x280, s1  }
0x9: {  	s1 =	rddreg [dreg:$0x3];
	_ =	strace $0x80000047;
	s11 =	sshrl.u32 s8, $0x3  }
0xa: {  	s9 =	sor.u32 s10, s9;
	s12 =	sadd.s32 s8, s3;
	s29 =	sadd.s32 s11, s6  }
0xb: {  	s9 =	sshrl.u32 s9, $0x3;
	s11 =	ssub.s32 s5, s30;
	s10 =	sshrl.u32 s12, $0x3  }
0xc: {  	s12 =	simm.s32 $0x80;
	s7 =	sadd.s32 s7, s6;
	s9 =	sadd.s32 s9, s6  }
0xd: {  	s5 =	sadd.s32 $0xB200, s29;
	s6 =	sor.u32 $0x1C01, s31;
	s7 =	sadd.s32 $0x6200, s7  }
0xe: {  	s8 =	sadd.s32 $0xB800, s9;
	s9 =	smax.u32 s11, $0x1;
	s11 =	simm.s32 $0x1  }
.LBB2_1:
0xf: {  	[spmem:s10], [sflag:s6] =	dma.local [hbm:s5], $0x50  }
0x10: {  	_ =	swait.ge [sflag:s11], $0x50  }
0x11: {  	[sflag:s11] =	ssyncset.done $0x0  }
0x12: {  	[sflag:s11] =	ssyncadd.s32 $0xFFFFFFB0  }
0x13: {  	[tilespmem:s4], [sflag:$0x1] =	stream.linear.gather [hbm4b:s2+s4], $0x80, $0x38;
	[tilespmem:$0x1700] =	vst v63  }
0x14: {  	_ =	swait.ge [sflag:s11], $0x80  }
0x15: {  	[sflag:s11] =	ssyncset.done $0x0  }
0x16: {  	[sflag:s11] =	ssyncadd.s32 $0xFFFFFF80  }
0x17: {  	[tilespmem:s12], [sflag:$0x1] =	stream.linear.gather [hbm4b:s7+s4], $0x1400, $0x38;
	[tilespmem:$0x1700] =	vst v63  }
0x18: {  	_ =	swait.ge [sflag:s11], $0x1400  }
0x19: {  	[sflag:s11] =	ssyncset.done $0x0  }
0x1a: {  	[sflag:s11] =	ssyncadd.s32 $0xFFFFEC00  }
0x1b: {  	s16 =	simm.s32 $0x80;
	[bflag:$0x0] =	sbarrier.arrive $0xFFFF  }
0x1c: {  	[spmem:s3] =	stream.indirect.scatter.add.f32 [tilespmem:s4], [sflag:$0x1], $0x1, s16, s12, $0xb8;
	[tilespmem:$0x1700] =	vst v63  }
0x1d: {  	s16 =	simm.s32 $0x200;
	_ =	swait.ge [sflag:s11], $0x80  }
.LBB2_2:
0x1e: {  	s17 =	sshra.s32 s16, $0x2;
	[sflag:s11] =	ssyncset.done $0x0;
	p0 =	sne.s32 s16, $0x4E00  }
.Ltmp0:
0x1f: {  	s17 =	sadd.s32 $0x80, s17;
	[sflag:s11] =	ssyncadd.s32 $0xFFFFFF80;
	(pc) =	sbr.rel @p0 .LBB2_2-.Ltmp0, $3  }
0x20: {  	[spmem:s3] =	stream.indirect.scatter.add.f32 [tilespmem:s4], [sflag:$0x1], $0x1, s17, s12, $0xb8;
	[tilespmem:$0x1700] =	vst v63  }
0x21: {  	s16 =	sadd.s32 $0x200, s16;
	_ =	sdelay $0x1  }
0x22: {  	_ =	swait.ge [sflag:s11], $0x80  }
0x23: {  	[sflag:s11] =	ssyncset.done $0x0;
	s15 =	sadd.s32 $0x1, s15  }
0x24: {  	[sflag:s11] =	ssyncadd.s32 $0xFFFFFF80;
	p0 =	sne.s32 s15, s9  }
.Ltmp1:
0x25: {  	[bflag:$0x0] =	sbarrier.arrive $0xFFFF;
	(pc) =	sbr.rel @p0 .LBB2_1-.Ltmp1, $4  }
0x26: {  	[hbm:s8@s13], [sflag:s6] =	dma.strided [spmem:s10@s14], $0x50, s11, $0x10   }
0x27: {  	_ =	swait.ge [sflag:s11], $0x50  }
0x28: {  	[sflag:s11] =	ssyncset.done $0x0  }
0x29: {  	[sflag:s11] =	ssyncadd.s32 $0xFFFFFFB0  }
0x2a: {  	_ =	sfence.sel $0x180000  }
0x2b: {  	[bflag:$0x0] =	sbarrier.arrive $0xFFFF  }
0x2c: {  	p0 =	sne.s32 s0, $0x0;
	_ =	strace $0x90000047  }
0x2d: {  	s0 =	sadd.s32 @!p0 $0x100000, s1;
	[bflag:$0x2] =	sbarrier.arrive $0xFFFF  }
0x2e: {  	[sflag:s0] =	ssyncadd.tile.s32 @!p0 $0x1;
	_ =	shalt  }
.Lfunc_end2:
_tile_overlayer_lowered:
.L_overlay_start_2:
0x2f: {  	(tag) =	ssettag $0x2  }
0x30: {  	s0 =	rddreg [dreg:$0x0];
	s2 =	stileid.u32  }
0x31: {  	s1 =	rddreg [dreg:$0x1];
	p0 =	sne.s32 s2, $0x0  }
0x32: {  	s3 =	rddreg [dreg:$0x2];
	[bflag:$0x3] =	sbarrier.arrive $0xFFFF;
	s2 =	simm.s32 @!p0 $0x1C01  }
0x33: {  	[timem:s3], [sflag:s2] =	dma.local @!p0 [hbm:s0], s1  }
0x34: {  	s0 =	simm.s32 @!p0 $0x1  }
0x35: {  	_ =	swait.ge @!p0 [sflag:s0], s1  }
0x36: {  	s1 =	ssub.s32 @!p0 $0x0, s1;
	[sflag:s0] =	ssyncset.done @!p0 $0x0  }
0x37: {  	[sflag:s0] =	ssyncadd.s32 @!p0 s1  }
0x38: {  	[bflag:$0x3] =	sbarrier.arrive $0xFFFF  }
0x39: {  	_ =	shalt  }

</sc_bundles>
